<compile_context>
chip_gen: v7x
topology: tpu7x:2x2x1
jax: 0.10.2.dev20260603
libtpu: 0.0.44.dev20260713+nightly
codegen_flags: <defaults>
</compile_context>

<pallas_src>
import jax
import jax.numpy as jnp
from jax import lax
from jax.experimental import pallas as pl
from jax.experimental.pallas import tpu as pltpu
from jax.experimental.pallas import tpu_sc as plsc

_INFO = plsc.get_sparse_core_info()
_NC = _INFO.num_cores
_NS = _INFO.num_subcores
_NW = _NC * _NS
_L = _INFO.num_lanes

_B = 16384
_D = 64
_DC = _D // _L
_BPW = _B // _NW
_HALF = _BPW // 2
_CH = 128
_NCH = _HALF // _CH
_NGRP = _HALF // _L

_V = 1_000_000
_QB = 4096
_GRID = 123
_S = _QB * _GRID
_RMAX = (_V - 1) // _QB


def _tr_body(srcl_ref, srcr_ref, eye_ref, dst_ref):
    dn = (((0,), (0,)), ((), ()))
    tl = jax.lax.dot_general(srcl_ref[...], eye_ref[...], dimension_numbers=dn,
                             preferred_element_type=jnp.float32)
    tr = jax.lax.dot_general(srcr_ref[...], eye_ref[...], dimension_numbers=dn,
                             preferred_element_type=jnp.float32)
    dst_ref[:, 0:_D] = tl
    dst_ref[:, _D:2 * _D] = tr


def _compact(tab_t, eye):
    return pl.pallas_call(
        _tr_body,
        grid=(_GRID,),
        in_specs=[pl.BlockSpec((_D, _QB), lambda i: (0, i)),
                  pl.BlockSpec((_D, _QB),
                               lambda i: (0, jnp.minimum(i + _GRID, _RMAX))),
                  pl.BlockSpec((_D, _D), lambda i: (0, 0))],
        out_specs=pl.BlockSpec((_QB, 2 * _D), lambda i: (i, 0)),
        out_shape=jax.ShapeDtypeStruct((_S, 2 * _D), jnp.float32),
    )(tab_t, tab_t, eye)


def _body(upix_h, ipix_h, uh_h, ih_h, utab_h, itab_h, w_h, b_h, out_h,
          pix_v, hu_v, hi_v, u_rows, i_rows, w_v, b_v, out_v, sem):
    wid = lax.axis_index("s") * _NC + lax.axis_index("c")

    pltpu.sync_copy(w_h, w_v)
    pltpu.sync_copy(b_h, b_v)
    wc = [w_v[c] for c in range(_DC)]
    bvec = b_v[:]

    for half in range(2):
        pltpu.sync_copy(upix_h.at[wid, half], pix_v.at[0])
        pltpu.sync_copy(ipix_h.at[wid, half], pix_v.at[1])
        pltpu.sync_copy(uh_h.at[wid, half], hu_v)
        pltpu.sync_copy(ih_h.at[wid, half], hi_v)
        copies = []
        for j in range(_NCH):
            dst = pl.ds(j * _CH, _CH)
            copies.append(pltpu.async_copy(
                utab_h.at[pix_v.at[0, j]], u_rows.at[dst], sem))
            copies.append(pltpu.async_copy(
                itab_h.at[pix_v.at[1, j]], i_rows.at[dst], sem))
        for c in copies:
            c.wait()

        def group(g, carry):
            base = g * _L
            huv = hu_v[0, pl.ds(base, _L)]
            hiv = hi_v[0, pl.ds(base, _L)]
            acc = bvec
            iota = lax.iota(jnp.int32, _L)
            for r in range(_L):
                row = base + r
                hu = huv[r] * _D
                hi = hiv[r] * _D
                s = None
                for c in range(_DC):
                    u = u_rows[row, pl.ds(hu + c * _L, _L)]
                    v = i_rows[row, pl.ds(hi + c * _L, _L)]
                    t = u * v * wc[c]
                    s = t if s is None else s + t
                tot = jnp.sum(s)
                acc = acc + jnp.where(iota == r, tot,
                                      jnp.zeros((_L,), jnp.float32))
            rating = 1.0 / (1.0 + jnp.exp(-acc))
            out_v[pl.ds(half * _HALF + base, _L)] = rating
            return carry

        lax.fori_loop(0, _NGRP, group, 0)

    pltpu.sync_copy(out_v, out_h.at[wid])


@jax.jit
def _gmf(upix, ipix, uh, ih, utab_t, itab_t, w, b):
    eye = jnp.eye(_D, dtype=jnp.float32)
    utab2 = _compact(utab_t, eye)
    itab2 = _compact(itab_t, eye)
    mesh = plsc.VectorSubcoreMesh(core_axis_name="c", subcore_axis_name="s")
    return pl.kernel(
        _body,
        out_type=jax.ShapeDtypeStruct((_NW, _BPW), jnp.float32),
        mesh=mesh,
        compiler_params=pltpu.CompilerParams(
            needs_layout_passes=False, use_tc_tiling_on_sc=True),
        scratch_types=[
            pltpu.VMEM((2, _NCH, _CH), jnp.int32),
            pltpu.VMEM((1, _HALF), jnp.int32),
            pltpu.VMEM((1, _HALF), jnp.int32),
            pltpu.VMEM((_HALF, 2 * _D), jnp.float32),
            pltpu.VMEM((_HALF, 2 * _D), jnp.float32),
            pltpu.VMEM((_DC, _L), jnp.float32),
            pltpu.VMEM((_L,), jnp.float32),
            pltpu.VMEM((_BPW,), jnp.float32),
            pltpu.SemaphoreType.DMA,
        ],
    )(upix, ipix, uh, ih, utab2, itab2, w, b)


def kernel(user_indices, item_indices, user_table, item_table, affine_w, affine_b):
    ui = user_indices.astype(jnp.int32)
    ii = item_indices.astype(jnp.int32)
    uhf = (ui >= _S).astype(jnp.int32)
    ihf = (ii >= _S).astype(jnp.int32)
    upix = (ui - uhf * _S).reshape(_NW, 2, _NCH, _CH)
    ipix = (ii - ihf * _S).reshape(_NW, 2, _NCH, _CH)
    uh = uhf.reshape(_NW, 2, 1, _HALF)
    ih = ihf.reshape(_NW, 2, 1, _HALF)
    w = affine_w.reshape(_DC, _L)
    b = jnp.broadcast_to(affine_b.reshape(1), (_L,))
    out = _gmf(upix, ipix, uh, ih, user_table.T, item_table.T, w, b)
    return out.reshape(_B, 1)

# --- scband reference (transcript-rebuilt; emitter-appended) ---
"""Pipeline reference for scband-gmf-31215822307393 (READ-ONLY COPY).

The authoritative reference and input builder live on the scoring server;
editing this copy changes nothing except your own understanding.
"""

import jax, jax.numpy as jnp
import numpy as np

NUM_USERS = 1000000
NUM_ITEMS = 1000000
LATENT_DIM = 64
BATCH = 16384

def setup_inputs(seed: int = 0) -> dict:
    key = jax.random.key(seed)
    k1, k2, k3, k4, k5, k6 = jax.random.split(key, 6)
    user_indices = jax.random.randint(k1, (BATCH,), 0, NUM_USERS, dtype=jnp.int64 if jax.config.jax_enable_x64 else jnp.int32)
    item_indices = jax.random.randint(k2, (BATCH,), 0, NUM_ITEMS, dtype=jnp.int64 if jax.config.jax_enable_x64 else jnp.int32)
    user_table = jax.random.normal(k3, (NUM_USERS, LATENT_DIM), dtype=jnp.float32) * 0.01
    item_table = jax.random.normal(k4, (NUM_ITEMS, LATENT_DIM), dtype=jnp.float32) * 0.01
    # nn.Linear(latent_dim, 1): weight [1, latent_dim], bias [1]
    bound = 1.0 / np.sqrt(LATENT_DIM)
    affine_w = jax.random.uniform(k5, (1, LATENT_DIM), dtype=jnp.float32, minval=-bound, maxval=bound)
    affine_b = jax.random.uniform(k6, (1,), dtype=jnp.float32, minval=-bound, maxval=bound)
    return {
        "user_indices": user_indices,
        "item_indices": item_indices,
        "user_table": user_table,
        "item_table": item_table,
        "affine_w": affine_w,
        "affine_b": affine_b,
    }

def reference(user_indices, item_indices, user_table, item_table, affine_w, affine_b):
    user_embedding = jnp.take(user_table, user_indices, axis=0)   # [B, D]
    item_embedding = jnp.take(item_table, item_indices, axis=0)   # [B, D]
    element_product = user_embedding * item_embedding             # [B, D]
    logits = element_product @ affine_w.T + affine_b              # [B, 1]
    rating = jax.nn.sigmoid(logits)
    return rating

if __name__ == "__main__":
    import jax
    _d = setup_inputs()
    print(jax.jit(kernel)(*tuple(_d.values())))

</pallas_src>

<mosaic_0001>
#map = affine_map<(d0, d1) -> (0, 0, 0, 0)>
#map1 = affine_map<(d0, d1) -> (0, 0)>
#map2 = affine_map<(d0, d1) -> (0)>
module attributes {stable_mosaic.version = 14 : i64} {
  func.func @_body(%arg0: i32, %arg1: i32, %arg2: memref<32x2x2x128xi32, #tpu.memory_space<hbm>>, %arg3: memref<32x2x2x128xi32, #tpu.memory_space<hbm>>, %arg4: memref<32x2x1x256xi32, #tpu.memory_space<hbm>>, %arg5: memref<32x2x1x256xi32, #tpu.memory_space<hbm>>, %arg6: memref<503808x128xf32, #tpu.memory_space<hbm>>, %arg7: memref<503808x128xf32, #tpu.memory_space<hbm>>, %arg8: memref<4x16xf32, #tpu.memory_space<hbm>>, %arg9: memref<16xf32, #tpu.memory_space<hbm>>, %arg10: memref<32x512xf32, #tpu.memory_space<hbm>>, %arg11: memref<2x2x128xi32, #tpu.memory_space<vmem>>, %arg12: memref<1x256xi32, #tpu.memory_space<vmem>>, %arg13: memref<1x256xi32, #tpu.memory_space<vmem>>, %arg14: memref<256x128xf32, #tpu.memory_space<vmem>>, %arg15: memref<256x128xf32, #tpu.memory_space<vmem>>, %arg16: memref<4x16xf32, #tpu.memory_space<vmem>>, %arg17: memref<16xf32, #tpu.memory_space<vmem>>, %arg18: memref<512xf32, #tpu.memory_space<vmem>>, %arg19: memref<!tpu.dma_semaphore, #tpu.memory_space<semaphore_mem>>) attributes {dimension_semantics = [#tpu.dimension_semantics<core_parallel>, #tpu.dimension_semantics<subcore_parallel>], iteration_bounds = array<i64: 2, 16>, scalar_prefetch = 0 : i64, scratch_operands = 9 : i64, tpu.core_type = #tpu.core_type<sc_vector_subcore>, window_params = [{transform_indices = #map}, {transform_indices = #map}, {transform_indices = #map}, {transform_indices = #map}, {transform_indices = #map1}, {transform_indices = #map1}, {transform_indices = #map1}, {transform_indices = #map2}, {transform_indices = #map1}]} {
    %mul3A = arith.constant 2 : i32
    %mul3A_0 = arith.muli %arg1, %mul3A : i32
    %add3A = arith.addi %mul3A_0, %arg0 : i32
    "tpu.region"() ({
      %run_scoped3A_214 = tpu.sem_alloc : memref<!tpu.dma_semaphore, #tpu.memory_space<semaphore_mem>>
      tpu.enqueue_dma source(%arg8 : memref<4x16xf32, #tpu.memory_space<hbm>>) target(%arg16 : memref<4x16xf32, #tpu.memory_space<vmem>>) target_semaphore(%run_scoped3A_214 : memref<!tpu.dma_semaphore, #tpu.memory_space<semaphore_mem>>)
      tpu.wait_dma2 semaphore(%run_scoped3A_214 : memref<!tpu.dma_semaphore, #tpu.memory_space<semaphore_mem>>) src(%arg8 : memref<4x16xf32, #tpu.memory_space<hbm>>) dst(%arg16 : memref<4x16xf32, #tpu.memory_space<vmem>>)
      tpu.yield
    }) : () -> ()
    "tpu.region"() ({
      %run_scoped3A_214 = tpu.sem_alloc : memref<!tpu.dma_semaphore, #tpu.memory_space<semaphore_mem>>
      tpu.enqueue_dma source(%arg9 : memref<16xf32, #tpu.memory_space<hbm>>) target(%arg17 : memref<16xf32, #tpu.memory_space<vmem>>) target_semaphore(%run_scoped3A_214 : memref<!tpu.dma_semaphore, #tpu.memory_space<semaphore_mem>>)
      tpu.wait_dma2 semaphore(%run_scoped3A_214 : memref<!tpu.dma_semaphore, #tpu.memory_space<semaphore_mem>>) src(%arg9 : memref<16xf32, #tpu.memory_space<hbm>>) dst(%arg17 : memref<16xf32, #tpu.memory_space<vmem>>)
      tpu.yield
    }) : () -> ()
    %get3A = arith.constant 0 : i32
    %get3A_1 = arith.index_cast %get3A : i32 to index
    %get3A_2 = arith.constant 0 : index
    %get3A_3 = tpu.vector_load %arg16[%get3A_1, %get3A_2] {strides = array<i32>} : memref<4x16xf32, #tpu.memory_space<vmem>>, vector<16xf32>,
    %get3A_4 = arith.constant 1 : i32
    %get3A_5 = arith.index_cast %get3A_4 : i32 to index
    %get3A_6 = arith.constant 0 : index
    %get3A_7 = tpu.vector_load %arg16[%get3A_5, %get3A_6] {strides = array<i32>} : memref<4x16xf32, #tpu.memory_space<vmem>>, vector<16xf32>,
    %get3A_8 = arith.constant 2 : i32
    %get3A_9 = arith.index_cast %get3A_8 : i32 to index
    %get3A_10 = arith.constant 0 : index
    %get3A_11 = tpu.vector_load %arg16[%get3A_9, %get3A_10] {strides = array<i32>} : memref<4x16xf32, #tpu.memory_space<vmem>>, vector<16xf32>,
    %get3A_12 = arith.constant 3 : i32
    %get3A_13 = arith.index_cast %get3A_12 : i32 to index
    %get3A_14 = arith.constant 0 : index
    %get3A_15 = tpu.vector_load %arg16[%get3A_13, %get3A_14] {strides = array<i32>} : memref<4x16xf32, #tpu.memory_space<vmem>>, vector<16xf32>,
    %get3A_16 = arith.constant 0 : index
    %get3A_17 = tpu.vector_load %arg17[%get3A_16] {strides = array<i32>} : memref<16xf32, #tpu.memory_space<vmem>>, vector<16xf32>,
    %run_scoped3A = arith.constant 0 : i32
    %run_scoped3A_18 = arith.constant 0 : i32
    "tpu.region"() ({
      %run_scoped3A_214 = tpu.sem_alloc : memref<!tpu.dma_semaphore, #tpu.memory_space<semaphore_mem>>
      %dma_start3A_215 = arith.constant 0 : i32
      %dma_start3A_216 = arith.constant 0 : i32
      %dma_start3A_217 = tpu.memref_slice %arg11[%run_scoped3A_18, %dma_start3A_215, %dma_start3A_216] : memref<2x2x128xi32, #tpu.memory_space<vmem>> -> memref<1x2x128xi32, #tpu.memory_space<vmem>>
      %dma_start3A_218 = tpu.memref_squeeze %dma_start3A_217 : memref<1x2x128xi32, #tpu.memory_space<vmem>> -> memref<2x128xi32, #tpu.memory_space<vmem>>
      %dma_start3A_219 = arith.constant 0 : i32
      %dma_start3A_220 = arith.constant 0 : i32
      %dma_start3A_221 = tpu.memref_slice %arg2[%add3A, %run_scoped3A, %dma_start3A_219, %dma_start3A_220] : memref<32x2x2x128xi32, #tpu.memory_space<hbm>> -> memref<1x1x2x128xi32, #tpu.memory_space<hbm>>
      %dma_start3A_222 = tpu.memref_squeeze %dma_start3A_221 : memref<1x1x2x128xi32, #tpu.memory_space<hbm>> -> memref<2x128xi32, #tpu.memory_space<hbm>>
      %dma_start3A_223 = arith.constant 0 : i32
      %dma_start3A_224 = arith.constant 0 : i32
      %dma_start3A_225 = tpu.memref_slice %arg11[%run_scoped3A_18, %dma_start3A_223, %dma_start3A_224] : memref<2x2x128xi32, #tpu.memory_space<vmem>> -> memref<1x2x128xi32, #tpu.memory_space<vmem>>
      %dma_start3A_226 = tpu.memref_squeeze %dma_start3A_225 : memref<1x2x128xi32, #tpu.memory_space<vmem>> -> memref<2x128xi32, #tpu.memory_space<vmem>>
      %dma_start3A_227 = arith.constant 0 : i32
      %dma_start3A_228 = arith.constant 0 : i32
      %dma_start3A_229 = tpu.memref_slice %arg2[%add3A, %run_scoped3A, %dma_start3A_227, %dma_start3A_228] : memref<32x2x2x128xi32, #tpu.memory_space<hbm>> -> memref<1x1x2x128xi32, #tpu.memory_space<hbm>>
      %dma_start3A_230 = tpu.memref_squeeze %dma_start3A_229 : memref<1x1x2x128xi32, #tpu.memory_space<hbm>> -> memref<2x128xi32, #tpu.memory_space<hbm>>
      tpu.enqueue_dma source(%dma_start3A_230 : memref<2x128xi32, #tpu.memory_space<hbm>>) target(%dma_start3A_226 : memref<2x128xi32, #tpu.memory_space<vmem>>) target_semaphore(%run_scoped3A_214 : memref<!tpu.dma_semaphore, #tpu.memory_space<semaphore_mem>>)
      %dma_wait3A_231 = arith.constant 0 : i32
      %dma_wait3A_232 = arith.constant 0 : i32
      %dma_wait3A_233 = tpu.memref_slice %arg11[%run_scoped3A_18, %dma_wait3A_231, %dma_wait3A_232] : memref<2x2x128xi32, #tpu.memory_space<vmem>> -> memref<1x2x128xi32, #tpu.memory_space<vmem>>
      %dma_wait3A_234 = tpu.memref_squeeze %dma_wait3A_233 : memref<1x2x128xi32, #tpu.memory_space<vmem>> -> memref<2x128xi32, #tpu.memory_space<vmem>>
      %dma_wait3A_235 = arith.constant 0 : i32
      %dma_wait3A_236 = arith.constant 0 : i32
      %dma_wait3A_237 = tpu.memref_slice %arg2[%add3A, %run_scoped3A, %dma_wait3A_235, %dma_wait3A_236] : memref<32x2x2x128xi32, #tpu.memory_space<hbm>> -> memref<1x1x2x128xi32, #tpu.memory_space<hbm>>
      %dma_wait3A_238 = tpu.memref_squeeze %dma_wait3A_237 : memref<1x1x2x128xi32, #tpu.memory_space<hbm>> -> memref<2x128xi32, #tpu.memory_space<hbm>>
      %dma_wait3A_239 = arith.constant 0 : i32
      %dma_wait3A_240 = arith.constant 0 : i32
      %dma_wait3A_241 = tpu.memref_slice %arg11[%run_scoped3A_18, %dma_wait3A_239, %dma_wait3A_240] : memref<2x2x128xi32, #tpu.memory_space<vmem>> -> memref<1x2x128xi32, #tpu.memory_space<vmem>>
      %dma_wait3A_242 = tpu.memref_squeeze %dma_wait3A_241 : memref<1x2x128xi32, #tpu.memory_space<vmem>> -> memref<2x128xi32, #tpu.memory_space<vmem>>
      %dma_wait3A_243 = arith.constant 0 : i32
      %dma_wait3A_244 = arith.constant 0 : i32
      %dma_wait3A_245 = tpu.memref_slice %arg2[%add3A, %run_scoped3A, %dma_wait3A_243, %dma_wait3A_244] : memref<32x2x2x128xi32, #tpu.memory_space<hbm>> -> memref<1x1x2x128xi32, #tpu.memory_space<hbm>>
      %dma_wait3A_246 = tpu.memref_squeeze %dma_wait3A_245 : memref<1x1x2x128xi32, #tpu.memory_space<hbm>> -> memref<2x128xi32, #tpu.memory_space<hbm>>
      tpu.wait_dma2 semaphore(%run_scoped3A_214 : memref<!tpu.dma_semaphore, #tpu.memory_space<semaphore_mem>>) src(%dma_wait3A_246 : memref<2x128xi32, #tpu.memory_space<hbm>>) dst(%dma_wait3A_242 : memref<2x128xi32, #tpu.memory_space<vmem>>)
      tpu.yield
    }) : () -> ()
    %run_scoped3A_19 = arith.constant 0 : i32
    %run_scoped3A_20 = arith.constant 1 : i32
    "tpu.region"() ({
      %run_scoped3A_214 = tpu.sem_alloc : memref<!tpu.dma_semaphore, #tpu.memory_space<semaphore_mem>>
      %dma_start3A_215 = arith.constant 0 : i32
      %dma_start3A_216 = arith.constant 0 : i32
      %dma_start3A_217 = tpu.memref_slice %arg11[%run_scoped3A_20, %dma_start3A_215, %dma_start3A_216] : memref<2x2x128xi32, #tpu.memory_space<vmem>> -> memref<1x2x128xi32, #tpu.memory_space<vmem>>
      %dma_start3A_218 = tpu.memref_squeeze %dma_start3A_217 : memref<1x2x128xi32, #tpu.memory_space<vmem>> -> memref<2x128xi32, #tpu.memory_space<vmem>>
      %dma_start3A_219 = arith.constant 0 : i32
      %dma_start3A_220 = arith.constant 0 : i32
      %dma_start3A_221 = tpu.memref_slice %arg3[%add3A, %run_scoped3A_19, %dma_start3A_219, %dma_start3A_220] : memref<32x2x2x128xi32, #tpu.memory_space<hbm>> -> memref<1x1x2x128xi32, #tpu.memory_space<hbm>>
      %dma_start3A_222 = tpu.memref_squeeze %dma_start3A_221 : memref<1x1x2x128xi32, #tpu.memory_space<hbm>> -> memref<2x128xi32, #tpu.memory_space<hbm>>
      %dma_start3A_223 = arith.constant 0 : i32
      %dma_start3A_224 = arith.constant 0 : i32
      %dma_start3A_225 = tpu.memref_slice %arg11[%run_scoped3A_20, %dma_start3A_223, %dma_start3A_224] : memref<2x2x128xi32, #tpu.memory_space<vmem>> -> memref<1x2x128xi32, #tpu.memory_space<vmem>>
      %dma_start3A_226 = tpu.memref_squeeze %dma_start3A_225 : memref<1x2x128xi32, #tpu.memory_space<vmem>> -> memref<2x128xi32, #tpu.memory_space<vmem>>
      %dma_start3A_227 = arith.constant 0 : i32
      %dma_start3A_228 = arith.constant 0 : i32
      %dma_start3A_229 = tpu.memref_slice %arg3[%add3A, %run_scoped3A_19, %dma_start3A_227, %dma_start3A_228] : memref<32x2x2x128xi32, #tpu.memory_space<hbm>> -> memref<1x1x2x128xi32, #tpu.memory_space<hbm>>
      %dma_start3A_230 = tpu.memref_squeeze %dma_start3A_229 : memref<1x1x2x128xi32, #tpu.memory_space<hbm>> -> memref<2x128xi32, #tpu.memory_space<hbm>>
      tpu.enqueue_dma source(%dma_start3A_230 : memref<2x128xi32, #tpu.memory_space<hbm>>) target(%dma_start3A_226 : memref<2x128xi32, #tpu.memory_space<vmem>>) target_semaphore(%run_scoped3A_214 : memref<!tpu.dma_semaphore, #tpu.memory_space<semaphore_mem>>)
      %dma_wait3A_231 = arith.constant 0 : i32
      %dma_wait3A_232 = arith.constant 0 : i32
      %dma_wait3A_233 = tpu.memref_slice %arg11[%run_scoped3A_20, %dma_wait3A_231, %dma_wait3A_232] : memref<2x2x128xi32, #tpu.memory_space<vmem>> -> memref<1x2x128xi32, #tpu.memory_space<vmem>>
      %dma_wait3A_234 = tpu.memref_squeeze %dma_wait3A_233 : memref<1x2x128xi32, #tpu.memory_space<vmem>> -> memref<2x128xi32, #tpu.memory_space<vmem>>
      %dma_wait3A_235 = arith.constant 0 : i32
      %dma_wait3A_236 = arith.constant 0 : i32
      %dma_wait3A_237 = tpu.memref_slice %arg3[%add3A, %run_scoped3A_19, %dma_wait3A_235, %dma_wait3A_236] : memref<32x2x2x128xi32, #tpu.memory_space<hbm>> -> memref<1x1x2x128xi32, #tpu.memory_space<hbm>>
      %dma_wait3A_238 = tpu.memref_squeeze %dma_wait3A_237 : memref<1x1x2x128xi32, #tpu.memory_space<hbm>> -> memref<2x128xi32, #tpu.memory_space<hbm>>
      %dma_wait3A_239 = arith.constant 0 : i32
      %dma_wait3A_240 = arith.constant 0 : i32
      %dma_wait3A_241 = tpu.memref_slice %arg11[%run_scoped3A_20, %dma_wait3A_239, %dma_wait3A_240] : memref<2x2x128xi32, #tpu.memory_space<vmem>> -> memref<1x2x128xi32, #tpu.memory_space<vmem>>
      %dma_wait3A_242 = tpu.memref_squeeze %dma_wait3A_241 : memref<1x2x128xi32, #tpu.memory_space<vmem>> -> memref<2x128xi32, #tpu.memory_space<vmem>>
      %dma_wait3A_243 = arith.constant 0 : i32
      %dma_wait3A_244 = arith.constant 0 : i32
      %dma_wait3A_245 = tpu.memref_slice %arg3[%add3A, %run_scoped3A_19, %dma_wait3A_243, %dma_wait3A_244] : memref<32x2x2x128xi32, #tpu.memory_space<hbm>> -> memref<1x1x2x128xi32, #tpu.memory_space<hbm>>
      %dma_wait3A_246 = tpu.memref_squeeze %dma_wait3A_245 : memref<1x1x2x128xi32, #tpu.memory_space<hbm>> -> memref<2x128xi32, #tpu.memory_space<hbm>>
      tpu.wait_dma2 semaphore(%run_scoped3A_214 : memref<!tpu.dma_semaphore, #tpu.memory_space<semaphore_mem>>) src(%dma_wait3A_246 : memref<2x128xi32, #tpu.memory_space<hbm>>) dst(%dma_wait3A_242 : memref<2x128xi32, #tpu.memory_space<vmem>>)
      tpu.yield
    }) : () -> ()
    %run_scoped3A_21 = arith.constant 0 : i32
    "tpu.region"() ({
      %run_scoped3A_214 = tpu.sem_alloc : memref<!tpu.dma_semaphore, #tpu.memory_space<semaphore_mem>>
      %dma_start3A_215 = arith.constant 0 : i32
      %dma_start3A_216 = arith.constant 0 : i32
      %dma_start3A_217 = tpu.memref_slice %arg4[%add3A, %run_scoped3A_21, %dma_start3A_215, %dma_start3A_216] : memref<32x2x1x256xi32, #tpu.memory_space<hbm>> -> memref<1x1x1x256xi32, #tpu.memory_space<hbm>>
      %dma_start3A_218 = tpu.memref_squeeze %dma_start3A_217 : memref<1x1x1x256xi32, #tpu.memory_space<hbm>> -> memref<1x256xi32, #tpu.memory_space<hbm>>
      %dma_start3A_219 = arith.constant 0 : i32
      %dma_start3A_220 = arith.constant 0 : i32
      %dma_start3A_221 = tpu.memref_slice %arg4[%add3A, %run_scoped3A_21, %dma_start3A_219, %dma_start3A_220] : memref<32x2x1x256xi32, #tpu.memory_space<hbm>> -> memref<1x1x1x256xi32, #tpu.memory_space<hbm>>
      %dma_start3A_222 = tpu.memref_squeeze %dma_start3A_221 : memref<1x1x1x256xi32, #tpu.memory_space<hbm>> -> memref<1x256xi32, #tpu.memory_space<hbm>>
      tpu.enqueue_dma source(%dma_start3A_222 : memref<1x256xi32, #tpu.memory_space<hbm>>) target(%arg12 : memref<1x256xi32, #tpu.memory_space<vmem>>) target_semaphore(%run_scoped3A_214 : memref<!tpu.dma_semaphore, #tpu.memory_space<semaphore_mem>>)
      %dma_wait3A_223 = arith.constant 0 : i32
      %dma_wait3A_224 = arith.constant 0 : i32
      %dma_wait3A_225 = tpu.memref_slice %arg4[%add3A, %run_scoped3A_21, %dma_wait3A_223, %dma_wait3A_224] : memref<32x2x1x256xi32, #tpu.memory_space<hbm>> -> memref<1x1x1x256xi32, #tpu.memory_space<hbm>>
      %dma_wait3A_226 = tpu.memref_squeeze %dma_wait3A_225 : memref<1x1x1x256xi32, #tpu.memory_space<hbm>> -> memref<1x256xi32, #tpu.memory_space<hbm>>
      %dma_wait3A_227 = arith.constant 0 : i32
      %dma_wait3A_228 = arith.constant 0 : i32
      %dma_wait3A_229 = tpu.memref_slice %arg4[%add3A, %run_scoped3A_21, %dma_wait3A_227, %dma_wait3A_228] : memref<32x2x1x256xi32, #tpu.memory_space<hbm>> -> memref<1x1x1x256xi32, #tpu.memory_space<hbm>>
      %dma_wait3A_230 = tpu.memref_squeeze %dma_wait3A_229 : memref<1x1x1x256xi32, #tpu.memory_space<hbm>> -> memref<1x256xi32, #tpu.memory_space<hbm>>
      tpu.wait_dma2 semaphore(%run_scoped3A_214 : memref<!tpu.dma_semaphore, #tpu.memory_space<semaphore_mem>>) src(%dma_wait3A_230 : memref<1x256xi32, #tpu.memory_space<hbm>>) dst(%arg12 : memref<1x256xi32, #tpu.memory_space<vmem>>)
      tpu.yield
    }) : () -> ()
    %run_scoped3A_22 = arith.constant 0 : i32
    "tpu.region"() ({
      %run_scoped3A_214 = tpu.sem_alloc : memref<!tpu.dma_semaphore, #tpu.memory_space<semaphore_mem>>
      %dma_start3A_215 = arith.constant 0 : i32
      %dma_start3A_216 = arith.constant 0 : i32
      %dma_start3A_217 = tpu.memref_slice %arg5[%add3A, %run_scoped3A_22, %dma_start3A_215, %dma_start3A_216] : memref<32x2x1x256xi32, #tpu.memory_space<hbm>> -> memref<1x1x1x256xi32, #tpu.memory_space<hbm>>
      %dma_start3A_218 = tpu.memref_squeeze %dma_start3A_217 : memref<1x1x1x256xi32, #tpu.memory_space<hbm>> -> memref<1x256xi32, #tpu.memory_space<hbm>>
      %dma_start3A_219 = arith.constant 0 : i32
      %dma_start3A_220 = arith.constant 0 : i32
      %dma_start3A_221 = tpu.memref_slice %arg5[%add3A, %run_scoped3A_22, %dma_start3A_219, %dma_start3A_220] : memref<32x2x1x256xi32, #tpu.memory_space<hbm>> -> memref<1x1x1x256xi32, #tpu.memory_space<hbm>>
      %dma_start3A_222 = tpu.memref_squeeze %dma_start3A_221 : memref<1x1x1x256xi32, #tpu.memory_space<hbm>> -> memref<1x256xi32, #tpu.memory_space<hbm>>
      tpu.enqueue_dma source(%dma_start3A_222 : memref<1x256xi32, #tpu.memory_space<hbm>>) target(%arg13 : memref<1x256xi32, #tpu.memory_space<vmem>>) target_semaphore(%run_scoped3A_214 : memref<!tpu.dma_semaphore, #tpu.memory_space<semaphore_mem>>)
      %dma_wait3A_223 = arith.constant 0 : i32
      %dma_wait3A_224 = arith.constant 0 : i32
      %dma_wait3A_225 = tpu.memref_slice %arg5[%add3A, %run_scoped3A_22, %dma_wait3A_223, %dma_wait3A_224] : memref<32x2x1x256xi32, #tpu.memory_space<hbm>> -> memref<1x1x1x256xi32, #tpu.memory_space<hbm>>
      %dma_wait3A_226 = tpu.memref_squeeze %dma_wait3A_225 : memref<1x1x1x256xi32, #tpu.memory_space<hbm>> -> memref<1x256xi32, #tpu.memory_space<hbm>>
      %dma_wait3A_227 = arith.constant 0 : i32
      %dma_wait3A_228 = arith.constant 0 : i32
      %dma_wait3A_229 = tpu.memref_slice %arg5[%add3A, %run_scoped3A_22, %dma_wait3A_227, %dma_wait3A_228] : memref<32x2x1x256xi32, #tpu.memory_space<hbm>> -> memref<1x1x1x256xi32, #tpu.memory_space<hbm>>
      %dma_wait3A_230 = tpu.memref_squeeze %dma_wait3A_229 : memref<1x1x1x256xi32, #tpu.memory_space<hbm>> -> memref<1x256xi32, #tpu.memory_space<hbm>>
      tpu.wait_dma2 semaphore(%run_scoped3A_214 : memref<!tpu.dma_semaphore, #tpu.memory_space<semaphore_mem>>) src(%dma_wait3A_230 : memref<1x256xi32, #tpu.memory_space<hbm>>) dst(%arg13 : memref<1x256xi32, #tpu.memory_space<vmem>>)
      tpu.yield
    }) : () -> ()
    %dma_start3A = arith.constant 0 : i32
    %dma_start3A_23 = arith.constant 0 : i32
    %dma_start3A_24 = arith.constant 0 : i32
    %dma_start3A_25 = arith.constant 0 : i32
    %dma_start3A_26 = tpu.memref_slice %arg14[%dma_start3A_24, %dma_start3A_25] : memref<256x128xf32, #tpu.memory_space<vmem>> -> memref<128x128xf32, #tpu.memory_space<vmem>>
    %dma_start3A_27 = arith.constant 0 : i32
    %dma_start3A_28 = tpu.memref_slice %arg11[%dma_start3A, %dma_start3A_23, %dma_start3A_27] : memref<2x2x128xi32, #tpu.memory_space<vmem>> -> memref<1x1x128xi32, #tpu.memory_space<vmem>>
    %dma_start3A_29 = tpu.memref_squeeze %dma_start3A_28 : memref<1x1x128xi32, #tpu.memory_space<vmem>> -> memref<128xi32, #tpu.memory_space<vmem>>
    %dma_start3A_30 = arith.constant 0 : i32
    %dma_start3A_31 = arith.constant 0 : i32
    %dma_start3A_32 = tpu.memref_slice %arg6[%dma_start3A_30, %dma_start3A_31] : memref<503808x128xf32, #tpu.memory_space<hbm>> -> memref<503808x128xf32, #tpu.memory_space<hbm>>
    tpu.enqueue_indirect_dma source(%dma_start3A_32 : memref<503808x128xf32, #tpu.memory_space<hbm>>) target(%dma_start3A_26 : memref<128x128xf32, #tpu.memory_space<vmem>>) offsets(%dma_start3A_29 : memref<128xi32, #tpu.memory_space<vmem>>) semaphore(%arg19 : memref<!tpu.dma_semaphore, #tpu.memory_space<semaphore_mem>>)
    %dma_start3A_33 = arith.constant 1 : i32
    %dma_start3A_34 = arith.constant 0 : i32
    %dma_start3A_35 = arith.constant 0 : i32
    %dma_start3A_36 = arith.constant 0 : i32
    %dma_start3A_37 = tpu.memref_slice %arg15[%dma_start3A_35, %dma_start3A_36] : memref<256x128xf32, #tpu.memory_space<vmem>> -> memref<128x128xf32, #tpu.memory_space<vmem>>
    %dma_start3A_38 = arith.constant 0 : i32
    %dma_start3A_39 = tpu.memref_slice %arg11[%dma_start3A_33, %dma_start3A_34, %dma_start3A_38] : memref<2x2x128xi32, #tpu.memory_space<vmem>> -> memref<1x1x128xi32, #tpu.memory_space<vmem>>
    %dma_start3A_40 = tpu.memref_squeeze %dma_start3A_39 : memref<1x1x128xi32, #tpu.memory_space<vmem>> -> memref<128xi32, #tpu.memory_space<vmem>>
    %dma_start3A_41 = arith.constant 0 : i32
    %dma_start3A_42 = arith.constant 0 : i32
    %dma_start3A_43 = tpu.memref_slice %arg7[%dma_start3A_41, %dma_start3A_42] : memref<503808x128xf32, #tpu.memory_space<hbm>> -> memref<503808x128xf32, #tpu.memory_space<hbm>>
    tpu.enqueue_indirect_dma source(%dma_start3A_43 : memref<503808x128xf32, #tpu.memory_space<hbm>>) target(%dma_start3A_37 : memref<128x128xf32, #tpu.memory_space<vmem>>) offsets(%dma_start3A_40 : memref<128xi32, #tpu.memory_space<vmem>>) semaphore(%arg19 : memref<!tpu.dma_semaphore, #tpu.memory_space<semaphore_mem>>)
    %dma_start3A_44 = arith.constant 0 : i32
    %dma_start3A_45 = arith.constant 1 : i32
    %dma_start3A_46 = arith.constant 128 : i32
    %dma_start3A_47 = arith.constant 0 : i32
    %dma_start3A_48 = tpu.memref_slice %arg14[%dma_start3A_46, %dma_start3A_47] : memref<256x128xf32, #tpu.memory_space<vmem>> -> memref<128x128xf32, #tpu.memory_space<vmem>>
    %dma_start3A_49 = arith.constant 0 : i32
    %dma_start3A_50 = tpu.memref_slice %arg11[%dma_start3A_44, %dma_start3A_45, %dma_start3A_49] : memref<2x2x128xi32, #tpu.memory_space<vmem>> -> memref<1x1x128xi32, #tpu.memory_space<vmem>>
    %dma_start3A_51 = tpu.memref_squeeze %dma_start3A_50 : memref<1x1x128xi32, #tpu.memory_space<vmem>> -> memref<128xi32, #tpu.memory_space<vmem>>
    %dma_start3A_52 = arith.constant 0 : i32
    %dma_start3A_53 = arith.constant 0 : i32
    %dma_start3A_54 = tpu.memref_slice %arg6[%dma_start3A_52, %dma_start3A_53] : memref<503808x128xf32, #tpu.memory_space<hbm>> -> memref<503808x128xf32, #tpu.memory_space<hbm>>
    tpu.enqueue_indirect_dma source(%dma_start3A_54 : memref<503808x128xf32, #tpu.memory_space<hbm>>) target(%dma_start3A_48 : memref<128x128xf32, #tpu.memory_space<vmem>>) offsets(%dma_start3A_51 : memref<128xi32, #tpu.memory_space<vmem>>) semaphore(%arg19 : memref<!tpu.dma_semaphore, #tpu.memory_space<semaphore_mem>>)
    %dma_start3A_55 = arith.constant 1 : i32
    %dma_start3A_56 = arith.constant 1 : i32
    %dma_start3A_57 = arith.constant 128 : i32
    %dma_start3A_58 = arith.constant 0 : i32
    %dma_start3A_59 = tpu.memref_slice %arg15[%dma_start3A_57, %dma_start3A_58] : memref<256x128xf32, #tpu.memory_space<vmem>> -> memref<128x128xf32, #tpu.memory_space<vmem>>
    %dma_start3A_60 = arith.constant 0 : i32
    %dma_start3A_61 = tpu.memref_slice %arg11[%dma_start3A_55, %dma_start3A_56, %dma_start3A_60] : memref<2x2x128xi32, #tpu.memory_space<vmem>> -> memref<1x1x128xi32, #tpu.memory_space<vmem>>
    %dma_start3A_62 = tpu.memref_squeeze %dma_start3A_61 : memref<1x1x128xi32, #tpu.memory_space<vmem>> -> memref<128xi32, #tpu.memory_space<vmem>>
    %dma_start3A_63 = arith.constant 0 : i32
    %dma_start3A_64 = arith.constant 0 : i32
    %dma_start3A_65 = tpu.memref_slice %arg7[%dma_start3A_63, %dma_start3A_64] : memref<503808x128xf32, #tpu.memory_space<hbm>> -> memref<503808x128xf32, #tpu.memory_space<hbm>>
    tpu.enqueue_indirect_dma source(%dma_start3A_65 : memref<503808x128xf32, #tpu.memory_space<hbm>>) target(%dma_start3A_59 : memref<128x128xf32, #tpu.memory_space<vmem>>) offsets(%dma_start3A_62 : memref<128xi32, #tpu.memory_space<vmem>>) semaphore(%arg19 : memref<!tpu.dma_semaphore, #tpu.memory_space<semaphore_mem>>)
    %dma_wait3A = arith.constant 0 : i32
    %dma_wait3A_66 = arith.constant 0 : i32
    %dma_wait3A_67 = arith.constant 0 : i32
    %dma_wait3A_68 = arith.constant 0 : i32
    %dma_wait3A_69 = tpu.memref_slice %arg14[%dma_wait3A_67, %dma_wait3A_68] : memref<256x128xf32, #tpu.memory_space<vmem>> -> memref<128x128xf32, #tpu.memory_space<vmem>>
    %dma_wait3A_70 = arith.constant 0 : i32
    %dma_wait3A_71 = tpu.memref_slice %arg11[%dma_wait3A, %dma_wait3A_66, %dma_wait3A_70] : memref<2x2x128xi32, #tpu.memory_space<vmem>> -> memref<1x1x128xi32, #tpu.memory_space<vmem>>
    %dma_wait3A_72 = tpu.memref_squeeze %dma_wait3A_71 : memref<1x1x128xi32, #tpu.memory_space<vmem>> -> memref<128xi32, #tpu.memory_space<vmem>>
    %dma_wait3A_73 = arith.constant 0 : i32
    %dma_wait3A_74 = arith.constant 0 : i32
    %dma_wait3A_75 = tpu.memref_slice %arg6[%dma_wait3A_73, %dma_wait3A_74] : memref<503808x128xf32, #tpu.memory_space<hbm>> -> memref<503808x128xf32, #tpu.memory_space<hbm>>
    tpu.wait_indirect_dma semaphore(%arg19 : memref<!tpu.dma_semaphore, #tpu.memory_space<semaphore_mem>>) src(%dma_wait3A_75 : memref<503808x128xf32, #tpu.memory_space<hbm>>) dst(%dma_wait3A_69 : memref<128x128xf32, #tpu.memory_space<vmem>>)
    %dma_wait3A_76 = arith.constant 1 : i32
    %dma_wait3A_77 = arith.constant 0 : i32
    %dma_wait3A_78 = arith.constant 0 : i32
    %dma_wait3A_79 = arith.constant 0 : i32
    %dma_wait3A_80 = tpu.memref_slice %arg15[%dma_wait3A_78, %dma_wait3A_79] : memref<256x128xf32, #tpu.memory_space<vmem>> -> memref<128x128xf32, #tpu.memory_space<vmem>>
    %dma_wait3A_81 = arith.constant 0 : i32
    %dma_wait3A_82 = tpu.memref_slice %arg11[%dma_wait3A_76, %dma_wait3A_77, %dma_wait3A_81] : memref<2x2x128xi32, #tpu.memory_space<vmem>> -> memref<1x1x128xi32, #tpu.memory_space<vmem>>
    %dma_wait3A_83 = tpu.memref_squeeze %dma_wait3A_82 : memref<1x1x128xi32, #tpu.memory_space<vmem>> -> memref<128xi32, #tpu.memory_space<vmem>>
    %dma_wait3A_84 = arith.constant 0 : i32
    %dma_wait3A_85 = arith.constant 0 : i32
    %dma_wait3A_86 = tpu.memref_slice %arg7[%dma_wait3A_84, %dma_wait3A_85] : memref<503808x128xf32, #tpu.memory_space<hbm>> -> memref<503808x128xf32, #tpu.memory_space<hbm>>
    tpu.wait_indirect_dma semaphore(%arg19 : memref<!tpu.dma_semaphore, #tpu.memory_space<semaphore_mem>>) src(%dma_wait3A_86 : memref<503808x128xf32, #tpu.memory_space<hbm>>) dst(%dma_wait3A_80 : memref<128x128xf32, #tpu.memory_space<vmem>>)
    %dma_wait3A_87 = arith.constant 0 : i32
    %dma_wait3A_88 = arith.constant 1 : i32
    %dma_wait3A_89 = arith.constant 128 : i32
    %dma_wait3A_90 = arith.constant 0 : i32
    %dma_wait3A_91 = tpu.memref_slice %arg14[%dma_wait3A_89, %dma_wait3A_90] : memref<256x128xf32, #tpu.memory_space<vmem>> -> memref<128x128xf32, #tpu.memory_space<vmem>>
    %dma_wait3A_92 = arith.constant 0 : i32
    %dma_wait3A_93 = tpu.memref_slice %arg11[%dma_wait3A_87, %dma_wait3A_88, %dma_wait3A_92] : memref<2x2x128xi32, #tpu.memory_space<vmem>> -> memref<1x1x128xi32, #tpu.memory_space<vmem>>
    %dma_wait3A_94 = tpu.memref_squeeze %dma_wait3A_93 : memref<1x1x128xi32, #tpu.memory_space<vmem>> -> memref<128xi32, #tpu.memory_space<vmem>>
    %dma_wait3A_95 = arith.constant 0 : i32
    %dma_wait3A_96 = arith.constant 0 : i32
    %dma_wait3A_97 = tpu.memref_slice %arg6[%dma_wait3A_95, %dma_wait3A_96] : memref<503808x128xf32, #tpu.memory_space<hbm>> -> memref<503808x128xf32, #tpu.memory_space<hbm>>
    tpu.wait_indirect_dma semaphore(%arg19 : memref<!tpu.dma_semaphore, #tpu.memory_space<semaphore_mem>>) src(%dma_wait3A_97 : memref<503808x128xf32, #tpu.memory_space<hbm>>) dst(%dma_wait3A_91 : memref<128x128xf32, #tpu.memory_space<vmem>>)
    %dma_wait3A_98 = arith.constant 1 : i32
    %dma_wait3A_99 = arith.constant 1 : i32
    %dma_wait3A_100 = arith.constant 128 : i32
    %dma_wait3A_101 = arith.constant 0 : i32
    %dma_wait3A_102 = tpu.memref_slice %arg15[%dma_wait3A_100, %dma_wait3A_101] : memref<256x128xf32, #tpu.memory_space<vmem>> -> memref<128x128xf32, #tpu.memory_space<vmem>>
    %dma_wait3A_103 = arith.constant 0 : i32
    %dma_wait3A_104 = tpu.memref_slice %arg11[%dma_wait3A_98, %dma_wait3A_99, %dma_wait3A_103] : memref<2x2x128xi32, #tpu.memory_space<vmem>> -> memref<1x1x128xi32, #tpu.memory_space<vmem>>
    %dma_wait3A_105 = tpu.memref_squeeze %dma_wait3A_104 : memref<1x1x128xi32, #tpu.memory_space<vmem>> -> memref<128xi32, #tpu.memory_space<vmem>>
    %dma_wait3A_106 = arith.constant 0 : i32
    %dma_wait3A_107 = arith.constant 0 : i32
    %dma_wait3A_108 = tpu.memref_slice %arg7[%dma_wait3A_106, %dma_wait3A_107] : memref<503808x128xf32, #tpu.memory_space<hbm>> -> memref<503808x128xf32, #tpu.memory_space<hbm>>
    tpu.wait_indirect_dma semaphore(%arg19 : memref<!tpu.dma_semaphore, #tpu.memory_space<semaphore_mem>>) src(%dma_wait3A_108 : memref<503808x128xf32, #tpu.memory_space<hbm>>) dst(%dma_wait3A_102 : memref<128x128xf32, #tpu.memory_space<vmem>>)
    %scan3A = arith.constant 0 : i32
    %scan3A_109 = arith.constant 0 : i32
    %scan3A_110 = arith.constant 16 : i32
    %scan3A_111 = arith.addi %scan3A_109, %scan3A_110 : i32
    %scan3A_112 = arith.constant 1 : i32
    scf.for %scan3A_214 = %scan3A_109 to %scan3A_111 step %scan3A_112  : i32 {
      %mul3A_215 = arith.constant 16 : i32
      %mul3A_216 = arith.muli %scan3A_214, %mul3A_215 : i32
      %get3A_217 = arith.constant 0 : i32
      %get3A_218 = arith.index_cast %get3A_217 : i32 to index
      %get3A_219 = arith.index_cast %mul3A_216 : i32 to index
      %get3A_220 = tpu.vector_load %arg12[%get3A_218, %get3A_219] {strides = array<i32>} : memref<1x256xi32, #tpu.memory_space<vmem>>, vector<16xi32>,
      %get3A_221 = arith.constant 0 : i32
      %get3A_222 = arith.index_cast %get3A_221 : i32 to index
      %get3A_223 = arith.index_cast %mul3A_216 : i32 to index
      %get3A_224 = tpu.vector_load %arg13[%get3A_222, %get3A_223] {strides = array<i32>} : memref<1x256xi32, #tpu.memory_space<vmem>>, vector<16xi32>,
      %iota3A = tpu.iota {dimensions = array<i32: 0>} : vector<16xi32>
      %add3A_225 = arith.constant 0 : i32
      %add3A_226 = arith.addi %mul3A_216, %add3A_225 : i32
      %slice3A = vector.extract_strided_slice %get3A_220 {offsets = [0], sizes = [1], strides = [1]} : vector<16xi32> to vector<1xi32>
      %squeeze3A = vector.extract %slice3A[0] : i32 from vector<1xi32>
      %mul3A_227 = arith.constant 64 : i32
      %mul3A_228 = arith.muli %squeeze3A, %mul3A_227 : i32
      %slice3A_229 = vector.extract_strided_slice %get3A_224 {offsets = [0], sizes = [1], strides = [1]} : vector<16xi32> to vector<1xi32>
      %squeeze3A_230 = vector.extract %slice3A_229[0] : i32 from vector<1xi32>
      %mul3A_231 = arith.constant 64 : i32
      %mul3A_232 = arith.muli %squeeze3A_230, %mul3A_231 : i32
      %add3A_233 = arith.constant 0 : i32
      %add3A_234 = arith.addi %mul3A_228, %add3A_233 : i32
      %get3A_235 = arith.index_cast %add3A_226 : i32 to index
      %get3A_236 = arith.index_cast %add3A_234 : i32 to index
      %get3A_237 = tpu.vector_load %arg14[%get3A_235, %get3A_236] {strides = array<i32>} : memref<256x128xf32, #tpu.memory_space<vmem>>, vector<16xf32>,
      %add3A_238 = arith.constant 0 : i32
      %add3A_239 = arith.addi %mul3A_232, %add3A_238 : i32
      %get3A_240 = arith.index_cast %add3A_226 : i32 to index
      %get3A_241 = arith.index_cast %add3A_239 : i32 to index
      %get3A_242 = tpu.vector_load %arg15[%get3A_240, %get3A_241] {strides = array<i32>} : memref<256x128xf32, #tpu.memory_space<vmem>>, vector<16xf32>,
      %mul3A_243 = arith.mulf %get3A_237, %get3A_242 : vector<16xf32>
      %mul3A_244 = arith.mulf %mul3A_243, %get3A_3 : vector<16xf32>
      %add3A_245 = arith.constant 16 : i32
      %add3A_246 = arith.addi %mul3A_228, %add3A_245 : i32
      %get3A_247 = arith.index_cast %add3A_226 : i32 to index
      %get3A_248 = arith.index_cast %add3A_246 : i32 to index
      %get3A_249 = tpu.vector_load %arg14[%get3A_247, %get3A_248] {strides = array<i32>} : memref<256x128xf32, #tpu.memory_space<vmem>>, vector<16xf32>,
      %add3A_250 = arith.constant 16 : i32
      %add3A_251 = arith.addi %mul3A_232, %add3A_250 : i32
      %get3A_252 = arith.index_cast %add3A_226 : i32 to index
      %get3A_253 = arith.index_cast %add3A_251 : i32 to index
      %get3A_254 = tpu.vector_load %arg15[%get3A_252, %get3A_253] {strides = array<i32>} : memref<256x128xf32, #tpu.memory_space<vmem>>, vector<16xf32>,
      %mul3A_255 = arith.mulf %get3A_249, %get3A_254 : vector<16xf32>
      %mul3A_256 = arith.mulf %mul3A_255, %get3A_7 : vector<16xf32>
      %add3A_257 = arith.addf %mul3A_244, %mul3A_256 : vector<16xf32>
      %add3A_258 = arith.constant 32 : i32
      %add3A_259 = arith.addi %mul3A_228, %add3A_258 : i32
      %get3A_260 = arith.index_cast %add3A_226 : i32 to index
      %get3A_261 = arith.index_cast %add3A_259 : i32 to index
      %get3A_262 = tpu.vector_load %arg14[%get3A_260, %get3A_261] {strides = array<i32>} : memref<256x128xf32, #tpu.memory_space<vmem>>, vector<16xf32>,
      %add3A_263 = arith.constant 32 : i32
      %add3A_264 = arith.addi %mul3A_232, %add3A_263 : i32
      %get3A_265 = arith.index_cast %add3A_226 : i32 to index
      %get3A_266 = arith.index_cast %add3A_264 : i32 to index
      %get3A_267 = tpu.vector_load %arg15[%get3A_265, %get3A_266] {strides = array<i32>} : memref<256x128xf32, #tpu.memory_space<vmem>>, vector<16xf32>,
      %mul3A_268 = arith.mulf %get3A_262, %get3A_267 : vector<16xf32>
      %mul3A_269 = arith.mulf %mul3A_268, %get3A_11 : vector<16xf32>
      %add3A_270 = arith.addf %add3A_257, %mul3A_269 : vector<16xf32>
      %add3A_271 = arith.constant 48 : i32
      %add3A_272 = arith.addi %mul3A_228, %add3A_271 : i32
      %get3A_273 = arith.index_cast %add3A_226 : i32 to index
      %get3A_274 = arith.index_cast %add3A_272 : i32 to index
      %get3A_275 = tpu.vector_load %arg14[%get3A_273, %get3A_274] {strides = array<i32>} : memref<256x128xf32, #tpu.memory_space<vmem>>, vector<16xf32>,
      %add3A_276 = arith.constant 48 : i32
      %add3A_277 = arith.addi %mul3A_232, %add3A_276 : i32
      %get3A_278 = arith.index_cast %add3A_226 : i32 to index
      %get3A_279 = arith.index_cast %add3A_277 : i32 to index
      %get3A_280 = tpu.vector_load %arg15[%get3A_278, %get3A_279] {strides = array<i32>} : memref<256x128xf32, #tpu.memory_space<vmem>>, vector<16xf32>,
      %mul3A_281 = arith.mulf %get3A_275, %get3A_280 : vector<16xf32>
      %mul3A_282 = arith.mulf %mul3A_281, %get3A_15 : vector<16xf32>
      %add3A_283 = arith.addf %add3A_270, %mul3A_282 : vector<16xf32>
      %reduce_sum3A = arith.constant true
      %reduce_sum3A_284 = vector.broadcast %reduce_sum3A : i1 to vector<16xi1>
      %reduce_sum3A_285 = tpu.scan <sum>, %add3A_283 masked %reduce_sum3A_284 : vector<16xf32>, vector<16xi1> -> vector<16xf32>
      %reduce_sum3A_286 = vector.extract %reduce_sum3A_285[15] : f32 from vector<16xf32>
      %eq3A = arith.constant 0 : i32
      %eq3A_287 = vector.broadcast %eq3A : i32 to vector<16xi32>
      %eq3A_288 = arith.cmpi eq, %iota3A, %eq3A_287 : vector<16xi32>
      %broadcast_in_dim3A = arith.constant 0.000000e+00 : f32
      %broadcast_in_dim3A_289 = vector.broadcast %broadcast_in_dim3A : f32 to vector<16xf32>
      %broadcast_in_dim3A_290 = vector.broadcast %reduce_sum3A_286 : f32 to vector<16xf32>
      %select_n3A = arith.select %eq3A_288, %broadcast_in_dim3A_290, %broadcast_in_dim3A_289 : vector<16xi1>, vector<16xf32>
      %add3A_291 = arith.addf %get3A_17, %select_n3A : vector<16xf32>
      %add3A_292 = arith.constant 1 : i32
      %add3A_293 = arith.addi %mul3A_216, %add3A_292 : i32
      %slice3A_294 = vector.extract_strided_slice %get3A_220 {offsets = [1], sizes = [1], strides = [1]} : vector<16xi32> to vector<1xi32>
      %squeeze3A_295 = vector.extract %slice3A_294[0] : i32 from vector<1xi32>
      %mul3A_296 = arith.constant 64 : i32
      %mul3A_297 = arith.muli %squeeze3A_295, %mul3A_296 : i32
      %slice3A_298 = vector.extract_strided_slice %get3A_224 {offsets = [1], sizes = [1], strides = [1]} : vector<16xi32> to vector<1xi32>
      %squeeze3A_299 = vector.extract %slice3A_298[0] : i32 from vector<1xi32>
      %mul3A_300 = arith.constant 64 : i32
      %mul3A_301 = arith.muli %squeeze3A_299, %mul3A_300 : i32
      %add3A_302 = arith.constant 0 : i32
      %add3A_303 = arith.addi %mul3A_297, %add3A_302 : i32
      %get3A_304 = arith.index_cast %add3A_293 : i32 to index
      %get3A_305 = arith.index_cast %add3A_303 : i32 to index
      %get3A_306 = tpu.vector_load %arg14[%get3A_304, %get3A_305] {strides = array<i32>} : memref<256x128xf32, #tpu.memory_space<vmem>>, vector<16xf32>,
      %add3A_307 = arith.constant 0 : i32
      %add3A_308 = arith.addi %mul3A_301, %add3A_307 : i32
      %get3A_309 = arith.index_cast %add3A_293 : i32 to index
      %get3A_310 = arith.index_cast %add3A_308 : i32 to index
      %get3A_311 = tpu.vector_load %arg15[%get3A_309, %get3A_310] {strides = array<i32>} : memref<256x128xf32, #tpu.memory_space<vmem>>, vector<16xf32>,
      %mul3A_312 = arith.mulf %get3A_306, %get3A_311 : vector<16xf32>
      %mul3A_313 = arith.mulf %mul3A_312, %get3A_3 : vector<16xf32>
      %add3A_314 = arith.constant 16 : i32
      %add3A_315 = arith.addi %mul3A_297, %add3A_314 : i32
      %get3A_316 = arith.index_cast %add3A_293 : i32 to index
      %get3A_317 = arith.index_cast %add3A_315 : i32 to index
      %get3A_318 = tpu.vector_load %arg14[%get3A_316, %get3A_317] {strides = array<i32>} : memref<256x128xf32, #tpu.memory_space<vmem>>, vector<16xf32>,
      %add3A_319 = arith.constant 16 : i32
      %add3A_320 = arith.addi %mul3A_301, %add3A_319 : i32
      %get3A_321 = arith.index_cast %add3A_293 : i32 to index
      %get3A_322 = arith.index_cast %add3A_320 : i32 to index
      %get3A_323 = tpu.vector_load %arg15[%get3A_321, %get3A_322] {strides = array<i32>} : memref<256x128xf32, #tpu.memory_space<vmem>>, vector<16xf32>,
      %mul3A_324 = arith.mulf %get3A_318, %get3A_323 : vector<16xf32>
      %mul3A_325 = arith.mulf %mul3A_324, %get3A_7 : vector<16xf32>
      %add3A_326 = arith.addf %mul3A_313, %mul3A_325 : vector<16xf32>
      %add3A_327 = arith.constant 32 : i32
      %add3A_328 = arith.addi %mul3A_297, %add3A_327 : i32
      %get3A_329 = arith.index_cast %add3A_293 : i32 to index
      %get3A_330 = arith.index_cast %add3A_328 : i32 to index
      %get3A_331 = tpu.vector_load %arg14[%get3A_329, %get3A_330] {strides = array<i32>} : memref<256x128xf32, #tpu.memory_space<vmem>>, vector<16xf32>,
      %add3A_332 = arith.constant 32 : i32
      %add3A_333 = arith.addi %mul3A_301, %add3A_332 : i32
      %get3A_334 = arith.index_cast %add3A_293 : i32 to index
      %get3A_335 = arith.index_cast %add3A_333 : i32 to index
      %get3A_336 = tpu.vector_load %arg15[%get3A_334, %get3A_335] {strides = array<i32>} : memref<256x128xf32, #tpu.memory_space<vmem>>, vector<16xf32>,
      %mul3A_337 = arith.mulf %get3A_331, %get3A_336 : vector<16xf32>
      %mul3A_338 = arith.mulf %mul3A_337, %get3A_11 : vector<16xf32>
      %add3A_339 = arith.addf %add3A_326, %mul3A_338 : vector<16xf32>
      %add3A_340 = arith.constant 48 : i32
      %add3A_341 = arith.addi %mul3A_297, %add3A_340 : i32
      %get3A_342 = arith.index_cast %add3A_293 : i32 to index
      %get3A_343 = arith.index_cast %add3A_341 : i32 to index
      %get3A_344 = tpu.vector_load %arg14[%get3A_342, %get3A_343] {strides = array<i32>} : memref<256x128xf32, #tpu.memory_space<vmem>>, vector<16xf32>,
      %add3A_345 = arith.constant 48 : i32
      %add3A_346 = arith.addi %mul3A_301, %add3A_345 : i32
      %get3A_347 = arith.index_cast %add3A_293 : i32 to index
      %get3A_348 = arith.index_cast %add3A_346 : i32 to index
      %get3A_349 = tpu.vector_load %arg15[%get3A_347, %get3A_348] {strides = array<i32>} : memref<256x128xf32, #tpu.memory_space<vmem>>, vector<16xf32>,
      %mul3A_350 = arith.mulf %get3A_344, %get3A_349 : vector<16xf32>
      %mul3A_351 = arith.mulf %mul3A_350, %get3A_15 : vector<16xf32>
      %add3A_352 = arith.addf %add3A_339, %mul3A_351 : vector<16xf32>
      %reduce_sum3A_353 = arith.constant true
      %reduce_sum3A_354 = vector.broadcast %reduce_sum3A_353 : i1 to vector<16xi1>
      %reduce_sum3A_355 = tpu.scan <sum>, %add3A_352 masked %reduce_sum3A_354 : vector<16xf32>, vector<16xi1> -> vector<16xf32>
      %reduce_sum3A_356 = vector.extract %reduce_sum3A_355[15] : f32 from vector<16xf32>
      %eq3A_357 = arith.constant 1 : i32
      %eq3A_358 = vector.broadcast %eq3A_357 : i32 to vector<16xi32>
      %eq3A_359 = arith.cmpi eq, %iota3A, %eq3A_358 : vector<16xi32>
      %broadcast_in_dim3A_360 = arith.constant 0.000000e+00 : f32
      %broadcast_in_dim3A_361 = vector.broadcast %broadcast_in_dim3A_360 : f32 to vector<16xf32>
      %broadcast_in_dim3A_362 = vector.broadcast %reduce_sum3A_356 : f32 to vector<16xf32>
      %select_n3A_363 = arith.select %eq3A_359, %broadcast_in_dim3A_362, %broadcast_in_dim3A_361 : vector<16xi1>, vector<16xf32>
      %add3A_364 = arith.addf %add3A_291, %select_n3A_363 : vector<16xf32>
      %add3A_365 = arith.constant 2 : i32
      %add3A_366 = arith.addi %mul3A_216, %add3A_365 : i32
      %slice3A_367 = vector.extract_strided_slice %get3A_220 {offsets = [2], sizes = [1], strides = [1]} : vector<16xi32> to vector<1xi32>
      %squeeze3A_368 = vector.extract %slice3A_367[0] : i32 from vector<1xi32>
      %mul3A_369 = arith.constant 64 : i32
      %mul3A_370 = arith.muli %squeeze3A_368, %mul3A_369 : i32
      %slice3A_371 = vector.extract_strided_slice %get3A_224 {offsets = [2], sizes = [1], strides = [1]} : vector<16xi32> to vector<1xi32>
      %squeeze3A_372 = vector.extract %slice3A_371[0] : i32 from vector<1xi32>
      %mul3A_373 = arith.constant 64 : i32
      %mul3A_374 = arith.muli %squeeze3A_372, %mul3A_373 : i32
      %add3A_375 = arith.constant 0 : i32
      %add3A_376 = arith.addi %mul3A_370, %add3A_375 : i32
      %get3A_377 = arith.index_cast %add3A_366 : i32 to index
      %get3A_378 = arith.index_cast %add3A_376 : i32 to index
      %get3A_379 = tpu.vector_load %arg14[%get3A_377, %get3A_378] {strides = array<i32>} : memref<256x128xf32, #tpu.memory_space<vmem>>, vector<16xf32>,
      %add3A_380 = arith.constant 0 : i32
      %add3A_381 = arith.addi %mul3A_374, %add3A_380 : i32
      %get3A_382 = arith.index_cast %add3A_366 : i32 to index
      %get3A_383 = arith.index_cast %add3A_381 : i32 to index
      %get3A_384 = tpu.vector_load %arg15[%get3A_382, %get3A_383] {strides = array<i32>} : memref<256x128xf32, #tpu.memory_space<vmem>>, vector<16xf32>,
      %mul3A_385 = arith.mulf %get3A_379, %get3A_384 : vector<16xf32>
      %mul3A_386 = arith.mulf %mul3A_385, %get3A_3 : vector<16xf32>
      %add3A_387 = arith.constant 16 : i32
      %add3A_388 = arith.addi %mul3A_370, %add3A_387 : i32
      %get3A_389 = arith.index_cast %add3A_366 : i32 to index
      %get3A_390 = arith.index_cast %add3A_388 : i32 to index
      %get3A_391 = tpu.vector_load %arg14[%get3A_389, %get3A_390] {strides = array<i32>} : memref<256x128xf32, #tpu.memory_space<vmem>>, vector<16xf32>,
      %add3A_392 = arith.constant 16 : i32
      %add3A_393 = arith.addi %mul3A_374, %add3A_392 : i32
      %get3A_394 = arith.index_cast %add3A_366 : i32 to index
      %get3A_395 = arith.index_cast %add3A_393 : i32 to index
      %get3A_396 = tpu.vector_load %arg15[%get3A_394, %get3A_395] {strides = array<i32>} : memref<256x128xf32, #tpu.memory_space<vmem>>, vector<16xf32>,
      %mul3A_397 = arith.mulf %get3A_391, %get3A_396 : vector<16xf32>
      %mul3A_398 = arith.mulf %mul3A_397, %get3A_7 : vector<16xf32>
      %add3A_399 = arith.addf %mul3A_386, %mul3A_398 : vector<16xf32>
      %add3A_400 = arith.constant 32 : i32
      %add3A_401 = arith.addi %mul3A_370, %add3A_400 : i32
      %get3A_402 = arith.index_cast %add3A_366 : i32 to index
      %get3A_403 = arith.index_cast %add3A_401 : i32 to index
      %get3A_404 = tpu.vector_load %arg14[%get3A_402, %get3A_403] {strides = array<i32>} : memref<256x128xf32, #tpu.memory_space<vmem>>, vector<16xf32>,
      %add3A_405 = arith.constant 32 : i32
      %add3A_406 = arith.addi %mul3A_374, %add3A_405 : i32
      %get3A_407 = arith.index_cast %add3A_366 : i32 to index
      %get3A_408 = arith.index_cast %add3A_406 : i32 to index
      %get3A_409 = tpu.vector_load %arg15[%get3A_407, %get3A_408] {strides = array<i32>} : memref<256x128xf32, #tpu.memory_space<vmem>>, vector<16xf32>,
      %mul3A_410 = arith.mulf %get3A_404, %get3A_409 : vector<16xf32>
      %mul3A_411 = arith.mulf %mul3A_410, %get3A_11 : vector<16xf32>
      %add3A_412 = arith.addf %add3A_399, %mul3A_411 : vector<16xf32>
      %add3A_413 = arith.constant 48 : i32
      %add3A_414 = arith.addi %mul3A_370, %add3A_413 : i32
      %get3A_415 = arith.index_cast %add3A_366 : i32 to index
      %get3A_416 = arith.index_cast %add3A_414 : i32 to index
      %get3A_417 = tpu.vector_load %arg14[%get3A_415, %get3A_416] {strides = array<i32>} : memref<256x128xf32, #tpu.memory_space<vmem>>, vector<16xf32>,
      %add3A_418 = arith.constant 48 : i32
      %add3A_419 = arith.addi %mul3A_374, %add3A_418 : i32
      %get3A_420 = arith.index_cast %add3A_366 : i32 to index
      %get3A_421 = arith.index_cast %add3A_419 : i32 to index
      %get3A_422 = tpu.vector_load %arg15[%get3A_420, %get3A_421] {strides = array<i32>} : memref<256x128xf32, #tpu.memory_space<vmem>>, vector<16xf32>,
      %mul3A_423 = arith.mulf %get3A_417, %get3A_422 : vector<16xf32>
      %mul3A_424 = arith.mulf %mul3A_423, %get3A_15 : vector<16xf32>
      %add3A_425 = arith.addf %add3A_412, %mul3A_424 : vector<16xf32>
      %reduce_sum3A_426 = arith.constant true
      %reduce_sum3A_427 = vector.broadcast %reduce_sum3A_426 : i1 to vector<16xi1>
      %reduce_sum3A_428 = tpu.scan <sum>, %add3A_425 masked %reduce_sum3A_427 : vector<16xf32>, vector<16xi1> -> vector<16xf32>
      %reduce_sum3A_429 = vector.extract %reduce_sum3A_428[15] : f32 from vector<16xf32>
      %eq3A_430 = arith.constant 2 : i32
      %eq3A_431 = vector.broadcast %eq3A_430 : i32 to vector<16xi32>
      %eq3A_432 = arith.cmpi eq, %iota3A, %eq3A_431 : vector<16xi32>
      %broadcast_in_dim3A_433 = arith.constant 0.000000e+00 : f32
      %broadcast_in_dim3A_434 = vector.broadcast %broadcast_in_dim3A_433 : f32 to vector<16xf32>
      %broadcast_in_dim3A_435 = vector.broadcast %reduce_sum3A_429 : f32 to vector<16xf32>
      %select_n3A_436 = arith.select %eq3A_432, %broadcast_in_dim3A_435, %broadcast_in_dim3A_434 : vector<16xi1>, vector<16xf32>
      %add3A_437 = arith.addf %add3A_364, %select_n3A_436 : vector<16xf32>
      %add3A_438 = arith.constant 3 : i32
      %add3A_439 = arith.addi %mul3A_216, %add3A_438 : i32
      %slice3A_440 = vector.extract_strided_slice %get3A_220 {offsets = [3], sizes = [1], strides = [1]} : vector<16xi32> to vector<1xi32>
      %squeeze3A_441 = vector.extract %slice3A_440[0] : i32 from vector<1xi32>
      %mul3A_442 = arith.constant 64 : i32
      %mul3A_443 = arith.muli %squeeze3A_441, %mul3A_442 : i32
      %slice3A_444 = vector.extract_strided_slice %get3A_224 {offsets = [3], sizes = [1], strides = [1]} : vector<16xi32> to vector<1xi32>
      %squeeze3A_445 = vector.extract %slice3A_444[0] : i32 from vector<1xi32>
      %mul3A_446 = arith.constant 64 : i32
      %mul3A_447 = arith.muli %squeeze3A_445, %mul3A_446 : i32
      %add3A_448 = arith.constant 0 : i32
      %add3A_449 = arith.addi %mul3A_443, %add3A_448 : i32
      %get3A_450 = arith.index_cast %add3A_439 : i32 to index
      %get3A_451 = arith.index_cast %add3A_449 : i32 to index
      %get3A_452 = tpu.vector_load %arg14[%get3A_450, %get3A_451] {strides = array<i32>} : memref<256x128xf32, #tpu.memory_space<vmem>>, vector<16xf32>,
      %add3A_453 = arith.constant 0 : i32
      %add3A_454 = arith.addi %mul3A_447, %add3A_453 : i32
      %get3A_455 = arith.index_cast %add3A_439 : i32 to index
      %get3A_456 = arith.index_cast %add3A_454 : i32 to index
      %get3A_457 = tpu.vector_load %arg15[%get3A_455, %get3A_456] {strides = array<i32>} : memref<256x128xf32, #tpu.memory_space<vmem>>, vector<16xf32>,
      %mul3A_458 = arith.mulf %get3A_452, %get3A_457 : vector<16xf32>
      %mul3A_459 = arith.mulf %mul3A_458, %get3A_3 : vector<16xf32>
      %add3A_460 = arith.constant 16 : i32
      %add3A_461 = arith.addi %mul3A_443, %add3A_460 : i32
      %get3A_462 = arith.index_cast %add3A_439 : i32 to index
      %get3A_463 = arith.index_cast %add3A_461 : i32 to index
      %get3A_464 = tpu.vector_load %arg14[%get3A_462, %get3A_463] {strides = array<i32>} : memref<256x128xf32, #tpu.memory_space<vmem>>, vector<16xf32>,
      %add3A_465 = arith.constant 16 : i32
      %add3A_466 = arith.addi %mul3A_447, %add3A_465 : i32
      %get3A_467 = arith.index_cast %add3A_439 : i32 to index
      %get3A_468 = arith.index_cast %add3A_466 : i32 to index
      %get3A_469 = tpu.vector_load %arg15[%get3A_467, %get3A_468] {strides = array<i32>} : memref<256x128xf32, #tpu.memory_space<vmem>>, vector<16xf32>,
      %mul3A_470 = arith.mulf %get3A_464, %get3A_469 : vector<16xf32>
      %mul3A_471 = arith.mulf %mul3A_470, %get3A_7 : vector<16xf32>
      %add3A_472 = arith.addf %mul3A_459, %mul3A_471 : vector<16xf32>
      %add3A_473 = arith.constant 32 : i32
      %add3A_474 = arith.addi %mul3A_443, %add3A_473 : i32
      %get3A_475 = arith.index_cast %add3A_439 : i32 to index
      %get3A_476 = arith.index_cast %add3A_474 : i32 to index
      %get3A_477 = tpu.vector_load %arg14[%get3A_475, %get3A_476] {strides = array<i32>} : memref<256x128xf32, #tpu.memory_space<vmem>>, vector<16xf32>,
      %add3A_478 = arith.constant 32 : i32
      %add3A_479 = arith.addi %mul3A_447, %add3A_478 : i32
      %get3A_480 = arith.index_cast %add3A_439 : i32 to index
      %get3A_481 = arith.index_cast %add3A_479 : i32 to index
      %get3A_482 = tpu.vector_load %arg15[%get3A_480, %get3A_481] {strides = array<i32>} : memref<256x128xf32, #tpu.memory_space<vmem>>, vector<16xf32>,
      %mul3A_483 = arith.mulf %get3A_477, %get3A_482 : vector<16xf32>
      %mul3A_484 = arith.mulf %mul3A_483, %get3A_11 : vector<16xf32>
      %add3A_485 = arith.addf %add3A_472, %mul3A_484 : vector<16xf32>
      %add3A_486 = arith.constant 48 : i32
      %add3A_487 = arith.addi %mul3A_443, %add3A_486 : i32
      %get3A_488 = arith.index_cast %add3A_439 : i32 to index
      %get3A_489 = arith.index_cast %add3A_487 : i32 to index
      %get3A_490 = tpu.vector_load %arg14[%get3A_488, %get3A_489] {strides = array<i32>} : memref<256x128xf32, #tpu.memory_space<vmem>>, vector<16xf32>,
      %add3A_491 = arith.constant 48 : i32
      %add3A_492 = arith.addi %mul3A_447, %add3A_491 : i32
      %get3A_493 = arith.index_cast %add3A_439 : i32 to index
      %get3A_494 = arith.index_cast %add3A_492 : i32 to index
      %get3A_495 = tpu.vector_load %arg15[%get3A_493, %get3A_494] {strides = array<i32>} : memref<256x128xf32, #tpu.memory_space<vmem>>, vector<16xf32>,
      %mul3A_496 = arith.mulf %get3A_490, %get3A_495 : vector<16xf32>
      %mul3A_497 = arith.mulf %mul3A_496, %get3A_15 : vector<16xf32>
      %add3A_498 = arith.addf %add3A_485, %mul3A_497 : vector<16xf32>
      %reduce_sum3A_499 = arith.constant true
      %reduce_sum3A_500 = vector.broadcast %reduce_sum3A_499 : i1 to vector<16xi1>
      %reduce_sum3A_501 = tpu.scan <sum>, %add3A_498 masked %reduce_sum3A_500 : vector<16xf32>, vector<16xi1> -> vector<16xf32>
      %reduce_sum3A_502 = vector.extract %reduce_sum3A_501[15] : f32 from vector<16xf32>
      %eq3A_503 = arith.constant 3 : i32
      %eq3A_504 = vector.broadcast %eq3A_503 : i32 to vector<16xi32>
      %eq3A_505 = arith.cmpi eq, %iota3A, %eq3A_504 : vector<16xi32>
      %broadcast_in_dim3A_506 = arith.constant 0.000000e+00 : f32
      %broadcast_in_dim3A_507 = vector.broadcast %broadcast_in_dim3A_506 : f32 to vector<16xf32>
      %broadcast_in_dim3A_508 = vector.broadcast %reduce_sum3A_502 : f32 to vector<16xf32>
      %select_n3A_509 = arith.select %eq3A_505, %broadcast_in_dim3A_508, %broadcast_in_dim3A_507 : vector<16xi1>, vector<16xf32>
      %add3A_510 = arith.addf %add3A_437, %select_n3A_509 : vector<16xf32>
      %add3A_511 = arith.constant 4 : i32
      %add3A_512 = arith.addi %mul3A_216, %add3A_511 : i32
      %slice3A_513 = vector.extract_strided_slice %get3A_220 {offsets = [4], sizes = [1], strides = [1]} : vector<16xi32> to vector<1xi32>
      %squeeze3A_514 = vector.extract %slice3A_513[0] : i32 from vector<1xi32>
      %mul3A_515 = arith.constant 64 : i32
      %mul3A_516 = arith.muli %squeeze3A_514, %mul3A_515 : i32
      %slice3A_517 = vector.extract_strided_slice %get3A_224 {offsets = [4], sizes = [1], strides = [1]} : vector<16xi32> to vector<1xi32>
      %squeeze3A_518 = vector.extract %slice3A_517[0] : i32 from vector<1xi32>
      %mul3A_519 = arith.constant 64 : i32
      %mul3A_520 = arith.muli %squeeze3A_518, %mul3A_519 : i32
      %add3A_521 = arith.constant 0 : i32
      %add3A_522 = arith.addi %mul3A_516, %add3A_521 : i32
      %get3A_523 = arith.index_cast %add3A_512 : i32 to index
      %get3A_524 = arith.index_cast %add3A_522 : i32 to index
      %get3A_525 = tpu.vector_load %arg14[%get3A_523, %get3A_524] {strides = array<i32>} : memref<256x128xf32, #tpu.memory_space<vmem>>, vector<16xf32>,
      %add3A_526 = arith.constant 0 : i32
      %add3A_527 = arith.addi %mul3A_520, %add3A_526 : i32
      %get3A_528 = arith.index_cast %add3A_512 : i32 to index
      %get3A_529 = arith.index_cast %add3A_527 : i32 to index
      %get3A_530 = tpu.vector_load %arg15[%get3A_528, %get3A_529] {strides = array<i32>} : memref<256x128xf32, #tpu.memory_space<vmem>>, vector<16xf32>,
      %mul3A_531 = arith.mulf %get3A_525, %get3A_530 : vector<16xf32>
      %mul3A_532 = arith.mulf %mul3A_531, %get3A_3 : vector<16xf32>
      %add3A_533 = arith.constant 16 : i32
      %add3A_534 = arith.addi %mul3A_516, %add3A_533 : i32
      %get3A_535 = arith.index_cast %add3A_512 : i32 to index
      %get3A_536 = arith.index_cast %add3A_534 : i32 to index
      %get3A_537 = tpu.vector_load %arg14[%get3A_535, %get3A_536] {strides = array<i32>} : memref<256x128xf32, #tpu.memory_space<vmem>>, vector<16xf32>,
      %add3A_538 = arith.constant 16 : i32
      %add3A_539 = arith.addi %mul3A_520, %add3A_538 : i32
      %get3A_540 = arith.index_cast %add3A_512 : i32 to index
      %get3A_541 = arith.index_cast %add3A_539 : i32 to index
      %get3A_542 = tpu.vector_load %arg15[%get3A_540, %get3A_541] {strides = array<i32>} : memref<256x128xf32, #tpu.memory_space<vmem>>, vector<16xf32>,
      %mul3A_543 = arith.mulf %get3A_537, %get3A_542 : vector<16xf32>
      %mul3A_544 = arith.mulf %mul3A_543, %get3A_7 : vector<16xf32>
      %add3A_545 = arith.addf %mul3A_532, %mul3A_544 : vector<16xf32>
      %add3A_546 = arith.constant 32 : i32
      %add3A_547 = arith.addi %mul3A_516, %add3A_546 : i32
      %get3A_548 = arith.index_cast %add3A_512 : i32 to index
      %get3A_549 = arith.index_cast %add3A_547 : i32 to index
      %get3A_550 = tpu.vector_load %arg14[%get3A_548, %get3A_549] {strides = array<i32>} : memref<256x128xf32, #tpu.memory_space<vmem>>, vector<16xf32>,
      %add3A_551 = arith.constant 32 : i32
      %add3A_552 = arith.addi %mul3A_520, %add3A_551 : i32
      %get3A_553 = arith.index_cast %add3A_512 : i32 to index
      %get3A_554 = arith.index_cast %add3A_552 : i32 to index
      %get3A_555 = tpu.vector_load %arg15[%get3A_553, %get3A_554] {strides = array<i32>} : memref<256x128xf32, #tpu.memory_space<vmem>>, vector<16xf32>,
      %mul3A_556 = arith.mulf %get3A_550, %get3A_555 : vector<16xf32>
      %mul3A_557 = arith.mulf %mul3A_556, %get3A_11 : vector<16xf32>
      %add3A_558 = arith.addf %add3A_545, %mul3A_557 : vector<16xf32>
      %add3A_559 = arith.constant 48 : i32
      %add3A_560 = arith.addi %mul3A_516, %add3A_559 : i32
      %get3A_561 = arith.index_cast %add3A_512 : i32 to index
      %get3A_562 = arith.index_cast %add3A_560 : i32 to index
      %get3A_563 = tpu.vector_load %arg14[%get3A_561, %get3A_562] {strides = array<i32>} : memref<256x128xf32, #tpu.memory_space<vmem>>, vector<16xf32>,
      %add3A_564 = arith.constant 48 : i32
      %add3A_565 = arith.addi %mul3A_520, %add3A_564 : i32
      %get3A_566 = arith.index_cast %add3A_512 : i32 to index
      %get3A_567 = arith.index_cast %add3A_565 : i32 to index
      %get3A_568 = tpu.vector_load %arg15[%get3A_566, %get3A_567] {strides = array<i32>} : memref<256x128xf32, #tpu.memory_space<vmem>>, vector<16xf32>,
      %mul3A_569 = arith.mulf %get3A_563, %get3A_568 : vector<16xf32>
      %mul3A_570 = arith.mulf %mul3A_569, %get3A_15 : vector<16xf32>
      %add3A_571 = arith.addf %add3A_558, %mul3A_570 : vector<16xf32>
      %reduce_sum3A_572 = arith.constant true
      %reduce_sum3A_573 = vector.broadcast %reduce_sum3A_572 : i1 to vector<16xi1>
      %reduce_sum3A_574 = tpu.scan <sum>, %add3A_571 masked %reduce_sum3A_573 : vector<16xf32>, vector<16xi1> -> vector<16xf32>
      %reduce_sum3A_575 = vector.extract %reduce_sum3A_574[15] : f32 from vector<16xf32>
      %eq3A_576 = arith.constant 4 : i32
      %eq3A_577 = vector.broadcast %eq3A_576 : i32 to vector<16xi32>
      %eq3A_578 = arith.cmpi eq, %iota3A, %eq3A_577 : vector<16xi32>
      %broadcast_in_dim3A_579 = arith.constant 0.000000e+00 : f32
      %broadcast_in_dim3A_580 = vector.broadcast %broadcast_in_dim3A_579 : f32 to vector<16xf32>
      %broadcast_in_dim3A_581 = vector.broadcast %reduce_sum3A_575 : f32 to vector<16xf32>
      %select_n3A_582 = arith.select %eq3A_578, %broadcast_in_dim3A_581, %broadcast_in_dim3A_580 : vector<16xi1>, vector<16xf32>
      %add3A_583 = arith.addf %add3A_510, %select_n3A_582 : vector<16xf32>
      %add3A_584 = arith.constant 5 : i32
      %add3A_585 = arith.addi %mul3A_216, %add3A_584 : i32
      %slice3A_586 = vector.extract_strided_slice %get3A_220 {offsets = [5], sizes = [1], strides = [1]} : vector<16xi32> to vector<1xi32>
      %squeeze3A_587 = vector.extract %slice3A_586[0] : i32 from vector<1xi32>
      %mul3A_588 = arith.constant 64 : i32
      %mul3A_589 = arith.muli %squeeze3A_587, %mul3A_588 : i32
      %slice3A_590 = vector.extract_strided_slice %get3A_224 {offsets = [5], sizes = [1], strides = [1]} : vector<16xi32> to vector<1xi32>
      %squeeze3A_591 = vector.extract %slice3A_590[0] : i32 from vector<1xi32>
      %mul3A_592 = arith.constant 64 : i32
      %mul3A_593 = arith.muli %squeeze3A_591, %mul3A_592 : i32
      %add3A_594 = arith.constant 0 : i32
      %add3A_595 = arith.addi %mul3A_589, %add3A_594 : i32
      %get3A_596 = arith.index_cast %add3A_585 : i32 to index
      %get3A_597 = arith.index_cast %add3A_595 : i32 to index
      %get3A_598 = tpu.vector_load %arg14[%get3A_596, %get3A_597] {strides = array<i32>} : memref<256x128xf32, #tpu.memory_space<vmem>>, vector<16xf32>,
      %add3A_599 = arith.constant 0 : i32
      %add3A_600 = arith.addi %mul3A_593, %add3A_599 : i32
      %get3A_601 = arith.index_cast %add3A_585 : i32 to index
      %get3A_602 = arith.index_cast %add3A_600 : i32 to index
      %get3A_603 = tpu.vector_load %arg15[%get3A_601, %get3A_602] {strides = array<i32>} : memref<256x128xf32, #tpu.memory_space<vmem>>, vector<16xf32>,
      %mul3A_604 = arith.mulf %get3A_598, %get3A_603 : vector<16xf32>
      %mul3A_605 = arith.mulf %mul3A_604, %get3A_3 : vector<16xf32>
      %add3A_606 = arith.constant 16 : i32
      %add3A_607 = arith.addi %mul3A_589, %add3A_606 : i32
      %get3A_608 = arith.index_cast %add3A_585 : i32 to index
      %get3A_609 = arith.index_cast %add3A_607 : i32 to index
      %get3A_610 = tpu.vector_load %arg14[%get3A_608, %get3A_609] {strides = array<i32>} : memref<256x128xf32, #tpu.memory_space<vmem>>, vector<16xf32>,
      %add3A_611 = arith.constant 16 : i32
      %add3A_612 = arith.addi %mul3A_593, %add3A_611 : i32
      %get3A_613 = arith.index_cast %add3A_585 : i32 to index
      %get3A_614 = arith.index_cast %add3A_612 : i32 to index
      %get3A_615 = tpu.vector_load %arg15[%get3A_613, %get3A_614] {strides = array<i32>} : memref<256x128xf32, #tpu.memory_space<vmem>>, vector<16xf32>,
      %mul3A_616 = arith.mulf %get3A_610, %get3A_615 : vector<16xf32>
      %mul3A_617 = arith.mulf %mul3A_616, %get3A_7 : vector<16xf32>
      %add3A_618 = arith.addf %mul3A_605, %mul3A_617 : vector<16xf32>
      %add3A_619 = arith.constant 32 : i32
      %add3A_620 = arith.addi %mul3A_589, %add3A_619 : i32
      %get3A_621 = arith.index_cast %add3A_585 : i32 to index
      %get3A_622 = arith.index_cast %add3A_620 : i32 to index
      %get3A_623 = tpu.vector_load %arg14[%get3A_621, %get3A_622] {strides = array<i32>} : memref<256x128xf32, #tpu.memory_space<vmem>>, vector<16xf32>,
      %add3A_624 = arith.constant 32 : i32
      %add3A_625 = arith.addi %mul3A_593, %add3A_624 : i32
      %get3A_626 = arith.index_cast %add3A_585 : i32 to index
      %get3A_627 = arith.index_cast %add3A_625 : i32 to index
      %get3A_628 = tpu.vector_load %arg15[%get3A_626, %get3A_627] {strides = array<i32>} : memref<256x128xf32, #tpu.memory_space<vmem>>, vector<16xf32>,
      %mul3A_629 = arith.mulf %get3A_623, %get3A_628 : vector<16xf32>
      %mul3A_630 = arith.mulf %mul3A_629, %get3A_11 : vector<16xf32>
      %add3A_631 = arith.addf %add3A_618, %mul3A_630 : vector<16xf32>
      %add3A_632 = arith.constant 48 : i32
      %add3A_633 = arith.addi %mul3A_589, %add3A_632 : i32
      %get3A_634 = arith.index_cast %add3A_585 : i32 to index
      %get3A_635 = arith.index_cast %add3A_633 : i32 to index
      %get3A_636 = tpu.vector_load %arg14[%get3A_634, %get3A_635] {strides = array<i32>} : memref<256x128xf32, #tpu.memory_space<vmem>>, vector<16xf32>,
      %add3A_637 = arith.constant 48 : i32
      %add3A_638 = arith.addi %mul3A_593, %add3A_637 : i32
      %get3A_639 = arith.index_cast %add3A_585 : i32 to index
      %get3A_640 = arith.index_cast %add3A_638 : i32 to index
      %get3A_641 = tpu.vector_load %arg15[%get3A_639, %get3A_640] {strides = array<i32>} : memref<256x128xf32, #tpu.memory_space<vmem>>, vector<16xf32>,
      %mul3A_642 = arith.mulf %get3A_636, %get3A_641 : vector<16xf32>
      %mul3A_643 = arith.mulf %mul3A_642, %get3A_15 : vector<16xf32>
      %add3A_644 = arith.addf %add3A_631, %mul3A_643 : vector<16xf32>
      %reduce_sum3A_645 = arith.constant true
      %reduce_sum3A_646 = vector.broadcast %reduce_sum3A_645 : i1 to vector<16xi1>
      %reduce_sum3A_647 = tpu.scan <sum>, %add3A_644 masked %reduce_sum3A_646 : vector<16xf32>, vector<16xi1> -> vector<16xf32>
      %reduce_sum3A_648 = vector.extract %reduce_sum3A_647[15] : f32 from vector<16xf32>
      %eq3A_649 = arith.constant 5 : i32
      %eq3A_650 = vector.broadcast %eq3A_649 : i32 to vector<16xi32>
      %eq3A_651 = arith.cmpi eq, %iota3A, %eq3A_650 : vector<16xi32>
      %broadcast_in_dim3A_652 = arith.constant 0.000000e+00 : f32
      %broadcast_in_dim3A_653 = vector.broadcast %broadcast_in_dim3A_652 : f32 to vector<16xf32>
      %broadcast_in_dim3A_654 = vector.broadcast %reduce_sum3A_648 : f32 to vector<16xf32>
      %select_n3A_655 = arith.select %eq3A_651, %broadcast_in_dim3A_654, %broadcast_in_dim3A_653 : vector<16xi1>, vector<16xf32>
      %add3A_656 = arith.addf %add3A_583, %select_n3A_655 : vector<16xf32>
      %add3A_657 = arith.constant 6 : i32
      %add3A_658 = arith.addi %mul3A_216, %add3A_657 : i32
      %slice3A_659 = vector.extract_strided_slice %get3A_220 {offsets = [6], sizes = [1], strides = [1]} : vector<16xi32> to vector<1xi32>
      %squeeze3A_660 = vector.extract %slice3A_659[0] : i32 from vector<1xi32>
      %mul3A_661 = arith.constant 64 : i32
      %mul3A_662 = arith.muli %squeeze3A_660, %mul3A_661 : i32
      %slice3A_663 = vector.extract_strided_slice %get3A_224 {offsets = [6], sizes = [1], strides = [1]} : vector<16xi32> to vector<1xi32>
      %squeeze3A_664 = vector.extract %slice3A_663[0] : i32 from vector<1xi32>
      %mul3A_665 = arith.constant 64 : i32
      %mul3A_666 = arith.muli %squeeze3A_664, %mul3A_665 : i32
      %add3A_667 = arith.constant 0 : i32
      %add3A_668 = arith.addi %mul3A_662, %add3A_667 : i32
      %get3A_669 = arith.index_cast %add3A_658 : i32 to index
      %get3A_670 = arith.index_cast %add3A_668 : i32 to index
      %get3A_671 = tpu.vector_load %arg14[%get3A_669, %get3A_670] {strides = array<i32>} : memref<256x128xf32, #tpu.memory_space<vmem>>, vector<16xf32>,
      %add3A_672 = arith.constant 0 : i32
      %add3A_673 = arith.addi %mul3A_666, %add3A_672 : i32
      %get3A_674 = arith.index_cast %add3A_658 : i32 to index
      %get3A_675 = arith.index_cast %add3A_673 : i32 to index
      %get3A_676 = tpu.vector_load %arg15[%get3A_674, %get3A_675] {strides = array<i32>} : memref<256x128xf32, #tpu.memory_space<vmem>>, vector<16xf32>,
      %mul3A_677 = arith.mulf %get3A_671, %get3A_676 : vector<16xf32>
      %mul3A_678 = arith.mulf %mul3A_677, %get3A_3 : vector<16xf32>
      %add3A_679 = arith.constant 16 : i32
      %add3A_680 = arith.addi %mul3A_662, %add3A_679 : i32
      %get3A_681 = arith.index_cast %add3A_658 : i32 to index
      %get3A_682 = arith.index_cast %add3A_680 : i32 to index
      %get3A_683 = tpu.vector_load %arg14[%get3A_681, %get3A_682] {strides = array<i32>} : memref<256x128xf32, #tpu.memory_space<vmem>>, vector<16xf32>,
      %add3A_684 = arith.constant 16 : i32
      %add3A_685 = arith.addi %mul3A_666, %add3A_684 : i32
      %get3A_686 = arith.index_cast %add3A_658 : i32 to index
      %get3A_687 = arith.index_cast %add3A_685 : i32 to index
      %get3A_688 = tpu.vector_load %arg15[%get3A_686, %get3A_687] {strides = array<i32>} : memref<256x128xf32, #tpu.memory_space<vmem>>, vector<16xf32>,
      %mul3A_689 = arith.mulf %get3A_683, %get3A_688 : vector<16xf32>
      %mul3A_690 = arith.mulf %mul3A_689, %get3A_7 : vector<16xf32>
      %add3A_691 = arith.addf %mul3A_678, %mul3A_690 : vector<16xf32>
      %add3A_692 = arith.constant 32 : i32
      %add3A_693 = arith.addi %mul3A_662, %add3A_692 : i32
      %get3A_694 = arith.index_cast %add3A_658 : i32 to index
      %get3A_695 = arith.index_cast %add3A_693 : i32 to index
      %get3A_696 = tpu.vector_load %arg14[%get3A_694, %get3A_695] {strides = array<i32>} : memref<256x128xf32, #tpu.memory_space<vmem>>, vector<16xf32>,
      %add3A_697 = arith.constant 32 : i32
      %add3A_698 = arith.addi %mul3A_666, %add3A_697 : i32
      %get3A_699 = arith.index_cast %add3A_658 : i32 to index
      %get3A_700 = arith.index_cast %add3A_698 : i32 to index
      %get3A_701 = tpu.vector_load %arg15[%get3A_699, %get3A_700] {strides = array<i32>} : memref<256x128xf32, #tpu.memory_space<vmem>>, vector<16xf32>,
      %mul3A_702 = arith.mulf %get3A_696, %get3A_701 : vector<16xf32>
      %mul3A_703 = arith.mulf %mul3A_702, %get3A_11 : vector<16xf32>
      %add3A_704 = arith.addf %add3A_691, %mul3A_703 : vector<16xf32>
      %add3A_705 = arith.constant 48 : i32
      %add3A_706 = arith.addi %mul3A_662, %add3A_705 : i32
      %get3A_707 = arith.index_cast %add3A_658 : i32 to index
      %get3A_708 = arith.index_cast %add3A_706 : i32 to index
      %get3A_709 = tpu.vector_load %arg14[%get3A_707, %get3A_708] {strides = array<i32>} : memref<256x128xf32, #tpu.memory_space<vmem>>, vector<16xf32>,
      %add3A_710 = arith.constant 48 : i32
      %add3A_711 = arith.addi %mul3A_666, %add3A_710 : i32
      %get3A_712 = arith.index_cast %add3A_658 : i32 to index
      %get3A_713 = arith.index_cast %add3A_711 : i32 to index
      %get3A_714 = tpu.vector_load %arg15[%get3A_712, %get3A_713] {strides = array<i32>} : memref<256x128xf32, #tpu.memory_space<vmem>>, vector<16xf32>,
      %mul3A_715 = arith.mulf %get3A_709, %get3A_714 : vector<16xf32>
      %mul3A_716 = arith.mulf %mul3A_715, %get3A_15 : vector<16xf32>
      %add3A_717 = arith.addf %add3A_704, %mul3A_716 : vector<16xf32>
      %reduce_sum3A_718 = arith.constant true
      %reduce_sum3A_719 = vector.broadcast %reduce_sum3A_718 : i1 to vector<16xi1>
      %reduce_sum3A_720 = tpu.scan <sum>, %add3A_717 masked %reduce_sum3A_719 : vector<16xf32>, vector<16xi1> -> vector<16xf32>
      %reduce_sum3A_721 = vector.extract %reduce_sum3A_720[15] : f32 from vector<16xf32>
      %eq3A_722 = arith.constant 6 : i32
      %eq3A_723 = vector.broadcast %eq3A_722 : i32 to vector<16xi32>
      %eq3A_724 = arith.cmpi eq, %iota3A, %eq3A_723 : vector<16xi32>
      %broadcast_in_dim3A_725 = arith.constant 0.000000e+00 : f32
      %broadcast_in_dim3A_726 = vector.broadcast %broadcast_in_dim3A_725 : f32 to vector<16xf32>
      %broadcast_in_dim3A_727 = vector.broadcast %reduce_sum3A_721 : f32 to vector<16xf32>
      %select_n3A_728 = arith.select %eq3A_724, %broadcast_in_dim3A_727, %broadcast_in_dim3A_726 : vector<16xi1>, vector<16xf32>
      %add3A_729 = arith.addf %add3A_656, %select_n3A_728 : vector<16xf32>
      %add3A_730 = arith.constant 7 : i32
      %add3A_731 = arith.addi %mul3A_216, %add3A_730 : i32
      %slice3A_732 = vector.extract_strided_slice %get3A_220 {offsets = [7], sizes = [1], strides = [1]} : vector<16xi32> to vector<1xi32>
      %squeeze3A_733 = vector.extract %slice3A_732[0] : i32 from vector<1xi32>
      %mul3A_734 = arith.constant 64 : i32
      %mul3A_735 = arith.muli %squeeze3A_733, %mul3A_734 : i32
      %slice3A_736 = vector.extract_strided_slice %get3A_224 {offsets = [7], sizes = [1], strides = [1]} : vector<16xi32> to vector<1xi32>
      %squeeze3A_737 = vector.extract %slice3A_736[0] : i32 from vector<1xi32>
      %mul3A_738 = arith.constant 64 : i32
      %mul3A_739 = arith.muli %squeeze3A_737, %mul3A_738 : i32
      %add3A_740 = arith.constant 0 : i32
      %add3A_741 = arith.addi %mul3A_735, %add3A_740 : i32
      %get3A_742 = arith.index_cast %add3A_731 : i32 to index
      %get3A_743 = arith.index_cast %add3A_741 : i32 to index
      %get3A_744 = tpu.vector_load %arg14[%get3A_742, %get3A_743] {strides = array<i32>} : memref<256x128xf32, #tpu.memory_space<vmem>>, vector<16xf32>,
      %add3A_745 = arith.constant 0 : i32
      %add3A_746 = arith.addi %mul3A_739, %add3A_745 : i32
      %get3A_747 = arith.index_cast %add3A_731 : i32 to index
      %get3A_748 = arith.index_cast %add3A_746 : i32 to index
      %get3A_749 = tpu.vector_load %arg15[%get3A_747, %get3A_748] {strides = array<i32>} : memref<256x128xf32, #tpu.memory_space<vmem>>, vector<16xf32>,
      %mul3A_750 = arith.mulf %get3A_744, %get3A_749 : vector<16xf32>
      %mul3A_751 = arith.mulf %mul3A_750, %get3A_3 : vector<16xf32>
      %add3A_752 = arith.constant 16 : i32
      %add3A_753 = arith.addi %mul3A_735, %add3A_752 : i32
      %get3A_754 = arith.index_cast %add3A_731 : i32 to index
      %get3A_755 = arith.index_cast %add3A_753 : i32 to index
      %get3A_756 = tpu.vector_load %arg14[%get3A_754, %get3A_755] {strides = array<i32>} : memref<256x128xf32, #tpu.memory_space<vmem>>, vector<16xf32>,
      %add3A_757 = arith.constant 16 : i32
      %add3A_758 = arith.addi %mul3A_739, %add3A_757 : i32
      %get3A_759 = arith.index_cast %add3A_731 : i32 to index
      %get3A_760 = arith.index_cast %add3A_758 : i32 to index
      %get3A_761 = tpu.vector_load %arg15[%get3A_759, %get3A_760] {strides = array<i32>} : memref<256x128xf32, #tpu.memory_space<vmem>>, vector<16xf32>,
      %mul3A_762 = arith.mulf %get3A_756, %get3A_761 : vector<16xf32>
      %mul3A_763 = arith.mulf %mul3A_762, %get3A_7 : vector<16xf32>
      %add3A_764 = arith.addf %mul3A_751, %mul3A_763 : vector<16xf32>
      %add3A_765 = arith.constant 32 : i32
      %add3A_766 = arith.addi %mul3A_735, %add3A_765 : i32
      %get3A_767 = arith.index_cast %add3A_731 : i32 to index
      %get3A_768 = arith.index_cast %add3A_766 : i32 to index
      %get3A_769 = tpu.vector_load %arg14[%get3A_767, %get3A_768] {strides = array<i32>} : memref<256x128xf32, #tpu.memory_space<vmem>>, vector<16xf32>,
      %add3A_770 = arith.constant 32 : i32
      %add3A_771 = arith.addi %mul3A_739, %add3A_770 : i32
      %get3A_772 = arith.index_cast %add3A_731 : i32 to index
      %get3A_773 = arith.index_cast %add3A_771 : i32 to index
      %get3A_774 = tpu.vector_load %arg15[%get3A_772, %get3A_773] {strides = array<i32>} : memref<256x128xf32, #tpu.memory_space<vmem>>, vector<16xf32>,
      %mul3A_775 = arith.mulf %get3A_769, %get3A_774 : vector<16xf32>
      %mul3A_776 = arith.mulf %mul3A_775, %get3A_11 : vector<16xf32>
      %add3A_777 = arith.addf %add3A_764, %mul3A_776 : vector<16xf32>
      %add3A_778 = arith.constant 48 : i32
      %add3A_779 = arith.addi %mul3A_735, %add3A_778 : i32
      %get3A_780 = arith.index_cast %add3A_731 : i32 to index
      %get3A_781 = arith.index_cast %add3A_779 : i32 to index
      %get3A_782 = tpu.vector_load %arg14[%get3A_780, %get3A_781] {strides = array<i32>} : memref<256x128xf32, #tpu.memory_space<vmem>>, vector<16xf32>,
      %add3A_783 = arith.constant 48 : i32
      %add3A_784 = arith.addi %mul3A_739, %add3A_783 : i32
      %get3A_785 = arith.index_cast %add3A_731 : i32 to index
      %get3A_786 = arith.index_cast %add3A_784 : i32 to index
      %get3A_787 = tpu.vector_load %arg15[%get3A_785, %get3A_786] {strides = array<i32>} : memref<256x128xf32, #tpu.memory_space<vmem>>, vector<16xf32>,
      %mul3A_788 = arith.mulf %get3A_782, %get3A_787 : vector<16xf32>
      %mul3A_789 = arith.mulf %mul3A_788, %get3A_15 : vector<16xf32>
      %add3A_790 = arith.addf %add3A_777, %mul3A_789 : vector<16xf32>
      %reduce_sum3A_791 = arith.constant true
      %reduce_sum3A_792 = vector.broadcast %reduce_sum3A_791 : i1 to vector<16xi1>
      %reduce_sum3A_793 = tpu.scan <sum>, %add3A_790 masked %reduce_sum3A_792 : vector<16xf32>, vector<16xi1> -> vector<16xf32>
      %reduce_sum3A_794 = vector.extract %reduce_sum3A_793[15] : f32 from vector<16xf32>
      %eq3A_795 = arith.constant 7 : i32
      %eq3A_796 = vector.broadcast %eq3A_795 : i32 to vector<16xi32>
      %eq3A_797 = arith.cmpi eq, %iota3A, %eq3A_796 : vector<16xi32>
      %broadcast_in_dim3A_798 = arith.constant 0.000000e+00 : f32
      %broadcast_in_dim3A_799 = vector.broadcast %broadcast_in_dim3A_798 : f32 to vector<16xf32>
      %broadcast_in_dim3A_800 = vector.broadcast %reduce_sum3A_794 : f32 to vector<16xf32>
      %select_n3A_801 = arith.select %eq3A_797, %broadcast_in_dim3A_800, %broadcast_in_dim3A_799 : vector<16xi1>, vector<16xf32>
      %add3A_802 = arith.addf %add3A_729, %select_n3A_801 : vector<16xf32>
      %add3A_803 = arith.constant 8 : i32
      %add3A_804 = arith.addi %mul3A_216, %add3A_803 : i32
      %slice3A_805 = vector.extract_strided_slice %get3A_220 {offsets = [8], sizes = [1], strides = [1]} : vector<16xi32> to vector<1xi32>
      %squeeze3A_806 = vector.extract %slice3A_805[0] : i32 from vector<1xi32>
      %mul3A_807 = arith.constant 64 : i32
      %mul3A_808 = arith.muli %squeeze3A_806, %mul3A_807 : i32
      %slice3A_809 = vector.extract_strided_slice %get3A_224 {offsets = [8], sizes = [1], strides = [1]} : vector<16xi32> to vector<1xi32>
      %squeeze3A_810 = vector.extract %slice3A_809[0] : i32 from vector<1xi32>
      %mul3A_811 = arith.constant 64 : i32
      %mul3A_812 = arith.muli %squeeze3A_810, %mul3A_811 : i32
      %add3A_813 = arith.constant 0 : i32
      %add3A_814 = arith.addi %mul3A_808, %add3A_813 : i32
      %get3A_815 = arith.index_cast %add3A_804 : i32 to index
      %get3A_816 = arith.index_cast %add3A_814 : i32 to index
      %get3A_817 = tpu.vector_load %arg14[%get3A_815, %get3A_816] {strides = array<i32>} : memref<256x128xf32, #tpu.memory_space<vmem>>, vector<16xf32>,
      %add3A_818 = arith.constant 0 : i32
      %add3A_819 = arith.addi %mul3A_812, %add3A_818 : i32
      %get3A_820 = arith.index_cast %add3A_804 : i32 to index
      %get3A_821 = arith.index_cast %add3A_819 : i32 to index
      %get3A_822 = tpu.vector_load %arg15[%get3A_820, %get3A_821] {strides = array<i32>} : memref<256x128xf32, #tpu.memory_space<vmem>>, vector<16xf32>,
      %mul3A_823 = arith.mulf %get3A_817, %get3A_822 : vector<16xf32>
      %mul3A_824 = arith.mulf %mul3A_823, %get3A_3 : vector<16xf32>
      %add3A_825 = arith.constant 16 : i32
      %add3A_826 = arith.addi %mul3A_808, %add3A_825 : i32
      %get3A_827 = arith.index_cast %add3A_804 : i32 to index
      %get3A_828 = arith.index_cast %add3A_826 : i32 to index
      %get3A_829 = tpu.vector_load %arg14[%get3A_827, %get3A_828] {strides = array<i32>} : memref<256x128xf32, #tpu.memory_space<vmem>>, vector<16xf32>,
      %add3A_830 = arith.constant 16 : i32
      %add3A_831 = arith.addi %mul3A_812, %add3A_830 : i32
      %get3A_832 = arith.index_cast %add3A_804 : i32 to index
      %get3A_833 = arith.index_cast %add3A_831 : i32 to index
      %get3A_834 = tpu.vector_load %arg15[%get3A_832, %get3A_833] {strides = array<i32>} : memref<256x128xf32, #tpu.memory_space<vmem>>, vector<16xf32>,
      %mul3A_835 = arith.mulf %get3A_829, %get3A_834 : vector<16xf32>
      %mul3A_836 = arith.mulf %mul3A_835, %get3A_7 : vector<16xf32>
      %add3A_837 = arith.addf %mul3A_824, %mul3A_836 : vector<16xf32>
      %add3A_838 = arith.constant 32 : i32
      %add3A_839 = arith.addi %mul3A_808, %add3A_838 : i32
      %get3A_840 = arith.index_cast %add3A_804 : i32 to index
      %get3A_841 = arith.index_cast %add3A_839 : i32 to index
      %get3A_842 = tpu.vector_load %arg14[%get3A_840, %get3A_841] {strides = array<i32>} : memref<256x128xf32, #tpu.memory_space<vmem>>, vector<16xf32>,
      %add3A_843 = arith.constant 32 : i32
      %add3A_844 = arith.addi %mul3A_812, %add3A_843 : i32
      %get3A_845 = arith.index_cast %add3A_804 : i32 to index
      %get3A_846 = arith.index_cast %add3A_844 : i32 to index
      %get3A_847 = tpu.vector_load %arg15[%get3A_845, %get3A_846] {strides = array<i32>} : memref<256x128xf32, #tpu.memory_space<vmem>>, vector<16xf32>,
      %mul3A_848 = arith.mulf %get3A_842, %get3A_847 : vector<16xf32>
      %mul3A_849 = arith.mulf %mul3A_848, %get3A_11 : vector<16xf32>
      %add3A_850 = arith.addf %add3A_837, %mul3A_849 : vector<16xf32>
      %add3A_851 = arith.constant 48 : i32
      %add3A_852 = arith.addi %mul3A_808, %add3A_851 : i32
      %get3A_853 = arith.index_cast %add3A_804 : i32 to index
      %get3A_854 = arith.index_cast %add3A_852 : i32 to index
      %get3A_855 = tpu.vector_load %arg14[%get3A_853, %get3A_854] {strides = array<i32>} : memref<256x128xf32, #tpu.memory_space<vmem>>, vector<16xf32>,
      %add3A_856 = arith.constant 48 : i32
      %add3A_857 = arith.addi %mul3A_812, %add3A_856 : i32
      %get3A_858 = arith.index_cast %add3A_804 : i32 to index
      %get3A_859 = arith.index_cast %add3A_857 : i32 to index
      %get3A_860 = tpu.vector_load %arg15[%get3A_858, %get3A_859] {strides = array<i32>} : memref<256x128xf32, #tpu.memory_space<vmem>>, vector<16xf32>,
      %mul3A_861 = arith.mulf %get3A_855, %get3A_860 : vector<16xf32>
      %mul3A_862 = arith.mulf %mul3A_861, %get3A_15 : vector<16xf32>
      %add3A_863 = arith.addf %add3A_850, %mul3A_862 : vector<16xf32>
      %reduce_sum3A_864 = arith.constant true
      %reduce_sum3A_865 = vector.broadcast %reduce_sum3A_864 : i1 to vector<16xi1>
      %reduce_sum3A_866 = tpu.scan <sum>, %add3A_863 masked %reduce_sum3A_865 : vector<16xf32>, vector<16xi1> -> vector<16xf32>
      %reduce_sum3A_867 = vector.extract %reduce_sum3A_866[15] : f32 from vector<16xf32>
      %eq3A_868 = arith.constant 8 : i32
      %eq3A_869 = vector.broadcast %eq3A_868 : i32 to vector<16xi32>
      %eq3A_870 = arith.cmpi eq, %iota3A, %eq3A_869 : vector<16xi32>
      %broadcast_in_dim3A_871 = arith.constant 0.000000e+00 : f32
      %broadcast_in_dim3A_872 = vector.broadcast %broadcast_in_dim3A_871 : f32 to vector<16xf32>
      %broadcast_in_dim3A_873 = vector.broadcast %reduce_sum3A_867 : f32 to vector<16xf32>
      %select_n3A_874 = arith.select %eq3A_870, %broadcast_in_dim3A_873, %broadcast_in_dim3A_872 : vector<16xi1>, vector<16xf32>
      %add3A_875 = arith.addf %add3A_802, %select_n3A_874 : vector<16xf32>
      %add3A_876 = arith.constant 9 : i32
      %add3A_877 = arith.addi %mul3A_216, %add3A_876 : i32
      %slice3A_878 = vector.extract_strided_slice %get3A_220 {offsets = [9], sizes = [1], strides = [1]} : vector<16xi32> to vector<1xi32>
      %squeeze3A_879 = vector.extract %slice3A_878[0] : i32 from vector<1xi32>
      %mul3A_880 = arith.constant 64 : i32
      %mul3A_881 = arith.muli %squeeze3A_879, %mul3A_880 : i32
      %slice3A_882 = vector.extract_strided_slice %get3A_224 {offsets = [9], sizes = [1], strides = [1]} : vector<16xi32> to vector<1xi32>
      %squeeze3A_883 = vector.extract %slice3A_882[0] : i32 from vector<1xi32>
      %mul3A_884 = arith.constant 64 : i32
      %mul3A_885 = arith.muli %squeeze3A_883, %mul3A_884 : i32
      %add3A_886 = arith.constant 0 : i32
      %add3A_887 = arith.addi %mul3A_881, %add3A_886 : i32
      %get3A_888 = arith.index_cast %add3A_877 : i32 to index
      %get3A_889 = arith.index_cast %add3A_887 : i32 to index
      %get3A_890 = tpu.vector_load %arg14[%get3A_888, %get3A_889] {strides = array<i32>} : memref<256x128xf32, #tpu.memory_space<vmem>>, vector<16xf32>,
      %add3A_891 = arith.constant 0 : i32
      %add3A_892 = arith.addi %mul3A_885, %add3A_891 : i32
      %get3A_893 = arith.index_cast %add3A_877 : i32 to index
      %get3A_894 = arith.index_cast %add3A_892 : i32 to index
      %get3A_895 = tpu.vector_load %arg15[%get3A_893, %get3A_894] {strides = array<i32>} : memref<256x128xf32, #tpu.memory_space<vmem>>, vector<16xf32>,
      %mul3A_896 = arith.mulf %get3A_890, %get3A_895 : vector<16xf32>
      %mul3A_897 = arith.mulf %mul3A_896, %get3A_3 : vector<16xf32>
      %add3A_898 = arith.constant 16 : i32
      %add3A_899 = arith.addi %mul3A_881, %add3A_898 : i32
      %get3A_900 = arith.index_cast %add3A_877 : i32 to index
      %get3A_901 = arith.index_cast %add3A_899 : i32 to index
      %get3A_902 = tpu.vector_load %arg14[%get3A_900, %get3A_901] {strides = array<i32>} : memref<256x128xf32, #tpu.memory_space<vmem>>, vector<16xf32>,
      %add3A_903 = arith.constant 16 : i32
      %add3A_904 = arith.addi %mul3A_885, %add3A_903 : i32
      %get3A_905 = arith.index_cast %add3A_877 : i32 to index
      %get3A_906 = arith.index_cast %add3A_904 : i32 to index
      %get3A_907 = tpu.vector_load %arg15[%get3A_905, %get3A_906] {strides = array<i32>} : memref<256x128xf32, #tpu.memory_space<vmem>>, vector<16xf32>,
      %mul3A_908 = arith.mulf %get3A_902, %get3A_907 : vector<16xf32>
      %mul3A_909 = arith.mulf %mul3A_908, %get3A_7 : vector<16xf32>
      %add3A_910 = arith.addf %mul3A_897, %mul3A_909 : vector<16xf32>
      %add3A_911 = arith.constant 32 : i32
      %add3A_912 = arith.addi %mul3A_881, %add3A_911 : i32
      %get3A_913 = arith.index_cast %add3A_877 : i32 to index
      %get3A_914 = arith.index_cast %add3A_912 : i32 to index
      %get3A_915 = tpu.vector_load %arg14[%get3A_913, %get3A_914] {strides = array<i32>} : memref<256x128xf32, #tpu.memory_space<vmem>>, vector<16xf32>,
      %add3A_916 = arith.constant 32 : i32
      %add3A_917 = arith.addi %mul3A_885, %add3A_916 : i32
      %get3A_918 = arith.index_cast %add3A_877 : i32 to index
      %get3A_919 = arith.index_cast %add3A_917 : i32 to index
      %get3A_920 = tpu.vector_load %arg15[%get3A_918, %get3A_919] {strides = array<i32>} : memref<256x128xf32, #tpu.memory_space<vmem>>, vector<16xf32>,
      %mul3A_921 = arith.mulf %get3A_915, %get3A_920 : vector<16xf32>
      %mul3A_922 = arith.mulf %mul3A_921, %get3A_11 : vector<16xf32>
      %add3A_923 = arith.addf %add3A_910, %mul3A_922 : vector<16xf32>
      %add3A_924 = arith.constant 48 : i32
      %add3A_925 = arith.addi %mul3A_881, %add3A_924 : i32
      %get3A_926 = arith.index_cast %add3A_877 : i32 to index
      %get3A_927 = arith.index_cast %add3A_925 : i32 to index
      %get3A_928 = tpu.vector_load %arg14[%get3A_926, %get3A_927] {strides = array<i32>} : memref<256x128xf32, #tpu.memory_space<vmem>>, vector<16xf32>,
      %add3A_929 = arith.constant 48 : i32
      %add3A_930 = arith.addi %mul3A_885, %add3A_929 : i32
      %get3A_931 = arith.index_cast %add3A_877 : i32 to index
      %get3A_932 = arith.index_cast %add3A_930 : i32 to index
      %get3A_933 = tpu.vector_load %arg15[%get3A_931, %get3A_932] {strides = array<i32>} : memref<256x128xf32, #tpu.memory_space<vmem>>, vector<16xf32>,
      %mul3A_934 = arith.mulf %get3A_928, %get3A_933 : vector<16xf32>
      %mul3A_935 = arith.mulf %mul3A_934, %get3A_15 : vector<16xf32>
      %add3A_936 = arith.addf %add3A_923, %mul3A_935 : vector<16xf32>
      %reduce_sum3A_937 = arith.constant true
      %reduce_sum3A_938 = vector.broadcast %reduce_sum3A_937 : i1 to vector<16xi1>
      %reduce_sum3A_939 = tpu.scan <sum>, %add3A_936 masked %reduce_sum3A_938 : vector<16xf32>, vector<16xi1> -> vector<16xf32>
      %reduce_sum3A_940 = vector.extract %reduce_sum3A_939[15] : f32 from vector<16xf32>
      %eq3A_941 = arith.constant 9 : i32
      %eq3A_942 = vector.broadcast %eq3A_941 : i32 to vector<16xi32>
      %eq3A_943 = arith.cmpi eq, %iota3A, %eq3A_942 : vector<16xi32>
      %broadcast_in_dim3A_944 = arith.constant 0.000000e+00 : f32
      %broadcast_in_dim3A_945 = vector.broadcast %broadcast_in_dim3A_944 : f32 to vector<16xf32>
      %broadcast_in_dim3A_946 = vector.broadcast %reduce_sum3A_940 : f32 to vector<16xf32>
      %select_n3A_947 = arith.select %eq3A_943, %broadcast_in_dim3A_946, %broadcast_in_dim3A_945 : vector<16xi1>, vector<16xf32>
      %add3A_948 = arith.addf %add3A_875, %select_n3A_947 : vector<16xf32>
      %add3A_949 = arith.constant 10 : i32
      %add3A_950 = arith.addi %mul3A_216, %add3A_949 : i32
      %slice3A_951 = vector.extract_strided_slice %get3A_220 {offsets = [10], sizes = [1], strides = [1]} : vector<16xi32> to vector<1xi32>
      %squeeze3A_952 = vector.extract %slice3A_951[0] : i32 from vector<1xi32>
      %mul3A_953 = arith.constant 64 : i32
      %mul3A_954 = arith.muli %squeeze3A_952, %mul3A_953 : i32
      %slice3A_955 = vector.extract_strided_slice %get3A_224 {offsets = [10], sizes = [1], strides = [1]} : vector<16xi32> to vector<1xi32>
      %squeeze3A_956 = vector.extract %slice3A_955[0] : i32 from vector<1xi32>
      %mul3A_957 = arith.constant 64 : i32
      %mul3A_958 = arith.muli %squeeze3A_956, %mul3A_957 : i32
      %add3A_959 = arith.constant 0 : i32
      %add3A_960 = arith.addi %mul3A_954, %add3A_959 : i32
      %get3A_961 = arith.index_cast %add3A_950 : i32 to index
      %get3A_962 = arith.index_cast %add3A_960 : i32 to index
      %get3A_963 = tpu.vector_load %arg14[%get3A_961, %get3A_962] {strides = array<i32>} : memref<256x128xf32, #tpu.memory_space<vmem>>, vector<16xf32>,
      %add3A_964 = arith.constant 0 : i32
      %add3A_965 = arith.addi %mul3A_958, %add3A_964 : i32
      %get3A_966 = arith.index_cast %add3A_950 : i32 to index
      %get3A_967 = arith.index_cast %add3A_965 : i32 to index
      %get3A_968 = tpu.vector_load %arg15[%get3A_966, %get3A_967] {strides = array<i32>} : memref<256x128xf32, #tpu.memory_space<vmem>>, vector<16xf32>,
      %mul3A_969 = arith.mulf %get3A_963, %get3A_968 : vector<16xf32>
      %mul3A_970 = arith.mulf %mul3A_969, %get3A_3 : vector<16xf32>
      %add3A_971 = arith.constant 16 : i32
      %add3A_972 = arith.addi %mul3A_954, %add3A_971 : i32
      %get3A_973 = arith.index_cast %add3A_950 : i32 to index
      %get3A_974 = arith.index_cast %add3A_972 : i32 to index
      %get3A_975 = tpu.vector_load %arg14[%get3A_973, %get3A_974] {strides = array<i32>} : memref<256x128xf32, #tpu.memory_space<vmem>>, vector<16xf32>,
      %add3A_976 = arith.constant 16 : i32
      %add3A_977 = arith.addi %mul3A_958, %add3A_976 : i32
      %get3A_978 = arith.index_cast %add3A_950 : i32 to index
      %get3A_979 = arith.index_cast %add3A_977 : i32 to index
      %get3A_980 = tpu.vector_load %arg15[%get3A_978, %get3A_979] {strides = array<i32>} : memref<256x128xf32, #tpu.memory_space<vmem>>, vector<16xf32>,
      %mul3A_981 = arith.mulf %get3A_975, %get3A_980 : vector<16xf32>
      %mul3A_982 = arith.mulf %mul3A_981, %get3A_7 : vector<16xf32>
      %add3A_983 = arith.addf %mul3A_970, %mul3A_982 : vector<16xf32>
      %add3A_984 = arith.constant 32 : i32
      %add3A_985 = arith.addi %mul3A_954, %add3A_984 : i32
      %get3A_986 = arith.index_cast %add3A_950 : i32 to index
      %get3A_987 = arith.index_cast %add3A_985 : i32 to index
      %get3A_988 = tpu.vector_load %arg14[%get3A_986, %get3A_987] {strides = array<i32>} : memref<256x128xf32, #tpu.memory_space<vmem>>, vector<16xf32>,
      %add3A_989 = arith.constant 32 : i32
      %add3A_990 = arith.addi %mul3A_958, %add3A_989 : i32
      %get3A_991 = arith.index_cast %add3A_950 : i32 to index
      %get3A_992 = arith.index_cast %add3A_990 : i32 to index
      %get3A_993 = tpu.vector_load %arg15[%get3A_991, %get3A_992] {strides = array<i32>} : memref<256x128xf32, #tpu.memory_space<vmem>>, vector<16xf32>,
      %mul3A_994 = arith.mulf %get3A_988, %get3A_993 : vector<16xf32>
      %mul3A_995 = arith.mulf %mul3A_994, %get3A_11 : vector<16xf32>
      %add3A_996 = arith.addf %add3A_983, %mul3A_995 : vector<16xf32>
      %add3A_997 = arith.constant 48 : i32
      %add3A_998 = arith.addi %mul3A_954, %add3A_997 : i32
      %get3A_999 = arith.index_cast %add3A_950 : i32 to index
      %get3A_1000 = arith.index_cast %add3A_998 : i32 to index
      %get3A_1001 = tpu.vector_load %arg14[%get3A_999, %get3A_1000] {strides = array<i32>} : memref<256x128xf32, #tpu.memory_space<vmem>>, vector<16xf32>,
      %add3A_1002 = arith.constant 48 : i32
      %add3A_1003 = arith.addi %mul3A_958, %add3A_1002 : i32
      %get3A_1004 = arith.index_cast %add3A_950 : i32 to index
      %get3A_1005 = arith.index_cast %add3A_1003 : i32 to index
      %get3A_1006 = tpu.vector_load %arg15[%get3A_1004, %get3A_1005] {strides = array<i32>} : memref<256x128xf32, #tpu.memory_space<vmem>>, vector<16xf32>,
      %mul3A_1007 = arith.mulf %get3A_1001, %get3A_1006 : vector<16xf32>
      %mul3A_1008 = arith.mulf %mul3A_1007, %get3A_15 : vector<16xf32>
      %add3A_1009 = arith.addf %add3A_996, %mul3A_1008 : vector<16xf32>
      %reduce_sum3A_1010 = arith.constant true
      %reduce_sum3A_1011 = vector.broadcast %reduce_sum3A_1010 : i1 to vector<16xi1>
      %reduce_sum3A_1012 = tpu.scan <sum>, %add3A_1009 masked %reduce_sum3A_1011 : vector<16xf32>, vector<16xi1> -> vector<16xf32>
      %reduce_sum3A_1013 = vector.extract %reduce_sum3A_1012[15] : f32 from vector<16xf32>
      %eq3A_1014 = arith.constant 10 : i32
      %eq3A_1015 = vector.broadcast %eq3A_1014 : i32 to vector<16xi32>
      %eq3A_1016 = arith.cmpi eq, %iota3A, %eq3A_1015 : vector<16xi32>
      %broadcast_in_dim3A_1017 = arith.constant 0.000000e+00 : f32
      %broadcast_in_dim3A_1018 = vector.broadcast %broadcast_in_dim3A_1017 : f32 to vector<16xf32>
      %broadcast_in_dim3A_1019 = vector.broadcast %reduce_sum3A_1013 : f32 to vector<16xf32>
      %select_n3A_1020 = arith.select %eq3A_1016, %broadcast_in_dim3A_1019, %broadcast_in_dim3A_1018 : vector<16xi1>, vector<16xf32>
      %add3A_1021 = arith.addf %add3A_948, %select_n3A_1020 : vector<16xf32>
      %add3A_1022 = arith.constant 11 : i32
      %add3A_1023 = arith.addi %mul3A_216, %add3A_1022 : i32
      %slice3A_1024 = vector.extract_strided_slice %get3A_220 {offsets = [11], sizes = [1], strides = [1]} : vector<16xi32> to vector<1xi32>
      %squeeze3A_1025 = vector.extract %slice3A_1024[0] : i32 from vector<1xi32>
      %mul3A_1026 = arith.constant 64 : i32
      %mul3A_1027 = arith.muli %squeeze3A_1025, %mul3A_1026 : i32
      %slice3A_1028 = vector.extract_strided_slice %get3A_224 {offsets = [11], sizes = [1], strides = [1]} : vector<16xi32> to vector<1xi32>
      %squeeze3A_1029 = vector.extract %slice3A_1028[0] : i32 from vector<1xi32>
      %mul3A_1030 = arith.constant 64 : i32
      %mul3A_1031 = arith.muli %squeeze3A_1029, %mul3A_1030 : i32
      %add3A_1032 = arith.constant 0 : i32
      %add3A_1033 = arith.addi %mul3A_1027, %add3A_1032 : i32
      %get3A_1034 = arith.index_cast %add3A_1023 : i32 to index
      %get3A_1035 = arith.index_cast %add3A_1033 : i32 to index
      %get3A_1036 = tpu.vector_load %arg14[%get3A_1034, %get3A_1035] {strides = array<i32>} : memref<256x128xf32, #tpu.memory_space<vmem>>, vector<16xf32>,
      %add3A_1037 = arith.constant 0 : i32
      %add3A_1038 = arith.addi %mul3A_1031, %add3A_1037 : i32
      %get3A_1039 = arith.index_cast %add3A_1023 : i32 to index
      %get3A_1040 = arith.index_cast %add3A_1038 : i32 to index
      %get3A_1041 = tpu.vector_load %arg15[%get3A_1039, %get3A_1040] {strides = array<i32>} : memref<256x128xf32, #tpu.memory_space<vmem>>, vector<16xf32>,
      %mul3A_1042 = arith.mulf %get3A_1036, %get3A_1041 : vector<16xf32>
      %mul3A_1043 = arith.mulf %mul3A_1042, %get3A_3 : vector<16xf32>
      %add3A_1044 = arith.constant 16 : i32
      %add3A_1045 = arith.addi %mul3A_1027, %add3A_1044 : i32
      %get3A_1046 = arith.index_cast %add3A_1023 : i32 to index
      %get3A_1047 = arith.index_cast %add3A_1045 : i32 to index
      %get3A_1048 = tpu.vector_load %arg14[%get3A_1046, %get3A_1047] {strides = array<i32>} : memref<256x128xf32, #tpu.memory_space<vmem>>, vector<16xf32>,
      %add3A_1049 = arith.constant 16 : i32
      %add3A_1050 = arith.addi %mul3A_1031, %add3A_1049 : i32
      %get3A_1051 = arith.index_cast %add3A_1023 : i32 to index
      %get3A_1052 = arith.index_cast %add3A_1050 : i32 to index
      %get3A_1053 = tpu.vector_load %arg15[%get3A_1051, %get3A_1052] {strides = array<i32>} : memref<256x128xf32, #tpu.memory_space<vmem>>, vector<16xf32>,
      %mul3A_1054 = arith.mulf %get3A_1048, %get3A_1053 : vector<16xf32>
      %mul3A_1055 = arith.mulf %mul3A_1054, %get3A_7 : vector<16xf32>
      %add3A_1056 = arith.addf %mul3A_1043, %mul3A_1055 : vector<16xf32>
      %add3A_1057 = arith.constant 32 : i32
      %add3A_1058 = arith.addi %mul3A_1027, %add3A_1057 : i32
      %get3A_1059 = arith.index_cast %add3A_1023 : i32 to index
      %get3A_1060 = arith.index_cast %add3A_1058 : i32 to index
      %get3A_1061 = tpu.vector_load %arg14[%get3A_1059, %get3A_1060] {strides = array<i32>} : memref<256x128xf32, #tpu.memory_space<vmem>>, vector<16xf32>,
      %add3A_1062 = arith.constant 32 : i32
      %add3A_1063 = arith.addi %mul3A_1031, %add3A_1062 : i32
      %get3A_1064 = arith.index_cast %add3A_1023 : i32 to index
      %get3A_1065 = arith.index_cast %add3A_1063 : i32 to index
      %get3A_1066 = tpu.vector_load %arg15[%get3A_1064, %get3A_1065] {strides = array<i32>} : memref<256x128xf32, #tpu.memory_space<vmem>>, vector<16xf32>,
      %mul3A_1067 = arith.mulf %get3A_1061, %get3A_1066 : vector<16xf32>
      %mul3A_1068 = arith.mulf %mul3A_1067, %get3A_11 : vector<16xf32>
      %add3A_1069 = arith.addf %add3A_1056, %mul3A_1068 : vector<16xf32>
      %add3A_1070 = arith.constant 48 : i32
      %add3A_1071 = arith.addi %mul3A_1027, %add3A_1070 : i32
      %get3A_1072 = arith.index_cast %add3A_1023 : i32 to index
      %get3A_1073 = arith.index_cast %add3A_1071 : i32 to index
      %get3A_1074 = tpu.vector_load %arg14[%get3A_1072, %get3A_1073] {strides = array<i32>} : memref<256x128xf32, #tpu.memory_space<vmem>>, vector<16xf32>,
      %add3A_1075 = arith.constant 48 : i32
      %add3A_1076 = arith.addi %mul3A_1031, %add3A_1075 : i32
      %get3A_1077 = arith.index_cast %add3A_1023 : i32 to index
      %get3A_1078 = arith.index_cast %add3A_1076 : i32 to index
      %get3A_1079 = tpu.vector_load %arg15[%get3A_1077, %get3A_1078] {strides = array<i32>} : memref<256x128xf32, #tpu.memory_space<vmem>>, vector<16xf32>,
      %mul3A_1080 = arith.mulf %get3A_1074, %get3A_1079 : vector<16xf32>
      %mul3A_1081 = arith.mulf %mul3A_1080, %get3A_15 : vector<16xf32>
      %add3A_1082 = arith.addf %add3A_1069, %mul3A_1081 : vector<16xf32>
      %reduce_sum3A_1083 = arith.constant true
      %reduce_sum3A_1084 = vector.broadcast %reduce_sum3A_1083 : i1 to vector<16xi1>
      %reduce_sum3A_1085 = tpu.scan <sum>, %add3A_1082 masked %reduce_sum3A_1084 : vector<16xf32>, vector<16xi1> -> vector<16xf32>
      %reduce_sum3A_1086 = vector.extract %reduce_sum3A_1085[15] : f32 from vector<16xf32>
      %eq3A_1087 = arith.constant 11 : i32
      %eq3A_1088 = vector.broadcast %eq3A_1087 : i32 to vector<16xi32>
      %eq3A_1089 = arith.cmpi eq, %iota3A, %eq3A_1088 : vector<16xi32>
      %broadcast_in_dim3A_1090 = arith.constant 0.000000e+00 : f32
      %broadcast_in_dim3A_1091 = vector.broadcast %broadcast_in_dim3A_1090 : f32 to vector<16xf32>
      %broadcast_in_dim3A_1092 = vector.broadcast %reduce_sum3A_1086 : f32 to vector<16xf32>
      %select_n3A_1093 = arith.select %eq3A_1089, %broadcast_in_dim3A_1092, %broadcast_in_dim3A_1091 : vector<16xi1>, vector<16xf32>
      %add3A_1094 = arith.addf %add3A_1021, %select_n3A_1093 : vector<16xf32>
      %add3A_1095 = arith.constant 12 : i32
      %add3A_1096 = arith.addi %mul3A_216, %add3A_1095 : i32
      %slice3A_1097 = vector.extract_strided_slice %get3A_220 {offsets = [12], sizes = [1], strides = [1]} : vector<16xi32> to vector<1xi32>
      %squeeze3A_1098 = vector.extract %slice3A_1097[0] : i32 from vector<1xi32>
      %mul3A_1099 = arith.constant 64 : i32
      %mul3A_1100 = arith.muli %squeeze3A_1098, %mul3A_1099 : i32
      %slice3A_1101 = vector.extract_strided_slice %get3A_224 {offsets = [12], sizes = [1], strides = [1]} : vector<16xi32> to vector<1xi32>
      %squeeze3A_1102 = vector.extract %slice3A_1101[0] : i32 from vector<1xi32>
      %mul3A_1103 = arith.constant 64 : i32
      %mul3A_1104 = arith.muli %squeeze3A_1102, %mul3A_1103 : i32
      %add3A_1105 = arith.constant 0 : i32
      %add3A_1106 = arith.addi %mul3A_1100, %add3A_1105 : i32
      %get3A_1107 = arith.index_cast %add3A_1096 : i32 to index
      %get3A_1108 = arith.index_cast %add3A_1106 : i32 to index
      %get3A_1109 = tpu.vector_load %arg14[%get3A_1107, %get3A_1108] {strides = array<i32>} : memref<256x128xf32, #tpu.memory_space<vmem>>, vector<16xf32>,
      %add3A_1110 = arith.constant 0 : i32
      %add3A_1111 = arith.addi %mul3A_1104, %add3A_1110 : i32
      %get3A_1112 = arith.index_cast %add3A_1096 : i32 to index
      %get3A_1113 = arith.index_cast %add3A_1111 : i32 to index
      %get3A_1114 = tpu.vector_load %arg15[%get3A_1112, %get3A_1113] {strides = array<i32>} : memref<256x128xf32, #tpu.memory_space<vmem>>, vector<16xf32>,
      %mul3A_1115 = arith.mulf %get3A_1109, %get3A_1114 : vector<16xf32>
      %mul3A_1116 = arith.mulf %mul3A_1115, %get3A_3 : vector<16xf32>
      %add3A_1117 = arith.constant 16 : i32
      %add3A_1118 = arith.addi %mul3A_1100, %add3A_1117 : i32
      %get3A_1119 = arith.index_cast %add3A_1096 : i32 to index
      %get3A_1120 = arith.index_cast %add3A_1118 : i32 to index
      %get3A_1121 = tpu.vector_load %arg14[%get3A_1119, %get3A_1120] {strides = array<i32>} : memref<256x128xf32, #tpu.memory_space<vmem>>, vector<16xf32>,
      %add3A_1122 = arith.constant 16 : i32
      %add3A_1123 = arith.addi %mul3A_1104, %add3A_1122 : i32
      %get3A_1124 = arith.index_cast %add3A_1096 : i32 to index
      %get3A_1125 = arith.index_cast %add3A_1123 : i32 to index
      %get3A_1126 = tpu.vector_load %arg15[%get3A_1124, %get3A_1125] {strides = array<i32>} : memref<256x128xf32, #tpu.memory_space<vmem>>, vector<16xf32>,
      %mul3A_1127 = arith.mulf %get3A_1121, %get3A_1126 : vector<16xf32>
      %mul3A_1128 = arith.mulf %mul3A_1127, %get3A_7 : vector<16xf32>
      %add3A_1129 = arith.addf %mul3A_1116, %mul3A_1128 : vector<16xf32>
      %add3A_1130 = arith.constant 32 : i32
      %add3A_1131 = arith.addi %mul3A_1100, %add3A_1130 : i32
      %get3A_1132 = arith.index_cast %add3A_1096 : i32 to index
      %get3A_1133 = arith.index_cast %add3A_1131 : i32 to index
      %get3A_1134 = tpu.vector_load %arg14[%get3A_1132, %get3A_1133] {strides = array<i32>} : memref<256x128xf32, #tpu.memory_space<vmem>>, vector<16xf32>,
      %add3A_1135 = arith.constant 32 : i32
      %add3A_1136 = arith.addi %mul3A_1104, %add3A_1135 : i32
      %get3A_1137 = arith.index_cast %add3A_1096 : i32 to index
      %get3A_1138 = arith.index_cast %add3A_1136 : i32 to index
      %get3A_1139 = tpu.vector_load %arg15[%get3A_1137, %get3A_1138] {strides = array<i32>} : memref<256x128xf32, #tpu.memory_space<vmem>>, vector<16xf32>,
      %mul3A_1140 = arith.mulf %get3A_1134, %get3A_1139 : vector<16xf32>
      %mul3A_1141 = arith.mulf %mul3A_1140, %get3A_11 : vector<16xf32>
      %add3A_1142 = arith.addf %add3A_1129, %mul3A_1141 : vector<16xf32>
      %add3A_1143 = arith.constant 48 : i32
      %add3A_1144 = arith.addi %mul3A_1100, %add3A_1143 : i32
      %get3A_1145 = arith.index_cast %add3A_1096 : i32 to index
      %get3A_1146 = arith.index_cast %add3A_1144 : i32 to index
      %get3A_1147 = tpu.vector_load %arg14[%get3A_1145, %get3A_1146] {strides = array<i32>} : memref<256x128xf32, #tpu.memory_space<vmem>>, vector<16xf32>,
      %add3A_1148 = arith.constant 48 : i32
      %add3A_1149 = arith.addi %mul3A_1104, %add3A_1148 : i32
      %get3A_1150 = arith.index_cast %add3A_1096 : i32 to index
      %get3A_1151 = arith.index_cast %add3A_1149 : i32 to index
      %get3A_1152 = tpu.vector_load %arg15[%get3A_1150, %get3A_1151] {strides = array<i32>} : memref<256x128xf32, #tpu.memory_space<vmem>>, vector<16xf32>,
      %mul3A_1153 = arith.mulf %get3A_1147, %get3A_1152 : vector<16xf32>
      %mul3A_1154 = arith.mulf %mul3A_1153, %get3A_15 : vector<16xf32>
      %add3A_1155 = arith.addf %add3A_1142, %mul3A_1154 : vector<16xf32>
      %reduce_sum3A_1156 = arith.constant true
      %reduce_sum3A_1157 = vector.broadcast %reduce_sum3A_1156 : i1 to vector<16xi1>
      %reduce_sum3A_1158 = tpu.scan <sum>, %add3A_1155 masked %reduce_sum3A_1157 : vector<16xf32>, vector<16xi1> -> vector<16xf32>
      %reduce_sum3A_1159 = vector.extract %reduce_sum3A_1158[15] : f32 from vector<16xf32>
      %eq3A_1160 = arith.constant 12 : i32
      %eq3A_1161 = vector.broadcast %eq3A_1160 : i32 to vector<16xi32>
      %eq3A_1162 = arith.cmpi eq, %iota3A, %eq3A_1161 : vector<16xi32>
      %broadcast_in_dim3A_1163 = arith.constant 0.000000e+00 : f32
      %broadcast_in_dim3A_1164 = vector.broadcast %broadcast_in_dim3A_1163 : f32 to vector<16xf32>
      %broadcast_in_dim3A_1165 = vector.broadcast %reduce_sum3A_1159 : f32 to vector<16xf32>
      %select_n3A_1166 = arith.select %eq3A_1162, %broadcast_in_dim3A_1165, %broadcast_in_dim3A_1164 : vector<16xi1>, vector<16xf32>
      %add3A_1167 = arith.addf %add3A_1094, %select_n3A_1166 : vector<16xf32>
      %add3A_1168 = arith.constant 13 : i32
      %add3A_1169 = arith.addi %mul3A_216, %add3A_1168 : i32
      %slice3A_1170 = vector.extract_strided_slice %get3A_220 {offsets = [13], sizes = [1], strides = [1]} : vector<16xi32> to vector<1xi32>
      %squeeze3A_1171 = vector.extract %slice3A_1170[0] : i32 from vector<1xi32>
      %mul3A_1172 = arith.constant 64 : i32
      %mul3A_1173 = arith.muli %squeeze3A_1171, %mul3A_1172 : i32
      %slice3A_1174 = vector.extract_strided_slice %get3A_224 {offsets = [13], sizes = [1], strides = [1]} : vector<16xi32> to vector<1xi32>
      %squeeze3A_1175 = vector.extract %slice3A_1174[0] : i32 from vector<1xi32>
      %mul3A_1176 = arith.constant 64 : i32
      %mul3A_1177 = arith.muli %squeeze3A_1175, %mul3A_1176 : i32
      %add3A_1178 = arith.constant 0 : i32
      %add3A_1179 = arith.addi %mul3A_1173, %add3A_1178 : i32
      %get3A_1180 = arith.index_cast %add3A_1169 : i32 to index
      %get3A_1181 = arith.index_cast %add3A_1179 : i32 to index
      %get3A_1182 = tpu.vector_load %arg14[%get3A_1180, %get3A_1181] {strides = array<i32>} : memref<256x128xf32, #tpu.memory_space<vmem>>, vector<16xf32>,
      %add3A_1183 = arith.constant 0 : i32
      %add3A_1184 = arith.addi %mul3A_1177, %add3A_1183 : i32
      %get3A_1185 = arith.index_cast %add3A_1169 : i32 to index
      %get3A_1186 = arith.index_cast %add3A_1184 : i32 to index
      %get3A_1187 = tpu.vector_load %arg15[%get3A_1185, %get3A_1186] {strides = array<i32>} : memref<256x128xf32, #tpu.memory_space<vmem>>, vector<16xf32>,
      %mul3A_1188 = arith.mulf %get3A_1182, %get3A_1187 : vector<16xf32>
      %mul3A_1189 = arith.mulf %mul3A_1188, %get3A_3 : vector<16xf32>
      %add3A_1190 = arith.constant 16 : i32
      %add3A_1191 = arith.addi %mul3A_1173, %add3A_1190 : i32
      %get3A_1192 = arith.index_cast %add3A_1169 : i32 to index
      %get3A_1193 = arith.index_cast %add3A_1191 : i32 to index
      %get3A_1194 = tpu.vector_load %arg14[%get3A_1192, %get3A_1193] {strides = array<i32>} : memref<256x128xf32, #tpu.memory_space<vmem>>, vector<16xf32>,
      %add3A_1195 = arith.constant 16 : i32
      %add3A_1196 = arith.addi %mul3A_1177, %add3A_1195 : i32
      %get3A_1197 = arith.index_cast %add3A_1169 : i32 to index
      %get3A_1198 = arith.index_cast %add3A_1196 : i32 to index
      %get3A_1199 = tpu.vector_load %arg15[%get3A_1197, %get3A_1198] {strides = array<i32>} : memref<256x128xf32, #tpu.memory_space<vmem>>, vector<16xf32>,
      %mul3A_1200 = arith.mulf %get3A_1194, %get3A_1199 : vector<16xf32>
      %mul3A_1201 = arith.mulf %mul3A_1200, %get3A_7 : vector<16xf32>
      %add3A_1202 = arith.addf %mul3A_1189, %mul3A_1201 : vector<16xf32>
      %add3A_1203 = arith.constant 32 : i32
      %add3A_1204 = arith.addi %mul3A_1173, %add3A_1203 : i32
      %get3A_1205 = arith.index_cast %add3A_1169 : i32 to index
      %get3A_1206 = arith.index_cast %add3A_1204 : i32 to index
      %get3A_1207 = tpu.vector_load %arg14[%get3A_1205, %get3A_1206] {strides = array<i32>} : memref<256x128xf32, #tpu.memory_space<vmem>>, vector<16xf32>,
      %add3A_1208 = arith.constant 32 : i32
      %add3A_1209 = arith.addi %mul3A_1177, %add3A_1208 : i32
      %get3A_1210 = arith.index_cast %add3A_1169 : i32 to index
      %get3A_1211 = arith.index_cast %add3A_1209 : i32 to index
      %get3A_1212 = tpu.vector_load %arg15[%get3A_1210, %get3A_1211] {strides = array<i32>} : memref<256x128xf32, #tpu.memory_space<vmem>>, vector<16xf32>,
      %mul3A_1213 = arith.mulf %get3A_1207, %get3A_1212 : vector<16xf32>
      %mul3A_1214 = arith.mulf %mul3A_1213, %get3A_11 : vector<16xf32>
      %add3A_1215 = arith.addf %add3A_1202, %mul3A_1214 : vector<16xf32>
      %add3A_1216 = arith.constant 48 : i32
      %add3A_1217 = arith.addi %mul3A_1173, %add3A_1216 : i32
      %get3A_1218 = arith.index_cast %add3A_1169 : i32 to index
      %get3A_1219 = arith.index_cast %add3A_1217 : i32 to index
      %get3A_1220 = tpu.vector_load %arg14[%get3A_1218, %get3A_1219] {strides = array<i32>} : memref<256x128xf32, #tpu.memory_space<vmem>>, vector<16xf32>,
      %add3A_1221 = arith.constant 48 : i32
      %add3A_1222 = arith.addi %mul3A_1177, %add3A_1221 : i32
      %get3A_1223 = arith.index_cast %add3A_1169 : i32 to index
      %get3A_1224 = arith.index_cast %add3A_1222 : i32 to index
      %get3A_1225 = tpu.vector_load %arg15[%get3A_1223, %get3A_1224] {strides = array<i32>} : memref<256x128xf32, #tpu.memory_space<vmem>>, vector<16xf32>,
      %mul3A_1226 = arith.mulf %get3A_1220, %get3A_1225 : vector<16xf32>
      %mul3A_1227 = arith.mulf %mul3A_1226, %get3A_15 : vector<16xf32>
      %add3A_1228 = arith.addf %add3A_1215, %mul3A_1227 : vector<16xf32>
      %reduce_sum3A_1229 = arith.constant true
      %reduce_sum3A_1230 = vector.broadcast %reduce_sum3A_1229 : i1 to vector<16xi1>
      %reduce_sum3A_1231 = tpu.scan <sum>, %add3A_1228 masked %reduce_sum3A_1230 : vector<16xf32>, vector<16xi1> -> vector<16xf32>
      %reduce_sum3A_1232 = vector.extract %reduce_sum3A_1231[15] : f32 from vector<16xf32>
      %eq3A_1233 = arith.constant 13 : i32
      %eq3A_1234 = vector.broadcast %eq3A_1233 : i32 to vector<16xi32>
      %eq3A_1235 = arith.cmpi eq, %iota3A, %eq3A_1234 : vector<16xi32>
      %broadcast_in_dim3A_1236 = arith.constant 0.000000e+00 : f32
      %broadcast_in_dim3A_1237 = vector.broadcast %broadcast_in_dim3A_1236 : f32 to vector<16xf32>
      %broadcast_in_dim3A_1238 = vector.broadcast %reduce_sum3A_1232 : f32 to vector<16xf32>
      %select_n3A_1239 = arith.select %eq3A_1235, %broadcast_in_dim3A_1238, %broadcast_in_dim3A_1237 : vector<16xi1>, vector<16xf32>
      %add3A_1240 = arith.addf %add3A_1167, %select_n3A_1239 : vector<16xf32>
      %add3A_1241 = arith.constant 14 : i32
      %add3A_1242 = arith.addi %mul3A_216, %add3A_1241 : i32
      %slice3A_1243 = vector.extract_strided_slice %get3A_220 {offsets = [14], sizes = [1], strides = [1]} : vector<16xi32> to vector<1xi32>
      %squeeze3A_1244 = vector.extract %slice3A_1243[0] : i32 from vector<1xi32>
      %mul3A_1245 = arith.constant 64 : i32
      %mul3A_1246 = arith.muli %squeeze3A_1244, %mul3A_1245 : i32
      %slice3A_1247 = vector.extract_strided_slice %get3A_224 {offsets = [14], sizes = [1], strides = [1]} : vector<16xi32> to vector<1xi32>
      %squeeze3A_1248 = vector.extract %slice3A_1247[0] : i32 from vector<1xi32>
      %mul3A_1249 = arith.constant 64 : i32
      %mul3A_1250 = arith.muli %squeeze3A_1248, %mul3A_1249 : i32
      %add3A_1251 = arith.constant 0 : i32
      %add3A_1252 = arith.addi %mul3A_1246, %add3A_1251 : i32
      %get3A_1253 = arith.index_cast %add3A_1242 : i32 to index
      %get3A_1254 = arith.index_cast %add3A_1252 : i32 to index
      %get3A_1255 = tpu.vector_load %arg14[%get3A_1253, %get3A_1254] {strides = array<i32>} : memref<256x128xf32, #tpu.memory_space<vmem>>, vector<16xf32>,
      %add3A_1256 = arith.constant 0 : i32
      %add3A_1257 = arith.addi %mul3A_1250, %add3A_1256 : i32
      %get3A_1258 = arith.index_cast %add3A_1242 : i32 to index
      %get3A_1259 = arith.index_cast %add3A_1257 : i32 to index
      %get3A_1260 = tpu.vector_load %arg15[%get3A_1258, %get3A_1259] {strides = array<i32>} : memref<256x128xf32, #tpu.memory_space<vmem>>, vector<16xf32>,
      %mul3A_1261 = arith.mulf %get3A_1255, %get3A_1260 : vector<16xf32>
      %mul3A_1262 = arith.mulf %mul3A_1261, %get3A_3 : vector<16xf32>
      %add3A_1263 = arith.constant 16 : i32
      %add3A_1264 = arith.addi %mul3A_1246, %add3A_1263 : i32
      %get3A_1265 = arith.index_cast %add3A_1242 : i32 to index
      %get3A_1266 = arith.index_cast %add3A_1264 : i32 to index
      %get3A_1267 = tpu.vector_load %arg14[%get3A_1265, %get3A_1266] {strides = array<i32>} : memref<256x128xf32, #tpu.memory_space<vmem>>, vector<16xf32>,
      %add3A_1268 = arith.constant 16 : i32
      %add3A_1269 = arith.addi %mul3A_1250, %add3A_1268 : i32
      %get3A_1270 = arith.index_cast %add3A_1242 : i32 to index
      %get3A_1271 = arith.index_cast %add3A_1269 : i32 to index
      %get3A_1272 = tpu.vector_load %arg15[%get3A_1270, %get3A_1271] {strides = array<i32>} : memref<256x128xf32, #tpu.memory_space<vmem>>, vector<16xf32>,
      %mul3A_1273 = arith.mulf %get3A_1267, %get3A_1272 : vector<16xf32>
      %mul3A_1274 = arith.mulf %mul3A_1273, %get3A_7 : vector<16xf32>
      %add3A_1275 = arith.addf %mul3A_1262, %mul3A_1274 : vector<16xf32>
      %add3A_1276 = arith.constant 32 : i32
      %add3A_1277 = arith.addi %mul3A_1246, %add3A_1276 : i32
      %get3A_1278 = arith.index_cast %add3A_1242 : i32 to index
      %get3A_1279 = arith.index_cast %add3A_1277 : i32 to index
      %get3A_1280 = tpu.vector_load %arg14[%get3A_1278, %get3A_1279] {strides = array<i32>} : memref<256x128xf32, #tpu.memory_space<vmem>>, vector<16xf32>,
      %add3A_1281 = arith.constant 32 : i32
      %add3A_1282 = arith.addi %mul3A_1250, %add3A_1281 : i32
      %get3A_1283 = arith.index_cast %add3A_1242 : i32 to index
      %get3A_1284 = arith.index_cast %add3A_1282 : i32 to index
      %get3A_1285 = tpu.vector_load %arg15[%get3A_1283, %get3A_1284] {strides = array<i32>} : memref<256x128xf32, #tpu.memory_space<vmem>>, vector<16xf32>,
      %mul3A_1286 = arith.mulf %get3A_1280, %get3A_1285 : vector<16xf32>
      %mul3A_1287 = arith.mulf %mul3A_1286, %get3A_11 : vector<16xf32>
      %add3A_1288 = arith.addf %add3A_1275, %mul3A_1287 : vector<16xf32>
      %add3A_1289 = arith.constant 48 : i32
      %add3A_1290 = arith.addi %mul3A_1246, %add3A_1289 : i32
      %get3A_1291 = arith.index_cast %add3A_1242 : i32 to index
      %get3A_1292 = arith.index_cast %add3A_1290 : i32 to index
      %get3A_1293 = tpu.vector_load %arg14[%get3A_1291, %get3A_1292] {strides = array<i32>} : memref<256x128xf32, #tpu.memory_space<vmem>>, vector<16xf32>,
      %add3A_1294 = arith.constant 48 : i32
      %add3A_1295 = arith.addi %mul3A_1250, %add3A_1294 : i32
      %get3A_1296 = arith.index_cast %add3A_1242 : i32 to index
      %get3A_1297 = arith.index_cast %add3A_1295 : i32 to index
      %get3A_1298 = tpu.vector_load %arg15[%get3A_1296, %get3A_1297] {strides = array<i32>} : memref<256x128xf32, #tpu.memory_space<vmem>>, vector<16xf32>,
      %mul3A_1299 = arith.mulf %get3A_1293, %get3A_1298 : vector<16xf32>
      %mul3A_1300 = arith.mulf %mul3A_1299, %get3A_15 : vector<16xf32>
      %add3A_1301 = arith.addf %add3A_1288, %mul3A_1300 : vector<16xf32>
      %reduce_sum3A_1302 = arith.constant true
      %reduce_sum3A_1303 = vector.broadcast %reduce_sum3A_1302 : i1 to vector<16xi1>
      %reduce_sum3A_1304 = tpu.scan <sum>, %add3A_1301 masked %reduce_sum3A_1303 : vector<16xf32>, vector<16xi1> -> vector<16xf32>
      %reduce_sum3A_1305 = vector.extract %reduce_sum3A_1304[15] : f32 from vector<16xf32>
      %eq3A_1306 = arith.constant 14 : i32
      %eq3A_1307 = vector.broadcast %eq3A_1306 : i32 to vector<16xi32>
      %eq3A_1308 = arith.cmpi eq, %iota3A, %eq3A_1307 : vector<16xi32>
      %broadcast_in_dim3A_1309 = arith.constant 0.000000e+00 : f32
      %broadcast_in_dim3A_1310 = vector.broadcast %broadcast_in_dim3A_1309 : f32 to vector<16xf32>
      %broadcast_in_dim3A_1311 = vector.broadcast %reduce_sum3A_1305 : f32 to vector<16xf32>
      %select_n3A_1312 = arith.select %eq3A_1308, %broadcast_in_dim3A_1311, %broadcast_in_dim3A_1310 : vector<16xi1>, vector<16xf32>
      %add3A_1313 = arith.addf %add3A_1240, %select_n3A_1312 : vector<16xf32>
      %add3A_1314 = arith.constant 15 : i32
      %add3A_1315 = arith.addi %mul3A_216, %add3A_1314 : i32
      %slice3A_1316 = vector.extract_strided_slice %get3A_220 {offsets = [15], sizes = [1], strides = [1]} : vector<16xi32> to vector<1xi32>
      %squeeze3A_1317 = vector.extract %slice3A_1316[0] : i32 from vector<1xi32>
      %mul3A_1318 = arith.constant 64 : i32
      %mul3A_1319 = arith.muli %squeeze3A_1317, %mul3A_1318 : i32
      %slice3A_1320 = vector.extract_strided_slice %get3A_224 {offsets = [15], sizes = [1], strides = [1]} : vector<16xi32> to vector<1xi32>
      %squeeze3A_1321 = vector.extract %slice3A_1320[0] : i32 from vector<1xi32>
      %mul3A_1322 = arith.constant 64 : i32
      %mul3A_1323 = arith.muli %squeeze3A_1321, %mul3A_1322 : i32
      %add3A_1324 = arith.constant 0 : i32
      %add3A_1325 = arith.addi %mul3A_1319, %add3A_1324 : i32
      %get3A_1326 = arith.index_cast %add3A_1315 : i32 to index
      %get3A_1327 = arith.index_cast %add3A_1325 : i32 to index
      %get3A_1328 = tpu.vector_load %arg14[%get3A_1326, %get3A_1327] {strides = array<i32>} : memref<256x128xf32, #tpu.memory_space<vmem>>, vector<16xf32>,
      %add3A_1329 = arith.constant 0 : i32
      %add3A_1330 = arith.addi %mul3A_1323, %add3A_1329 : i32
      %get3A_1331 = arith.index_cast %add3A_1315 : i32 to index
      %get3A_1332 = arith.index_cast %add3A_1330 : i32 to index
      %get3A_1333 = tpu.vector_load %arg15[%get3A_1331, %get3A_1332] {strides = array<i32>} : memref<256x128xf32, #tpu.memory_space<vmem>>, vector<16xf32>,
      %mul3A_1334 = arith.mulf %get3A_1328, %get3A_1333 : vector<16xf32>
      %mul3A_1335 = arith.mulf %mul3A_1334, %get3A_3 : vector<16xf32>
      %add3A_1336 = arith.constant 16 : i32
      %add3A_1337 = arith.addi %mul3A_1319, %add3A_1336 : i32
      %get3A_1338 = arith.index_cast %add3A_1315 : i32 to index
      %get3A_1339 = arith.index_cast %add3A_1337 : i32 to index
      %get3A_1340 = tpu.vector_load %arg14[%get3A_1338, %get3A_1339] {strides = array<i32>} : memref<256x128xf32, #tpu.memory_space<vmem>>, vector<16xf32>,
      %add3A_1341 = arith.constant 16 : i32
      %add3A_1342 = arith.addi %mul3A_1323, %add3A_1341 : i32
      %get3A_1343 = arith.index_cast %add3A_1315 : i32 to index
      %get3A_1344 = arith.index_cast %add3A_1342 : i32 to index
      %get3A_1345 = tpu.vector_load %arg15[%get3A_1343, %get3A_1344] {strides = array<i32>} : memref<256x128xf32, #tpu.memory_space<vmem>>, vector<16xf32>,
      %mul3A_1346 = arith.mulf %get3A_1340, %get3A_1345 : vector<16xf32>
      %mul3A_1347 = arith.mulf %mul3A_1346, %get3A_7 : vector<16xf32>
      %add3A_1348 = arith.addf %mul3A_1335, %mul3A_1347 : vector<16xf32>
      %add3A_1349 = arith.constant 32 : i32
      %add3A_1350 = arith.addi %mul3A_1319, %add3A_1349 : i32
      %get3A_1351 = arith.index_cast %add3A_1315 : i32 to index
      %get3A_1352 = arith.index_cast %add3A_1350 : i32 to index
      %get3A_1353 = tpu.vector_load %arg14[%get3A_1351, %get3A_1352] {strides = array<i32>} : memref<256x128xf32, #tpu.memory_space<vmem>>, vector<16xf32>,
      %add3A_1354 = arith.constant 32 : i32
      %add3A_1355 = arith.addi %mul3A_1323, %add3A_1354 : i32
      %get3A_1356 = arith.index_cast %add3A_1315 : i32 to index
      %get3A_1357 = arith.index_cast %add3A_1355 : i32 to index
      %get3A_1358 = tpu.vector_load %arg15[%get3A_1356, %get3A_1357] {strides = array<i32>} : memref<256x128xf32, #tpu.memory_space<vmem>>, vector<16xf32>,
      %mul3A_1359 = arith.mulf %get3A_1353, %get3A_1358 : vector<16xf32>
      %mul3A_1360 = arith.mulf %mul3A_1359, %get3A_11 : vector<16xf32>
      %add3A_1361 = arith.addf %add3A_1348, %mul3A_1360 : vector<16xf32>
      %add3A_1362 = arith.constant 48 : i32
      %add3A_1363 = arith.addi %mul3A_1319, %add3A_1362 : i32
      %get3A_1364 = arith.index_cast %add3A_1315 : i32 to index
      %get3A_1365 = arith.index_cast %add3A_1363 : i32 to index
      %get3A_1366 = tpu.vector_load %arg14[%get3A_1364, %get3A_1365] {strides = array<i32>} : memref<256x128xf32, #tpu.memory_space<vmem>>, vector<16xf32>,
      %add3A_1367 = arith.constant 48 : i32
      %add3A_1368 = arith.addi %mul3A_1323, %add3A_1367 : i32
      %get3A_1369 = arith.index_cast %add3A_1315 : i32 to index
      %get3A_1370 = arith.index_cast %add3A_1368 : i32 to index
      %get3A_1371 = tpu.vector_load %arg15[%get3A_1369, %get3A_1370] {strides = array<i32>} : memref<256x128xf32, #tpu.memory_space<vmem>>, vector<16xf32>,
      %mul3A_1372 = arith.mulf %get3A_1366, %get3A_1371 : vector<16xf32>
      %mul3A_1373 = arith.mulf %mul3A_1372, %get3A_15 : vector<16xf32>
      %add3A_1374 = arith.addf %add3A_1361, %mul3A_1373 : vector<16xf32>
      %reduce_sum3A_1375 = arith.constant true
      %reduce_sum3A_1376 = vector.broadcast %reduce_sum3A_1375 : i1 to vector<16xi1>
      %reduce_sum3A_1377 = tpu.scan <sum>, %add3A_1374 masked %reduce_sum3A_1376 : vector<16xf32>, vector<16xi1> -> vector<16xf32>
      %reduce_sum3A_1378 = vector.extract %reduce_sum3A_1377[15] : f32 from vector<16xf32>
      %eq3A_1379 = arith.constant 15 : i32
      %eq3A_1380 = vector.broadcast %eq3A_1379 : i32 to vector<16xi32>
      %eq3A_1381 = arith.cmpi eq, %iota3A, %eq3A_1380 : vector<16xi32>
      %broadcast_in_dim3A_1382 = arith.constant 0.000000e+00 : f32
      %broadcast_in_dim3A_1383 = vector.broadcast %broadcast_in_dim3A_1382 : f32 to vector<16xf32>
      %broadcast_in_dim3A_1384 = vector.broadcast %reduce_sum3A_1378 : f32 to vector<16xf32>
      %select_n3A_1385 = arith.select %eq3A_1381, %broadcast_in_dim3A_1384, %broadcast_in_dim3A_1383 : vector<16xi1>, vector<16xf32>
      %add3A_1386 = arith.addf %add3A_1313, %select_n3A_1385 : vector<16xf32>
      %neg3A = arith.constant 0.000000e+00 : f32
      %neg3A_1387 = vector.broadcast %neg3A : f32 to vector<16xf32>
      %neg3A_1388 = arith.subf %neg3A_1387, %add3A_1386 : vector<16xf32>
      %exp3A = math.exp %neg3A_1388 : vector<16xf32>
      %add3A_1389 = arith.constant 1.000000e+00 : f32
      %add3A_1390 = vector.broadcast %add3A_1389 : f32 to vector<16xf32>
      %add3A_1391 = arith.addf %add3A_1390, %exp3A : vector<16xf32>
      %div3A = arith.constant 1.000000e+00 : f32
      %div3A_1392 = vector.broadcast %div3A : f32 to vector<16xf32>
      %div3A_1393 = arith.divf %div3A_1392, %add3A_1391 : vector<16xf32>
      %add3A_1394 = arith.constant 0 : i32
      %add3A_1395 = arith.addi %add3A_1394, %mul3A_216 : i32
      %swap3A = arith.index_cast %add3A_1395 : i32 to index
      %swap3A_1396 = tpu.vector_load %arg18[%swap3A] {strides = array<i32>} : memref<512xf32, #tpu.memory_space<vmem>>, vector<16xf32>,
      tpu.vector_store %arg18[%swap3A], %div3A_1393 {strides = array<i32>} : memref<512xf32, #tpu.memory_space<vmem>>, vector<16xf32>,
    }
    %scan3A_113 = arith.constant 16 : i32
    %run_scoped3A_114 = arith.constant 1 : i32
    %run_scoped3A_115 = arith.constant 0 : i32
    "tpu.region"() ({
      %run_scoped3A_214 = tpu.sem_alloc : memref<!tpu.dma_semaphore, #tpu.memory_space<semaphore_mem>>
      %dma_start3A_215 = arith.constant 0 : i32
      %dma_start3A_216 = arith.constant 0 : i32
      %dma_start3A_217 = tpu.memref_slice %arg11[%run_scoped3A_115, %dma_start3A_215, %dma_start3A_216] : memref<2x2x128xi32, #tpu.memory_space<vmem>> -> memref<1x2x128xi32, #tpu.memory_space<vmem>>
      %dma_start3A_218 = tpu.memref_squeeze %dma_start3A_217 : memref<1x2x128xi32, #tpu.memory_space<vmem>> -> memref<2x128xi32, #tpu.memory_space<vmem>>
      %dma_start3A_219 = arith.constant 0 : i32
      %dma_start3A_220 = arith.constant 0 : i32
      %dma_start3A_221 = tpu.memref_slice %arg2[%add3A, %run_scoped3A_114, %dma_start3A_219, %dma_start3A_220] : memref<32x2x2x128xi32, #tpu.memory_space<hbm>> -> memref<1x1x2x128xi32, #tpu.memory_space<hbm>>
      %dma_start3A_222 = tpu.memref_squeeze %dma_start3A_221 : memref<1x1x2x128xi32, #tpu.memory_space<hbm>> -> memref<2x128xi32, #tpu.memory_space<hbm>>
      %dma_start3A_223 = arith.constant 0 : i32
      %dma_start3A_224 = arith.constant 0 : i32
      %dma_start3A_225 = tpu.memref_slice %arg11[%run_scoped3A_115, %dma_start3A_223, %dma_start3A_224] : memref<2x2x128xi32, #tpu.memory_space<vmem>> -> memref<1x2x128xi32, #tpu.memory_space<vmem>>
      %dma_start3A_226 = tpu.memref_squeeze %dma_start3A_225 : memref<1x2x128xi32, #tpu.memory_space<vmem>> -> memref<2x128xi32, #tpu.memory_space<vmem>>
      %dma_start3A_227 = arith.constant 0 : i32
      %dma_start3A_228 = arith.constant 0 : i32
      %dma_start3A_229 = tpu.memref_slice %arg2[%add3A, %run_scoped3A_114, %dma_start3A_227, %dma_start3A_228] : memref<32x2x2x128xi32, #tpu.memory_space<hbm>> -> memref<1x1x2x128xi32, #tpu.memory_space<hbm>>
      %dma_start3A_230 = tpu.memref_squeeze %dma_start3A_229 : memref<1x1x2x128xi32, #tpu.memory_space<hbm>> -> memref<2x128xi32, #tpu.memory_space<hbm>>
      tpu.enqueue_dma source(%dma_start3A_230 : memref<2x128xi32, #tpu.memory_space<hbm>>) target(%dma_start3A_226 : memref<2x128xi32, #tpu.memory_space<vmem>>) target_semaphore(%run_scoped3A_214 : memref<!tpu.dma_semaphore, #tpu.memory_space<semaphore_mem>>)
      %dma_wait3A_231 = arith.constant 0 : i32
      %dma_wait3A_232 = arith.constant 0 : i32
      %dma_wait3A_233 = tpu.memref_slice %arg11[%run_scoped3A_115, %dma_wait3A_231, %dma_wait3A_232] : memref<2x2x128xi32, #tpu.memory_space<vmem>> -> memref<1x2x128xi32, #tpu.memory_space<vmem>>
      %dma_wait3A_234 = tpu.memref_squeeze %dma_wait3A_233 : memref<1x2x128xi32, #tpu.memory_space<vmem>> -> memref<2x128xi32, #tpu.memory_space<vmem>>
      %dma_wait3A_235 = arith.constant 0 : i32
      %dma_wait3A_236 = arith.constant 0 : i32
      %dma_wait3A_237 = tpu.memref_slice %arg2[%add3A, %run_scoped3A_114, %dma_wait3A_235, %dma_wait3A_236] : memref<32x2x2x128xi32, #tpu.memory_space<hbm>> -> memref<1x1x2x128xi32, #tpu.memory_space<hbm>>
      %dma_wait3A_238 = tpu.memref_squeeze %dma_wait3A_237 : memref<1x1x2x128xi32, #tpu.memory_space<hbm>> -> memref<2x128xi32, #tpu.memory_space<hbm>>
      %dma_wait3A_239 = arith.constant 0 : i32
      %dma_wait3A_240 = arith.constant 0 : i32
      %dma_wait3A_241 = tpu.memref_slice %arg11[%run_scoped3A_115, %dma_wait3A_239, %dma_wait3A_240] : memref<2x2x128xi32, #tpu.memory_space<vmem>> -> memref<1x2x128xi32, #tpu.memory_space<vmem>>
      %dma_wait3A_242 = tpu.memref_squeeze %dma_wait3A_241 : memref<1x2x128xi32, #tpu.memory_space<vmem>> -> memref<2x128xi32, #tpu.memory_space<vmem>>
      %dma_wait3A_243 = arith.constant 0 : i32
      %dma_wait3A_244 = arith.constant 0 : i32
      %dma_wait3A_245 = tpu.memref_slice %arg2[%add3A, %run_scoped3A_114, %dma_wait3A_243, %dma_wait3A_244] : memref<32x2x2x128xi32, #tpu.memory_space<hbm>> -> memref<1x1x2x128xi32, #tpu.memory_space<hbm>>
      %dma_wait3A_246 = tpu.memref_squeeze %dma_wait3A_245 : memref<1x1x2x128xi32, #tpu.memory_space<hbm>> -> memref<2x128xi32, #tpu.memory_space<hbm>>
      tpu.wait_dma2 semaphore(%run_scoped3A_214 : memref<!tpu.dma_semaphore, #tpu.memory_space<semaphore_mem>>) src(%dma_wait3A_246 : memref<2x128xi32, #tpu.memory_space<hbm>>) dst(%dma_wait3A_242 : memref<2x128xi32, #tpu.memory_space<vmem>>)
      tpu.yield
    }) : () -> ()
    %run_scoped3A_116 = arith.constant 1 : i32
    %run_scoped3A_117 = arith.constant 1 : i32
    "tpu.region"() ({
      %run_scoped3A_214 = tpu.sem_alloc : memref<!tpu.dma_semaphore, #tpu.memory_space<semaphore_mem>>
      %dma_start3A_215 = arith.constant 0 : i32
      %dma_start3A_216 = arith.constant 0 : i32
      %dma_start3A_217 = tpu.memref_slice %arg11[%run_scoped3A_117, %dma_start3A_215, %dma_start3A_216] : memref<2x2x128xi32, #tpu.memory_space<vmem>> -> memref<1x2x128xi32, #tpu.memory_space<vmem>>
      %dma_start3A_218 = tpu.memref_squeeze %dma_start3A_217 : memref<1x2x128xi32, #tpu.memory_space<vmem>> -> memref<2x128xi32, #tpu.memory_space<vmem>>
      %dma_start3A_219 = arith.constant 0 : i32
      %dma_start3A_220 = arith.constant 0 : i32
      %dma_start3A_221 = tpu.memref_slice %arg3[%add3A, %run_scoped3A_116, %dma_start3A_219, %dma_start3A_220] : memref<32x2x2x128xi32, #tpu.memory_space<hbm>> -> memref<1x1x2x128xi32, #tpu.memory_space<hbm>>
      %dma_start3A_222 = tpu.memref_squeeze %dma_start3A_221 : memref<1x1x2x128xi32, #tpu.memory_space<hbm>> -> memref<2x128xi32, #tpu.memory_space<hbm>>
      %dma_start3A_223 = arith.constant 0 : i32
      %dma_start3A_224 = arith.constant 0 : i32
      %dma_start3A_225 = tpu.memref_slice %arg11[%run_scoped3A_117, %dma_start3A_223, %dma_start3A_224] : memref<2x2x128xi32, #tpu.memory_space<vmem>> -> memref<1x2x128xi32, #tpu.memory_space<vmem>>
      %dma_start3A_226 = tpu.memref_squeeze %dma_start3A_225 : memref<1x2x128xi32, #tpu.memory_space<vmem>> -> memref<2x128xi32, #tpu.memory_space<vmem>>
      %dma_start3A_227 = arith.constant 0 : i32
      %dma_start3A_228 = arith.constant 0 : i32
      %dma_start3A_229 = tpu.memref_slice %arg3[%add3A, %run_scoped3A_116, %dma_start3A_227, %dma_start3A_228] : memref<32x2x2x128xi32, #tpu.memory_space<hbm>> -> memref<1x1x2x128xi32, #tpu.memory_space<hbm>>
      %dma_start3A_230 = tpu.memref_squeeze %dma_start3A_229 : memref<1x1x2x128xi32, #tpu.memory_space<hbm>> -> memref<2x128xi32, #tpu.memory_space<hbm>>
      tpu.enqueue_dma source(%dma_start3A_230 : memref<2x128xi32, #tpu.memory_space<hbm>>) target(%dma_start3A_226 : memref<2x128xi32, #tpu.memory_space<vmem>>) target_semaphore(%run_scoped3A_214 : memref<!tpu.dma_semaphore, #tpu.memory_space<semaphore_mem>>)
      %dma_wait3A_231 = arith.constant 0 : i32
      %dma_wait3A_232 = arith.constant 0 : i32
      %dma_wait3A_233 = tpu.memref_slice %arg11[%run_scoped3A_117, %dma_wait3A_231, %dma_wait3A_232] : memref<2x2x128xi32, #tpu.memory_space<vmem>> -> memref<1x2x128xi32, #tpu.memory_space<vmem>>
      %dma_wait3A_234 = tpu.memref_squeeze %dma_wait3A_233 : memref<1x2x128xi32, #tpu.memory_space<vmem>> -> memref<2x128xi32, #tpu.memory_space<vmem>>
      %dma_wait3A_235 = arith.constant 0 : i32
      %dma_wait3A_236 = arith.constant 0 : i32
      %dma_wait3A_237 = tpu.memref_slice %arg3[%add3A, %run_scoped3A_116, %dma_wait3A_235, %dma_wait3A_236] : memref<32x2x2x128xi32, #tpu.memory_space<hbm>> -> memref<1x1x2x128xi32, #tpu.memory_space<hbm>>
      %dma_wait3A_238 = tpu.memref_squeeze %dma_wait3A_237 : memref<1x1x2x128xi32, #tpu.memory_space<hbm>> -> memref<2x128xi32, #tpu.memory_space<hbm>>
      %dma_wait3A_239 = arith.constant 0 : i32
      %dma_wait3A_240 = arith.constant 0 : i32
      %dma_wait3A_241 = tpu.memref_slice %arg11[%run_scoped3A_117, %dma_wait3A_239, %dma_wait3A_240] : memref<2x2x128xi32, #tpu.memory_space<vmem>> -> memref<1x2x128xi32, #tpu.memory_space<vmem>>
      %dma_wait3A_242 = tpu.memref_squeeze %dma_wait3A_241 : memref<1x2x128xi32, #tpu.memory_space<vmem>> -> memref<2x128xi32, #tpu.memory_space<vmem>>
      %dma_wait3A_243 = arith.constant 0 : i32
      %dma_wait3A_244 = arith.constant 0 : i32
      %dma_wait3A_245 = tpu.memref_slice %arg3[%add3A, %run_scoped3A_116, %dma_wait3A_243, %dma_wait3A_244] : memref<32x2x2x128xi32, #tpu.memory_space<hbm>> -> memref<1x1x2x128xi32, #tpu.memory_space<hbm>>
      %dma_wait3A_246 = tpu.memref_squeeze %dma_wait3A_245 : memref<1x1x2x128xi32, #tpu.memory_space<hbm>> -> memref<2x128xi32, #tpu.memory_space<hbm>>
      tpu.wait_dma2 semaphore(%run_scoped3A_214 : memref<!tpu.dma_semaphore, #tpu.memory_space<semaphore_mem>>) src(%dma_wait3A_246 : memref<2x128xi32, #tpu.memory_space<hbm>>) dst(%dma_wait3A_242 : memref<2x128xi32, #tpu.memory_space<vmem>>)
      tpu.yield
    }) : () -> ()
    %run_scoped3A_118 = arith.constant 1 : i32
    "tpu.region"() ({
      %run_scoped3A_214 = tpu.sem_alloc : memref<!tpu.dma_semaphore, #tpu.memory_space<semaphore_mem>>
      %dma_start3A_215 = arith.constant 0 : i32
      %dma_start3A_216 = arith.constant 0 : i32
      %dma_start3A_217 = tpu.memref_slice %arg4[%add3A, %run_scoped3A_118, %dma_start3A_215, %dma_start3A_216] : memref<32x2x1x256xi32, #tpu.memory_space<hbm>> -> memref<1x1x1x256xi32, #tpu.memory_space<hbm>>
      %dma_start3A_218 = tpu.memref_squeeze %dma_start3A_217 : memref<1x1x1x256xi32, #tpu.memory_space<hbm>> -> memref<1x256xi32, #tpu.memory_space<hbm>>
      %dma_start3A_219 = arith.constant 0 : i32
      %dma_start3A_220 = arith.constant 0 : i32
      %dma_start3A_221 = tpu.memref_slice %arg4[%add3A, %run_scoped3A_118, %dma_start3A_219, %dma_start3A_220] : memref<32x2x1x256xi32, #tpu.memory_space<hbm>> -> memref<1x1x1x256xi32, #tpu.memory_space<hbm>>
      %dma_start3A_222 = tpu.memref_squeeze %dma_start3A_221 : memref<1x1x1x256xi32, #tpu.memory_space<hbm>> -> memref<1x256xi32, #tpu.memory_space<hbm>>
      tpu.enqueue_dma source(%dma_start3A_222 : memref<1x256xi32, #tpu.memory_space<hbm>>) target(%arg12 : memref<1x256xi32, #tpu.memory_space<vmem>>) target_semaphore(%run_scoped3A_214 : memref<!tpu.dma_semaphore, #tpu.memory_space<semaphore_mem>>)
      %dma_wait3A_223 = arith.constant 0 : i32
      %dma_wait3A_224 = arith.constant 0 : i32
      %dma_wait3A_225 = tpu.memref_slice %arg4[%add3A, %run_scoped3A_118, %dma_wait3A_223, %dma_wait3A_224] : memref<32x2x1x256xi32, #tpu.memory_space<hbm>> -> memref<1x1x1x256xi32, #tpu.memory_space<hbm>>
      %dma_wait3A_226 = tpu.memref_squeeze %dma_wait3A_225 : memref<1x1x1x256xi32, #tpu.memory_space<hbm>> -> memref<1x256xi32, #tpu.memory_space<hbm>>
      %dma_wait3A_227 = arith.constant 0 : i32
      %dma_wait3A_228 = arith.constant 0 : i32
      %dma_wait3A_229 = tpu.memref_slice %arg4[%add3A, %run_scoped3A_118, %dma_wait3A_227, %dma_wait3A_228] : memref<32x2x1x256xi32, #tpu.memory_space<hbm>> -> memref<1x1x1x256xi32, #tpu.memory_space<hbm>>
      %dma_wait3A_230 = tpu.memref_squeeze %dma_wait3A_229 : memref<1x1x1x256xi32, #tpu.memory_space<hbm>> -> memref<1x256xi32, #tpu.memory_space<hbm>>
      tpu.wait_dma2 semaphore(%run_scoped3A_214 : memref<!tpu.dma_semaphore, #tpu.memory_space<semaphore_mem>>) src(%dma_wait3A_230 : memref<1x256xi32, #tpu.memory_space<hbm>>) dst(%arg12 : memref<1x256xi32, #tpu.memory_space<vmem>>)
      tpu.yield
    }) : () -> ()
    %run_scoped3A_119 = arith.constant 1 : i32
    "tpu.region"() ({
      %run_scoped3A_214 = tpu.sem_alloc : memref<!tpu.dma_semaphore, #tpu.memory_space<semaphore_mem>>
      %dma_start3A_215 = arith.constant 0 : i32
      %dma_start3A_216 = arith.constant 0 : i32
      %dma_start3A_217 = tpu.memref_slice %arg5[%add3A, %run_scoped3A_119, %dma_start3A_215, %dma_start3A_216] : memref<32x2x1x256xi32, #tpu.memory_space<hbm>> -> memref<1x1x1x256xi32, #tpu.memory_space<hbm>>
      %dma_start3A_218 = tpu.memref_squeeze %dma_start3A_217 : memref<1x1x1x256xi32, #tpu.memory_space<hbm>> -> memref<1x256xi32, #tpu.memory_space<hbm>>
      %dma_start3A_219 = arith.constant 0 : i32
      %dma_start3A_220 = arith.constant 0 : i32
      %dma_start3A_221 = tpu.memref_slice %arg5[%add3A, %run_scoped3A_119, %dma_start3A_219, %dma_start3A_220] : memref<32x2x1x256xi32, #tpu.memory_space<hbm>> -> memref<1x1x1x256xi32, #tpu.memory_space<hbm>>
      %dma_start3A_222 = tpu.memref_squeeze %dma_start3A_221 : memref<1x1x1x256xi32, #tpu.memory_space<hbm>> -> memref<1x256xi32, #tpu.memory_space<hbm>>
      tpu.enqueue_dma source(%dma_start3A_222 : memref<1x256xi32, #tpu.memory_space<hbm>>) target(%arg13 : memref<1x256xi32, #tpu.memory_space<vmem>>) target_semaphore(%run_scoped3A_214 : memref<!tpu.dma_semaphore, #tpu.memory_space<semaphore_mem>>)
      %dma_wait3A_223 = arith.constant 0 : i32
      %dma_wait3A_224 = arith.constant 0 : i32
      %dma_wait3A_225 = tpu.memref_slice %arg5[%add3A, %run_scoped3A_119, %dma_wait3A_223, %dma_wait3A_224] : memref<32x2x1x256xi32, #tpu.memory_space<hbm>> -> memref<1x1x1x256xi32, #tpu.memory_space<hbm>>
      %dma_wait3A_226 = tpu.memref_squeeze %dma_wait3A_225 : memref<1x1x1x256xi32, #tpu.memory_space<hbm>> -> memref<1x256xi32, #tpu.memory_space<hbm>>
      %dma_wait3A_227 = arith.constant 0 : i32
      %dma_wait3A_228 = arith.constant 0 : i32
      %dma_wait3A_229 = tpu.memref_slice %arg5[%add3A, %run_scoped3A_119, %dma_wait3A_227, %dma_wait3A_228] : memref<32x2x1x256xi32, #tpu.memory_space<hbm>> -> memref<1x1x1x256xi32, #tpu.memory_space<hbm>>
      %dma_wait3A_230 = tpu.memref_squeeze %dma_wait3A_229 : memref<1x1x1x256xi32, #tpu.memory_space<hbm>> -> memref<1x256xi32, #tpu.memory_space<hbm>>
      tpu.wait_dma2 semaphore(%run_scoped3A_214 : memref<!tpu.dma_semaphore, #tpu.memory_space<semaphore_mem>>) src(%dma_wait3A_230 : memref<1x256xi32, #tpu.memory_space<hbm>>) dst(%arg13 : memref<1x256xi32, #tpu.memory_space<vmem>>)
      tpu.yield
    }) : () -> ()
    %dma_start3A_120 = arith.constant 0 : i32
    %dma_start3A_121 = arith.constant 0 : i32
    %dma_start3A_122 = arith.constant 0 : i32
    %dma_start3A_123 = arith.constant 0 : i32
    %dma_start3A_124 = tpu.memref_slice %arg14[%dma_start3A_122, %dma_start3A_123] : memref<256x128xf32, #tpu.memory_space<vmem>> -> memref<128x128xf32, #tpu.memory_space<vmem>>
    %dma_start3A_125 = arith.constant 0 : i32
    %dma_start3A_126 = tpu.memref_slice %arg11[%dma_start3A_120, %dma_start3A_121, %dma_start3A_125] : memref<2x2x128xi32, #tpu.memory_space<vmem>> -> memref<1x1x128xi32, #tpu.memory_space<vmem>>
    %dma_start3A_127 = tpu.memref_squeeze %dma_start3A_126 : memref<1x1x128xi32, #tpu.memory_space<vmem>> -> memref<128xi32, #tpu.memory_space<vmem>>
    %dma_start3A_128 = arith.constant 0 : i32
    %dma_start3A_129 = arith.constant 0 : i32
    %dma_start3A_130 = tpu.memref_slice %arg6[%dma_start3A_128, %dma_start3A_129] : memref<503808x128xf32, #tpu.memory_space<hbm>> -> memref<503808x128xf32, #tpu.memory_space<hbm>>
    tpu.enqueue_indirect_dma source(%dma_start3A_130 : memref<503808x128xf32, #tpu.memory_space<hbm>>) target(%dma_start3A_124 : memref<128x128xf32, #tpu.memory_space<vmem>>) offsets(%dma_start3A_127 : memref<128xi32, #tpu.memory_space<vmem>>) semaphore(%arg19 : memref<!tpu.dma_semaphore, #tpu.memory_space<semaphore_mem>>)
    %dma_start3A_131 = arith.constant 1 : i32
    %dma_start3A_132 = arith.constant 0 : i32
    %dma_start3A_133 = arith.constant 0 : i32
    %dma_start3A_134 = arith.constant 0 : i32
    %dma_start3A_135 = tpu.memref_slice %arg15[%dma_start3A_133, %dma_start3A_134] : memref<256x128xf32, #tpu.memory_space<vmem>> -> memref<128x128xf32, #tpu.memory_space<vmem>>
    %dma_start3A_136 = arith.constant 0 : i32
    %dma_start3A_137 = tpu.memref_slice %arg11[%dma_start3A_131, %dma_start3A_132, %dma_start3A_136] : memref<2x2x128xi32, #tpu.memory_space<vmem>> -> memref<1x1x128xi32, #tpu.memory_space<vmem>>
    %dma_start3A_138 = tpu.memref_squeeze %dma_start3A_137 : memref<1x1x128xi32, #tpu.memory_space<vmem>> -> memref<128xi32, #tpu.memory_space<vmem>>
    %dma_start3A_139 = arith.constant 0 : i32
    %dma_start3A_140 = arith.constant 0 : i32
    %dma_start3A_141 = tpu.memref_slice %arg7[%dma_start3A_139, %dma_start3A_140] : memref<503808x128xf32, #tpu.memory_space<hbm>> -> memref<503808x128xf32, #tpu.memory_space<hbm>>
    tpu.enqueue_indirect_dma source(%dma_start3A_141 : memref<503808x128xf32, #tpu.memory_space<hbm>>) target(%dma_start3A_135 : memref<128x128xf32, #tpu.memory_space<vmem>>) offsets(%dma_start3A_138 : memref<128xi32, #tpu.memory_space<vmem>>) semaphore(%arg19 : memref<!tpu.dma_semaphore, #tpu.memory_space<semaphore_mem>>)
    %dma_start3A_142 = arith.constant 0 : i32
    %dma_start3A_143 = arith.constant 1 : i32
    %dma_start3A_144 = arith.constant 128 : i32
    %dma_start3A_145 = arith.constant 0 : i32
    %dma_start3A_146 = tpu.memref_slice %arg14[%dma_start3A_144, %dma_start3A_145] : memref<256x128xf32, #tpu.memory_space<vmem>> -> memref<128x128xf32, #tpu.memory_space<vmem>>
    %dma_start3A_147 = arith.constant 0 : i32
    %dma_start3A_148 = tpu.memref_slice %arg11[%dma_start3A_142, %dma_start3A_143, %dma_start3A_147] : memref<2x2x128xi32, #tpu.memory_space<vmem>> -> memref<1x1x128xi32, #tpu.memory_space<vmem>>
    %dma_start3A_149 = tpu.memref_squeeze %dma_start3A_148 : memref<1x1x128xi32, #tpu.memory_space<vmem>> -> memref<128xi32, #tpu.memory_space<vmem>>
    %dma_start3A_150 = arith.constant 0 : i32
    %dma_start3A_151 = arith.constant 0 : i32
    %dma_start3A_152 = tpu.memref_slice %arg6[%dma_start3A_150, %dma_start3A_151] : memref<503808x128xf32, #tpu.memory_space<hbm>> -> memref<503808x128xf32, #tpu.memory_space<hbm>>
    tpu.enqueue_indirect_dma source(%dma_start3A_152 : memref<503808x128xf32, #tpu.memory_space<hbm>>) target(%dma_start3A_146 : memref<128x128xf32, #tpu.memory_space<vmem>>) offsets(%dma_start3A_149 : memref<128xi32, #tpu.memory_space<vmem>>) semaphore(%arg19 : memref<!tpu.dma_semaphore, #tpu.memory_space<semaphore_mem>>)
    %dma_start3A_153 = arith.constant 1 : i32
    %dma_start3A_154 = arith.constant 1 : i32
    %dma_start3A_155 = arith.constant 128 : i32
    %dma_start3A_156 = arith.constant 0 : i32
    %dma_start3A_157 = tpu.memref_slice %arg15[%dma_start3A_155, %dma_start3A_156] : memref<256x128xf32, #tpu.memory_space<vmem>> -> memref<128x128xf32, #tpu.memory_space<vmem>>
    %dma_start3A_158 = arith.constant 0 : i32
    %dma_start3A_159 = tpu.memref_slice %arg11[%dma_start3A_153, %dma_start3A_154, %dma_start3A_158] : memref<2x2x128xi32, #tpu.memory_space<vmem>> -> memref<1x1x128xi32, #tpu.memory_space<vmem>>
    %dma_start3A_160 = tpu.memref_squeeze %dma_start3A_159 : memref<1x1x128xi32, #tpu.memory_space<vmem>> -> memref<128xi32, #tpu.memory_space<vmem>>
    %dma_start3A_161 = arith.constant 0 : i32
    %dma_start3A_162 = arith.constant 0 : i32
    %dma_start3A_163 = tpu.memref_slice %arg7[%dma_start3A_161, %dma_start3A_162] : memref<503808x128xf32, #tpu.memory_space<hbm>> -> memref<503808x128xf32, #tpu.memory_space<hbm>>
    tpu.enqueue_indirect_dma source(%dma_start3A_163 : memref<503808x128xf32, #tpu.memory_space<hbm>>) target(%dma_start3A_157 : memref<128x128xf32, #tpu.memory_space<vmem>>) offsets(%dma_start3A_160 : memref<128xi32, #tpu.memory_space<vmem>>) semaphore(%arg19 : memref<!tpu.dma_semaphore, #tpu.memory_space<semaphore_mem>>)
    %dma_wait3A_164 = arith.constant 0 : i32
    %dma_wait3A_165 = arith.constant 0 : i32
    %dma_wait3A_166 = arith.constant 0 : i32
    %dma_wait3A_167 = arith.constant 0 : i32
    %dma_wait3A_168 = tpu.memref_slice %arg14[%dma_wait3A_166, %dma_wait3A_167] : memref<256x128xf32, #tpu.memory_space<vmem>> -> memref<128x128xf32, #tpu.memory_space<vmem>>
    %dma_wait3A_169 = arith.constant 0 : i32
    %dma_wait3A_170 = tpu.memref_slice %arg11[%dma_wait3A_164, %dma_wait3A_165, %dma_wait3A_169] : memref<2x2x128xi32, #tpu.memory_space<vmem>> -> memref<1x1x128xi32, #tpu.memory_space<vmem>>
    %dma_wait3A_171 = tpu.memref_squeeze %dma_wait3A_170 : memref<1x1x128xi32, #tpu.memory_space<vmem>> -> memref<128xi32, #tpu.memory_space<vmem>>
    %dma_wait3A_172 = arith.constant 0 : i32
    %dma_wait3A_173 = arith.constant 0 : i32
    %dma_wait3A_174 = tpu.memref_slice %arg6[%dma_wait3A_172, %dma_wait3A_173] : memref<503808x128xf32, #tpu.memory_space<hbm>> -> memref<503808x128xf32, #tpu.memory_space<hbm>>
    tpu.wait_indirect_dma semaphore(%arg19 : memref<!tpu.dma_semaphore, #tpu.memory_space<semaphore_mem>>) src(%dma_wait3A_174 : memref<503808x128xf32, #tpu.memory_space<hbm>>) dst(%dma_wait3A_168 : memref<128x128xf32, #tpu.memory_space<vmem>>)
    %dma_wait3A_175 = arith.constant 1 : i32
    %dma_wait3A_176 = arith.constant 0 : i32
    %dma_wait3A_177 = arith.constant 0 : i32
    %dma_wait3A_178 = arith.constant 0 : i32
    %dma_wait3A_179 = tpu.memref_slice %arg15[%dma_wait3A_177, %dma_wait3A_178] : memref<256x128xf32, #tpu.memory_space<vmem>> -> memref<128x128xf32, #tpu.memory_space<vmem>>
    %dma_wait3A_180 = arith.constant 0 : i32
    %dma_wait3A_181 = tpu.memref_slice %arg11[%dma_wait3A_175, %dma_wait3A_176, %dma_wait3A_180] : memref<2x2x128xi32, #tpu.memory_space<vmem>> -> memref<1x1x128xi32, #tpu.memory_space<vmem>>
    %dma_wait3A_182 = tpu.memref_squeeze %dma_wait3A_181 : memref<1x1x128xi32, #tpu.memory_space<vmem>> -> memref<128xi32, #tpu.memory_space<vmem>>
    %dma_wait3A_183 = arith.constant 0 : i32
    %dma_wait3A_184 = arith.constant 0 : i32
    %dma_wait3A_185 = tpu.memref_slice %arg7[%dma_wait3A_183, %dma_wait3A_184] : memref<503808x128xf32, #tpu.memory_space<hbm>> -> memref<503808x128xf32, #tpu.memory_space<hbm>>
    tpu.wait_indirect_dma semaphore(%arg19 : memref<!tpu.dma_semaphore, #tpu.memory_space<semaphore_mem>>) src(%dma_wait3A_185 : memref<503808x128xf32, #tpu.memory_space<hbm>>) dst(%dma_wait3A_179 : memref<128x128xf32, #tpu.memory_space<vmem>>)
    %dma_wait3A_186 = arith.constant 0 : i32
    %dma_wait3A_187 = arith.constant 1 : i32
    %dma_wait3A_188 = arith.constant 128 : i32
    %dma_wait3A_189 = arith.constant 0 : i32
    %dma_wait3A_190 = tpu.memref_slice %arg14[%dma_wait3A_188, %dma_wait3A_189] : memref<256x128xf32, #tpu.memory_space<vmem>> -> memref<128x128xf32, #tpu.memory_space<vmem>>
    %dma_wait3A_191 = arith.constant 0 : i32
    %dma_wait3A_192 = tpu.memref_slice %arg11[%dma_wait3A_186, %dma_wait3A_187, %dma_wait3A_191] : memref<2x2x128xi32, #tpu.memory_space<vmem>> -> memref<1x1x128xi32, #tpu.memory_space<vmem>>
    %dma_wait3A_193 = tpu.memref_squeeze %dma_wait3A_192 : memref<1x1x128xi32, #tpu.memory_space<vmem>> -> memref<128xi32, #tpu.memory_space<vmem>>
    %dma_wait3A_194 = arith.constant 0 : i32
    %dma_wait3A_195 = arith.constant 0 : i32
    %dma_wait3A_196 = tpu.memref_slice %arg6[%dma_wait3A_194, %dma_wait3A_195] : memref<503808x128xf32, #tpu.memory_space<hbm>> -> memref<503808x128xf32, #tpu.memory_space<hbm>>
    tpu.wait_indirect_dma semaphore(%arg19 : memref<!tpu.dma_semaphore, #tpu.memory_space<semaphore_mem>>) src(%dma_wait3A_196 : memref<503808x128xf32, #tpu.memory_space<hbm>>) dst(%dma_wait3A_190 : memref<128x128xf32, #tpu.memory_space<vmem>>)
    %dma_wait3A_197 = arith.constant 1 : i32
    %dma_wait3A_198 = arith.constant 1 : i32
    %dma_wait3A_199 = arith.constant 128 : i32
    %dma_wait3A_200 = arith.constant 0 : i32
    %dma_wait3A_201 = tpu.memref_slice %arg15[%dma_wait3A_199, %dma_wait3A_200] : memref<256x128xf32, #tpu.memory_space<vmem>> -> memref<128x128xf32, #tpu.memory_space<vmem>>
    %dma_wait3A_202 = arith.constant 0 : i32
    %dma_wait3A_203 = tpu.memref_slice %arg11[%dma_wait3A_197, %dma_wait3A_198, %dma_wait3A_202] : memref<2x2x128xi32, #tpu.memory_space<vmem>> -> memref<1x1x128xi32, #tpu.memory_space<vmem>>
    %dma_wait3A_204 = tpu.memref_squeeze %dma_wait3A_203 : memref<1x1x128xi32, #tpu.memory_space<vmem>> -> memref<128xi32, #tpu.memory_space<vmem>>
    %dma_wait3A_205 = arith.constant 0 : i32
    %dma_wait3A_206 = arith.constant 0 : i32
    %dma_wait3A_207 = tpu.memref_slice %arg7[%dma_wait3A_205, %dma_wait3A_206] : memref<503808x128xf32, #tpu.memory_space<hbm>> -> memref<503808x128xf32, #tpu.memory_space<hbm>>
    tpu.wait_indirect_dma semaphore(%arg19 : memref<!tpu.dma_semaphore, #tpu.memory_space<semaphore_mem>>) src(%dma_wait3A_207 : memref<503808x128xf32, #tpu.memory_space<hbm>>) dst(%dma_wait3A_201 : memref<128x128xf32, #tpu.memory_space<vmem>>)
    %scan3A_208 = arith.constant 0 : i32
    %scan3A_209 = arith.constant 0 : i32
    %scan3A_210 = arith.constant 16 : i32
    %scan3A_211 = arith.addi %scan3A_209, %scan3A_210 : i32
    %scan3A_212 = arith.constant 1 : i32
    scf.for %scan3A_214 = %scan3A_209 to %scan3A_211 step %scan3A_212  : i32 {
      %mul3A_215 = arith.constant 16 : i32
      %mul3A_216 = arith.muli %scan3A_214, %mul3A_215 : i32
      %get3A_217 = arith.constant 0 : i32
      %get3A_218 = arith.index_cast %get3A_217 : i32 to index
      %get3A_219 = arith.index_cast %mul3A_216 : i32 to index
      %get3A_220 = tpu.vector_load %arg12[%get3A_218, %get3A_219] {strides = array<i32>} : memref<1x256xi32, #tpu.memory_space<vmem>>, vector<16xi32>,
      %get3A_221 = arith.constant 0 : i32
      %get3A_222 = arith.index_cast %get3A_221 : i32 to index
      %get3A_223 = arith.index_cast %mul3A_216 : i32 to index
      %get3A_224 = tpu.vector_load %arg13[%get3A_222, %get3A_223] {strides = array<i32>} : memref<1x256xi32, #tpu.memory_space<vmem>>, vector<16xi32>,
      %iota3A = tpu.iota {dimensions = array<i32: 0>} : vector<16xi32>
      %add3A_225 = arith.constant 0 : i32
      %add3A_226 = arith.addi %mul3A_216, %add3A_225 : i32
      %slice3A = vector.extract_strided_slice %get3A_220 {offsets = [0], sizes = [1], strides = [1]} : vector<16xi32> to vector<1xi32>
      %squeeze3A = vector.extract %slice3A[0] : i32 from vector<1xi32>
      %mul3A_227 = arith.constant 64 : i32
      %mul3A_228 = arith.muli %squeeze3A, %mul3A_227 : i32
      %slice3A_229 = vector.extract_strided_slice %get3A_224 {offsets = [0], sizes = [1], strides = [1]} : vector<16xi32> to vector<1xi32>
      %squeeze3A_230 = vector.extract %slice3A_229[0] : i32 from vector<1xi32>
      %mul3A_231 = arith.constant 64 : i32
      %mul3A_232 = arith.muli %squeeze3A_230, %mul3A_231 : i32
      %add3A_233 = arith.constant 0 : i32
      %add3A_234 = arith.addi %mul3A_228, %add3A_233 : i32
      %get3A_235 = arith.index_cast %add3A_226 : i32 to index
      %get3A_236 = arith.index_cast %add3A_234 : i32 to index
      %get3A_237 = tpu.vector_load %arg14[%get3A_235, %get3A_236] {strides = array<i32>} : memref<256x128xf32, #tpu.memory_space<vmem>>, vector<16xf32>,
      %add3A_238 = arith.constant 0 : i32
      %add3A_239 = arith.addi %mul3A_232, %add3A_238 : i32
      %get3A_240 = arith.index_cast %add3A_226 : i32 to index
      %get3A_241 = arith.index_cast %add3A_239 : i32 to index
      %get3A_242 = tpu.vector_load %arg15[%get3A_240, %get3A_241] {strides = array<i32>} : memref<256x128xf32, #tpu.memory_space<vmem>>, vector<16xf32>,
      %mul3A_243 = arith.mulf %get3A_237, %get3A_242 : vector<16xf32>
      %mul3A_244 = arith.mulf %mul3A_243, %get3A_3 : vector<16xf32>
      %add3A_245 = arith.constant 16 : i32
      %add3A_246 = arith.addi %mul3A_228, %add3A_245 : i32
      %get3A_247 = arith.index_cast %add3A_226 : i32 to index
      %get3A_248 = arith.index_cast %add3A_246 : i32 to index
      %get3A_249 = tpu.vector_load %arg14[%get3A_247, %get3A_248] {strides = array<i32>} : memref<256x128xf32, #tpu.memory_space<vmem>>, vector<16xf32>,
      %add3A_250 = arith.constant 16 : i32
      %add3A_251 = arith.addi %mul3A_232, %add3A_250 : i32
      %get3A_252 = arith.index_cast %add3A_226 : i32 to index
      %get3A_253 = arith.index_cast %add3A_251 : i32 to index
      %get3A_254 = tpu.vector_load %arg15[%get3A_252, %get3A_253] {strides = array<i32>} : memref<256x128xf32, #tpu.memory_space<vmem>>, vector<16xf32>,
      %mul3A_255 = arith.mulf %get3A_249, %get3A_254 : vector<16xf32>
      %mul3A_256 = arith.mulf %mul3A_255, %get3A_7 : vector<16xf32>
      %add3A_257 = arith.addf %mul3A_244, %mul3A_256 : vector<16xf32>
      %add3A_258 = arith.constant 32 : i32
      %add3A_259 = arith.addi %mul3A_228, %add3A_258 : i32
      %get3A_260 = arith.index_cast %add3A_226 : i32 to index
      %get3A_261 = arith.index_cast %add3A_259 : i32 to index
      %get3A_262 = tpu.vector_load %arg14[%get3A_260, %get3A_261] {strides = array<i32>} : memref<256x128xf32, #tpu.memory_space<vmem>>, vector<16xf32>,
      %add3A_263 = arith.constant 32 : i32
      %add3A_264 = arith.addi %mul3A_232, %add3A_263 : i32
      %get3A_265 = arith.index_cast %add3A_226 : i32 to index
      %get3A_266 = arith.index_cast %add3A_264 : i32 to index
      %get3A_267 = tpu.vector_load %arg15[%get3A_265, %get3A_266] {strides = array<i32>} : memref<256x128xf32, #tpu.memory_space<vmem>>, vector<16xf32>,
      %mul3A_268 = arith.mulf %get3A_262, %get3A_267 : vector<16xf32>
      %mul3A_269 = arith.mulf %mul3A_268, %get3A_11 : vector<16xf32>
      %add3A_270 = arith.addf %add3A_257, %mul3A_269 : vector<16xf32>
      %add3A_271 = arith.constant 48 : i32
      %add3A_272 = arith.addi %mul3A_228, %add3A_271 : i32
      %get3A_273 = arith.index_cast %add3A_226 : i32 to index
      %get3A_274 = arith.index_cast %add3A_272 : i32 to index
      %get3A_275 = tpu.vector_load %arg14[%get3A_273, %get3A_274] {strides = array<i32>} : memref<256x128xf32, #tpu.memory_space<vmem>>, vector<16xf32>,
      %add3A_276 = arith.constant 48 : i32
      %add3A_277 = arith.addi %mul3A_232, %add3A_276 : i32
      %get3A_278 = arith.index_cast %add3A_226 : i32 to index
      %get3A_279 = arith.index_cast %add3A_277 : i32 to index
      %get3A_280 = tpu.vector_load %arg15[%get3A_278, %get3A_279] {strides = array<i32>} : memref<256x128xf32, #tpu.memory_space<vmem>>, vector<16xf32>,
      %mul3A_281 = arith.mulf %get3A_275, %get3A_280 : vector<16xf32>
      %mul3A_282 = arith.mulf %mul3A_281, %get3A_15 : vector<16xf32>
      %add3A_283 = arith.addf %add3A_270, %mul3A_282 : vector<16xf32>
      %reduce_sum3A = arith.constant true
      %reduce_sum3A_284 = vector.broadcast %reduce_sum3A : i1 to vector<16xi1>
      %reduce_sum3A_285 = tpu.scan <sum>, %add3A_283 masked %reduce_sum3A_284 : vector<16xf32>, vector<16xi1> -> vector<16xf32>
      %reduce_sum3A_286 = vector.extract %reduce_sum3A_285[15] : f32 from vector<16xf32>
      %eq3A = arith.constant 0 : i32
      %eq3A_287 = vector.broadcast %eq3A : i32 to vector<16xi32>
      %eq3A_288 = arith.cmpi eq, %iota3A, %eq3A_287 : vector<16xi32>
      %broadcast_in_dim3A = arith.constant 0.000000e+00 : f32
      %broadcast_in_dim3A_289 = vector.broadcast %broadcast_in_dim3A : f32 to vector<16xf32>
      %broadcast_in_dim3A_290 = vector.broadcast %reduce_sum3A_286 : f32 to vector<16xf32>
      %select_n3A = arith.select %eq3A_288, %broadcast_in_dim3A_290, %broadcast_in_dim3A_289 : vector<16xi1>, vector<16xf32>
      %add3A_291 = arith.addf %get3A_17, %select_n3A : vector<16xf32>
      %add3A_292 = arith.constant 1 : i32
      %add3A_293 = arith.addi %mul3A_216, %add3A_292 : i32
      %slice3A_294 = vector.extract_strided_slice %get3A_220 {offsets = [1], sizes = [1], strides = [1]} : vector<16xi32> to vector<1xi32>
      %squeeze3A_295 = vector.extract %slice3A_294[0] : i32 from vector<1xi32>
      %mul3A_296 = arith.constant 64 : i32
      %mul3A_297 = arith.muli %squeeze3A_295, %mul3A_296 : i32
      %slice3A_298 = vector.extract_strided_slice %get3A_224 {offsets = [1], sizes = [1], strides = [1]} : vector<16xi32> to vector<1xi32>
      %squeeze3A_299 = vector.extract %slice3A_298[0] : i32 from vector<1xi32>
      %mul3A_300 = arith.constant 64 : i32
      %mul3A_301 = arith.muli %squeeze3A_299, %mul3A_300 : i32
      %add3A_302 = arith.constant 0 : i32
      %add3A_303 = arith.addi %mul3A_297, %add3A_302 : i32
      %get3A_304 = arith.index_cast %add3A_293 : i32 to index
      %get3A_305 = arith.index_cast %add3A_303 : i32 to index
      %get3A_306 = tpu.vector_load %arg14[%get3A_304, %get3A_305] {strides = array<i32>} : memref<256x128xf32, #tpu.memory_space<vmem>>, vector<16xf32>,
      %add3A_307 = arith.constant 0 : i32
      %add3A_308 = arith.addi %mul3A_301, %add3A_307 : i32
      %get3A_309 = arith.index_cast %add3A_293 : i32 to index
      %get3A_310 = arith.index_cast %add3A_308 : i32 to index
      %get3A_311 = tpu.vector_load %arg15[%get3A_309, %get3A_310] {strides = array<i32>} : memref<256x128xf32, #tpu.memory_space<vmem>>, vector<16xf32>,
      %mul3A_312 = arith.mulf %get3A_306, %get3A_311 : vector<16xf32>
      %mul3A_313 = arith.mulf %mul3A_312, %get3A_3 : vector<16xf32>
      %add3A_314 = arith.constant 16 : i32
      %add3A_315 = arith.addi %mul3A_297, %add3A_314 : i32
      %get3A_316 = arith.index_cast %add3A_293 : i32 to index
      %get3A_317 = arith.index_cast %add3A_315 : i32 to index
      %get3A_318 = tpu.vector_load %arg14[%get3A_316, %get3A_317] {strides = array<i32>} : memref<256x128xf32, #tpu.memory_space<vmem>>, vector<16xf32>,
      %add3A_319 = arith.constant 16 : i32
      %add3A_320 = arith.addi %mul3A_301, %add3A_319 : i32
      %get3A_321 = arith.index_cast %add3A_293 : i32 to index
      %get3A_322 = arith.index_cast %add3A_320 : i32 to index
      %get3A_323 = tpu.vector_load %arg15[%get3A_321, %get3A_322] {strides = array<i32>} : memref<256x128xf32, #tpu.memory_space<vmem>>, vector<16xf32>,
      %mul3A_324 = arith.mulf %get3A_318, %get3A_323 : vector<16xf32>
      %mul3A_325 = arith.mulf %mul3A_324, %get3A_7 : vector<16xf32>
      %add3A_326 = arith.addf %mul3A_313, %mul3A_325 : vector<16xf32>
      %add3A_327 = arith.constant 32 : i32
      %add3A_328 = arith.addi %mul3A_297, %add3A_327 : i32
      %get3A_329 = arith.index_cast %add3A_293 : i32 to index
      %get3A_330 = arith.index_cast %add3A_328 : i32 to index
      %get3A_331 = tpu.vector_load %arg14[%get3A_329, %get3A_330] {strides = array<i32>} : memref<256x128xf32, #tpu.memory_space<vmem>>, vector<16xf32>,
      %add3A_332 = arith.constant 32 : i32
      %add3A_333 = arith.addi %mul3A_301, %add3A_332 : i32
      %get3A_334 = arith.index_cast %add3A_293 : i32 to index
      %get3A_335 = arith.index_cast %add3A_333 : i32 to index
      %get3A_336 = tpu.vector_load %arg15[%get3A_334, %get3A_335] {strides = array<i32>} : memref<256x128xf32, #tpu.memory_space<vmem>>, vector<16xf32>,
      %mul3A_337 = arith.mulf %get3A_331, %get3A_336 : vector<16xf32>
      %mul3A_338 = arith.mulf %mul3A_337, %get3A_11 : vector<16xf32>
      %add3A_339 = arith.addf %add3A_326, %mul3A_338 : vector<16xf32>
      %add3A_340 = arith.constant 48 : i32
      %add3A_341 = arith.addi %mul3A_297, %add3A_340 : i32
      %get3A_342 = arith.index_cast %add3A_293 : i32 to index
      %get3A_343 = arith.index_cast %add3A_341 : i32 to index
      %get3A_344 = tpu.vector_load %arg14[%get3A_342, %get3A_343] {strides = array<i32>} : memref<256x128xf32, #tpu.memory_space<vmem>>, vector<16xf32>,
      %add3A_345 = arith.constant 48 : i32
      %add3A_346 = arith.addi %mul3A_301, %add3A_345 : i32
      %get3A_347 = arith.index_cast %add3A_293 : i32 to index
      %get3A_348 = arith.index_cast %add3A_346 : i32 to index
      %get3A_349 = tpu.vector_load %arg15[%get3A_347, %get3A_348] {strides = array<i32>} : memref<256x128xf32, #tpu.memory_space<vmem>>, vector<16xf32>,
      %mul3A_350 = arith.mulf %get3A_344, %get3A_349 : vector<16xf32>
      %mul3A_351 = arith.mulf %mul3A_350, %get3A_15 : vector<16xf32>
      %add3A_352 = arith.addf %add3A_339, %mul3A_351 : vector<16xf32>
      %reduce_sum3A_353 = arith.constant true
      %reduce_sum3A_354 = vector.broadcast %reduce_sum3A_353 : i1 to vector<16xi1>
      %reduce_sum3A_355 = tpu.scan <sum>, %add3A_352 masked %reduce_sum3A_354 : vector<16xf32>, vector<16xi1> -> vector<16xf32>
      %reduce_sum3A_356 = vector.extract %reduce_sum3A_355[15] : f32 from vector<16xf32>
      %eq3A_357 = arith.constant 1 : i32
      %eq3A_358 = vector.broadcast %eq3A_357 : i32 to vector<16xi32>
      %eq3A_359 = arith.cmpi eq, %iota3A, %eq3A_358 : vector<16xi32>
      %broadcast_in_dim3A_360 = arith.constant 0.000000e+00 : f32
      %broadcast_in_dim3A_361 = vector.broadcast %broadcast_in_dim3A_360 : f32 to vector<16xf32>
      %broadcast_in_dim3A_362 = vector.broadcast %reduce_sum3A_356 : f32 to vector<16xf32>
      %select_n3A_363 = arith.select %eq3A_359, %broadcast_in_dim3A_362, %broadcast_in_dim3A_361 : vector<16xi1>, vector<16xf32>
      %add3A_364 = arith.addf %add3A_291, %select_n3A_363 : vector<16xf32>
      %add3A_365 = arith.constant 2 : i32
      %add3A_366 = arith.addi %mul3A_216, %add3A_365 : i32
      %slice3A_367 = vector.extract_strided_slice %get3A_220 {offsets = [2], sizes = [1], strides = [1]} : vector<16xi32> to vector<1xi32>
      %squeeze3A_368 = vector.extract %slice3A_367[0] : i32 from vector<1xi32>
      %mul3A_369 = arith.constant 64 : i32
      %mul3A_370 = arith.muli %squeeze3A_368, %mul3A_369 : i32
      %slice3A_371 = vector.extract_strided_slice %get3A_224 {offsets = [2], sizes = [1], strides = [1]} : vector<16xi32> to vector<1xi32>
      %squeeze3A_372 = vector.extract %slice3A_371[0] : i32 from vector<1xi32>
      %mul3A_373 = arith.constant 64 : i32
      %mul3A_374 = arith.muli %squeeze3A_372, %mul3A_373 : i32
      %add3A_375 = arith.constant 0 : i32
      %add3A_376 = arith.addi %mul3A_370, %add3A_375 : i32
      %get3A_377 = arith.index_cast %add3A_366 : i32 to index
      %get3A_378 = arith.index_cast %add3A_376 : i32 to index
      %get3A_379 = tpu.vector_load %arg14[%get3A_377, %get3A_378] {strides = array<i32>} : memref<256x128xf32, #tpu.memory_space<vmem>>, vector<16xf32>,
      %add3A_380 = arith.constant 0 : i32
      %add3A_381 = arith.addi %mul3A_374, %add3A_380 : i32
      %get3A_382 = arith.index_cast %add3A_366 : i32 to index
      %get3A_383 = arith.index_cast %add3A_381 : i32 to index
      %get3A_384 = tpu.vector_load %arg15[%get3A_382, %get3A_383] {strides = array<i32>} : memref<256x128xf32, #tpu.memory_space<vmem>>, vector<16xf32>,
      %mul3A_385 = arith.mulf %get3A_379, %get3A_384 : vector<16xf32>
      %mul3A_386 = arith.mulf %mul3A_385, %get3A_3 : vector<16xf32>
      %add3A_387 = arith.constant 16 : i32
      %add3A_388 = arith.addi %mul3A_370, %add3A_387 : i32
      %get3A_389 = arith.index_cast %add3A_366 : i32 to index
      %get3A_390 = arith.index_cast %add3A_388 : i32 to index
      %get3A_391 = tpu.vector_load %arg14[%get3A_389, %get3A_390] {strides = array<i32>} : memref<256x128xf32, #tpu.memory_space<vmem>>, vector<16xf32>,
      %add3A_392 = arith.constant 16 : i32
      %add3A_393 = arith.addi %mul3A_374, %add3A_392 : i32
      %get3A_394 = arith.index_cast %add3A_366 : i32 to index
      %get3A_395 = arith.index_cast %add3A_393 : i32 to index
      %get3A_396 = tpu.vector_load %arg15[%get3A_394, %get3A_395] {strides = array<i32>} : memref<256x128xf32, #tpu.memory_space<vmem>>, vector<16xf32>,
      %mul3A_397 = arith.mulf %get3A_391, %get3A_396 : vector<16xf32>
      %mul3A_398 = arith.mulf %mul3A_397, %get3A_7 : vector<16xf32>
      %add3A_399 = arith.addf %mul3A_386, %mul3A_398 : vector<16xf32>
      %add3A_400 = arith.constant 32 : i32
      %add3A_401 = arith.addi %mul3A_370, %add3A_400 : i32
      %get3A_402 = arith.index_cast %add3A_366 : i32 to index
      %get3A_403 = arith.index_cast %add3A_401 : i32 to index
      %get3A_404 = tpu.vector_load %arg14[%get3A_402, %get3A_403] {strides = array<i32>} : memref<256x128xf32, #tpu.memory_space<vmem>>, vector<16xf32>,
      %add3A_405 = arith.constant 32 : i32
      %add3A_406 = arith.addi %mul3A_374, %add3A_405 : i32
      %get3A_407 = arith.index_cast %add3A_366 : i32 to index
      %get3A_408 = arith.index_cast %add3A_406 : i32 to index
      %get3A_409 = tpu.vector_load %arg15[%get3A_407, %get3A_408] {strides = array<i32>} : memref<256x128xf32, #tpu.memory_space<vmem>>, vector<16xf32>,
      %mul3A_410 = arith.mulf %get3A_404, %get3A_409 : vector<16xf32>
      %mul3A_411 = arith.mulf %mul3A_410, %get3A_11 : vector<16xf32>
      %add3A_412 = arith.addf %add3A_399, %mul3A_411 : vector<16xf32>
      %add3A_413 = arith.constant 48 : i32
      %add3A_414 = arith.addi %mul3A_370, %add3A_413 : i32
      %get3A_415 = arith.index_cast %add3A_366 : i32 to index
      %get3A_416 = arith.index_cast %add3A_414 : i32 to index
      %get3A_417 = tpu.vector_load %arg14[%get3A_415, %get3A_416] {strides = array<i32>} : memref<256x128xf32, #tpu.memory_space<vmem>>, vector<16xf32>,
      %add3A_418 = arith.constant 48 : i32
      %add3A_419 = arith.addi %mul3A_374, %add3A_418 : i32
      %get3A_420 = arith.index_cast %add3A_366 : i32 to index
      %get3A_421 = arith.index_cast %add3A_419 : i32 to index
      %get3A_422 = tpu.vector_load %arg15[%get3A_420, %get3A_421] {strides = array<i32>} : memref<256x128xf32, #tpu.memory_space<vmem>>, vector<16xf32>,
      %mul3A_423 = arith.mulf %get3A_417, %get3A_422 : vector<16xf32>
      %mul3A_424 = arith.mulf %mul3A_423, %get3A_15 : vector<16xf32>
      %add3A_425 = arith.addf %add3A_412, %mul3A_424 : vector<16xf32>
      %reduce_sum3A_426 = arith.constant true
      %reduce_sum3A_427 = vector.broadcast %reduce_sum3A_426 : i1 to vector<16xi1>
      %reduce_sum3A_428 = tpu.scan <sum>, %add3A_425 masked %reduce_sum3A_427 : vector<16xf32>, vector<16xi1> -> vector<16xf32>
      %reduce_sum3A_429 = vector.extract %reduce_sum3A_428[15] : f32 from vector<16xf32>
      %eq3A_430 = arith.constant 2 : i32
      %eq3A_431 = vector.broadcast %eq3A_430 : i32 to vector<16xi32>
      %eq3A_432 = arith.cmpi eq, %iota3A, %eq3A_431 : vector<16xi32>
      %broadcast_in_dim3A_433 = arith.constant 0.000000e+00 : f32
      %broadcast_in_dim3A_434 = vector.broadcast %broadcast_in_dim3A_433 : f32 to vector<16xf32>
      %broadcast_in_dim3A_435 = vector.broadcast %reduce_sum3A_429 : f32 to vector<16xf32>
      %select_n3A_436 = arith.select %eq3A_432, %broadcast_in_dim3A_435, %broadcast_in_dim3A_434 : vector<16xi1>, vector<16xf32>
      %add3A_437 = arith.addf %add3A_364, %select_n3A_436 : vector<16xf32>
      %add3A_438 = arith.constant 3 : i32
      %add3A_439 = arith.addi %mul3A_216, %add3A_438 : i32
      %slice3A_440 = vector.extract_strided_slice %get3A_220 {offsets = [3], sizes = [1], strides = [1]} : vector<16xi32> to vector<1xi32>
      %squeeze3A_441 = vector.extract %slice3A_440[0] : i32 from vector<1xi32>
      %mul3A_442 = arith.constant 64 : i32
      %mul3A_443 = arith.muli %squeeze3A_441, %mul3A_442 : i32
      %slice3A_444 = vector.extract_strided_slice %get3A_224 {offsets = [3], sizes = [1], strides = [1]} : vector<16xi32> to vector<1xi32>
      %squeeze3A_445 = vector.extract %slice3A_444[0] : i32 from vector<1xi32>
      %mul3A_446 = arith.constant 64 : i32
      %mul3A_447 = arith.muli %squeeze3A_445, %mul3A_446 : i32
      %add3A_448 = arith.constant 0 : i32
      %add3A_449 = arith.addi %mul3A_443, %add3A_448 : i32
      %get3A_450 = arith.index_cast %add3A_439 : i32 to index
      %get3A_451 = arith.index_cast %add3A_449 : i32 to index
      %get3A_452 = tpu.vector_load %arg14[%get3A_450, %get3A_451] {strides = array<i32>} : memref<256x128xf32, #tpu.memory_space<vmem>>, vector<16xf32>,
      %add3A_453 = arith.constant 0 : i32
      %add3A_454 = arith.addi %mul3A_447, %add3A_453 : i32
      %get3A_455 = arith.index_cast %add3A_439 : i32 to index
      %get3A_456 = arith.index_cast %add3A_454 : i32 to index
      %get3A_457 = tpu.vector_load %arg15[%get3A_455, %get3A_456] {strides = array<i32>} : memref<256x128xf32, #tpu.memory_space<vmem>>, vector<16xf32>,
      %mul3A_458 = arith.mulf %get3A_452, %get3A_457 : vector<16xf32>
      %mul3A_459 = arith.mulf %mul3A_458, %get3A_3 : vector<16xf32>
      %add3A_460 = arith.constant 16 : i32
      %add3A_461 = arith.addi %mul3A_443, %add3A_460 : i32
      %get3A_462 = arith.index_cast %add3A_439 : i32 to index
      %get3A_463 = arith.index_cast %add3A_461 : i32 to index
      %get3A_464 = tpu.vector_load %arg14[%get3A_462, %get3A_463] {strides = array<i32>} : memref<256x128xf32, #tpu.memory_space<vmem>>, vector<16xf32>,
      %add3A_465 = arith.constant 16 : i32
      %add3A_466 = arith.addi %mul3A_447, %add3A_465 : i32
      %get3A_467 = arith.index_cast %add3A_439 : i32 to index
      %get3A_468 = arith.index_cast %add3A_466 : i32 to index
      %get3A_469 = tpu.vector_load %arg15[%get3A_467, %get3A_468] {strides = array<i32>} : memref<256x128xf32, #tpu.memory_space<vmem>>, vector<16xf32>,
      %mul3A_470 = arith.mulf %get3A_464, %get3A_469 : vector<16xf32>
      %mul3A_471 = arith.mulf %mul3A_470, %get3A_7 : vector<16xf32>
      %add3A_472 = arith.addf %mul3A_459, %mul3A_471 : vector<16xf32>
      %add3A_473 = arith.constant 32 : i32
      %add3A_474 = arith.addi %mul3A_443, %add3A_473 : i32
      %get3A_475 = arith.index_cast %add3A_439 : i32 to index
      %get3A_476 = arith.index_cast %add3A_474 : i32 to index
      %get3A_477 = tpu.vector_load %arg14[%get3A_475, %get3A_476] {strides = array<i32>} : memref<256x128xf32, #tpu.memory_space<vmem>>, vector<16xf32>,
      %add3A_478 = arith.constant 32 : i32
      %add3A_479 = arith.addi %mul3A_447, %add3A_478 : i32
      %get3A_480 = arith.index_cast %add3A_439 : i32 to index
      %get3A_481 = arith.index_cast %add3A_479 : i32 to index
      %get3A_482 = tpu.vector_load %arg15[%get3A_480, %get3A_481] {strides = array<i32>} : memref<256x128xf32, #tpu.memory_space<vmem>>, vector<16xf32>,
      %mul3A_483 = arith.mulf %get3A_477, %get3A_482 : vector<16xf32>
      %mul3A_484 = arith.mulf %mul3A_483, %get3A_11 : vector<16xf32>
      %add3A_485 = arith.addf %add3A_472, %mul3A_484 : vector<16xf32>
      %add3A_486 = arith.constant 48 : i32
      %add3A_487 = arith.addi %mul3A_443, %add3A_486 : i32
      %get3A_488 = arith.index_cast %add3A_439 : i32 to index
      %get3A_489 = arith.index_cast %add3A_487 : i32 to index
      %get3A_490 = tpu.vector_load %arg14[%get3A_488, %get3A_489] {strides = array<i32>} : memref<256x128xf32, #tpu.memory_space<vmem>>, vector<16xf32>,
      %add3A_491 = arith.constant 48 : i32
      %add3A_492 = arith.addi %mul3A_447, %add3A_491 : i32
      %get3A_493 = arith.index_cast %add3A_439 : i32 to index
      %get3A_494 = arith.index_cast %add3A_492 : i32 to index
      %get3A_495 = tpu.vector_load %arg15[%get3A_493, %get3A_494] {strides = array<i32>} : memref<256x128xf32, #tpu.memory_space<vmem>>, vector<16xf32>,
      %mul3A_496 = arith.mulf %get3A_490, %get3A_495 : vector<16xf32>
      %mul3A_497 = arith.mulf %mul3A_496, %get3A_15 : vector<16xf32>
      %add3A_498 = arith.addf %add3A_485, %mul3A_497 : vector<16xf32>
      %reduce_sum3A_499 = arith.constant true
      %reduce_sum3A_500 = vector.broadcast %reduce_sum3A_499 : i1 to vector<16xi1>
      %reduce_sum3A_501 = tpu.scan <sum>, %add3A_498 masked %reduce_sum3A_500 : vector<16xf32>, vector<16xi1> -> vector<16xf32>
      %reduce_sum3A_502 = vector.extract %reduce_sum3A_501[15] : f32 from vector<16xf32>
      %eq3A_503 = arith.constant 3 : i32
      %eq3A_504 = vector.broadcast %eq3A_503 : i32 to vector<16xi32>
      %eq3A_505 = arith.cmpi eq, %iota3A, %eq3A_504 : vector<16xi32>
      %broadcast_in_dim3A_506 = arith.constant 0.000000e+00 : f32
      %broadcast_in_dim3A_507 = vector.broadcast %broadcast_in_dim3A_506 : f32 to vector<16xf32>
      %broadcast_in_dim3A_508 = vector.broadcast %reduce_sum3A_502 : f32 to vector<16xf32>
      %select_n3A_509 = arith.select %eq3A_505, %broadcast_in_dim3A_508, %broadcast_in_dim3A_507 : vector<16xi1>, vector<16xf32>
      %add3A_510 = arith.addf %add3A_437, %select_n3A_509 : vector<16xf32>
      %add3A_511 = arith.constant 4 : i32
      %add3A_512 = arith.addi %mul3A_216, %add3A_511 : i32
      %slice3A_513 = vector.extract_strided_slice %get3A_220 {offsets = [4], sizes = [1], strides = [1]} : vector<16xi32> to vector<1xi32>
      %squeeze3A_514 = vector.extract %slice3A_513[0] : i32 from vector<1xi32>
      %mul3A_515 = arith.constant 64 : i32
      %mul3A_516 = arith.muli %squeeze3A_514, %mul3A_515 : i32
      %slice3A_517 = vector.extract_strided_slice %get3A_224 {offsets = [4], sizes = [1], strides = [1]} : vector<16xi32> to vector<1xi32>
      %squeeze3A_518 = vector.extract %slice3A_517[0] : i32 from vector<1xi32>
      %mul3A_519 = arith.constant 64 : i32
      %mul3A_520 = arith.muli %squeeze3A_518, %mul3A_519 : i32
      %add3A_521 = arith.constant 0 : i32
      %add3A_522 = arith.addi %mul3A_516, %add3A_521 : i32
      %get3A_523 = arith.index_cast %add3A_512 : i32 to index
      %get3A_524 = arith.index_cast %add3A_522 : i32 to index
      %get3A_525 = tpu.vector_load %arg14[%get3A_523, %get3A_524] {strides = array<i32>} : memref<256x128xf32, #tpu.memory_space<vmem>>, vector<16xf32>,
      %add3A_526 = arith.constant 0 : i32
      %add3A_527 = arith.addi %mul3A_520, %add3A_526 : i32
      %get3A_528 = arith.index_cast %add3A_512 : i32 to index
      %get3A_529 = arith.index_cast %add3A_527 : i32 to index
      %get3A_530 = tpu.vector_load %arg15[%get3A_528, %get3A_529] {strides = array<i32>} : memref<256x128xf32, #tpu.memory_space<vmem>>, vector<16xf32>,
      %mul3A_531 = arith.mulf %get3A_525, %get3A_530 : vector<16xf32>
      %mul3A_532 = arith.mulf %mul3A_531, %get3A_3 : vector<16xf32>
      %add3A_533 = arith.constant 16 : i32
      %add3A_534 = arith.addi %mul3A_516, %add3A_533 : i32
      %get3A_535 = arith.index_cast %add3A_512 : i32 to index
      %get3A_536 = arith.index_cast %add3A_534 : i32 to index
      %get3A_537 = tpu.vector_load %arg14[%get3A_535, %get3A_536] {strides = array<i32>} : memref<256x128xf32, #tpu.memory_space<vmem>>, vector<16xf32>,
      %add3A_538 = arith.constant 16 : i32
      %add3A_539 = arith.addi %mul3A_520, %add3A_538 : i32
      %get3A_540 = arith.index_cast %add3A_512 : i32 to index
      %get3A_541 = arith.index_cast %add3A_539 : i32 to index
      %get3A_542 = tpu.vector_load %arg15[%get3A_540, %get3A_541] {strides = array<i32>} : memref<256x128xf32, #tpu.memory_space<vmem>>, vector<16xf32>,
      %mul3A_543 = arith.mulf %get3A_537, %get3A_542 : vector<16xf32>
      %mul3A_544 = arith.mulf %mul3A_543, %get3A_7 : vector<16xf32>
      %add3A_545 = arith.addf %mul3A_532, %mul3A_544 : vector<16xf32>
      %add3A_546 = arith.constant 32 : i32
      %add3A_547 = arith.addi %mul3A_516, %add3A_546 : i32
      %get3A_548 = arith.index_cast %add3A_512 : i32 to index
      %get3A_549 = arith.index_cast %add3A_547 : i32 to index
      %get3A_550 = tpu.vector_load %arg14[%get3A_548, %get3A_549] {strides = array<i32>} : memref<256x128xf32, #tpu.memory_space<vmem>>, vector<16xf32>,
      %add3A_551 = arith.constant 32 : i32
      %add3A_552 = arith.addi %mul3A_520, %add3A_551 : i32
      %get3A_553 = arith.index_cast %add3A_512 : i32 to index
      %get3A_554 = arith.index_cast %add3A_552 : i32 to index
      %get3A_555 = tpu.vector_load %arg15[%get3A_553, %get3A_554] {strides = array<i32>} : memref<256x128xf32, #tpu.memory_space<vmem>>, vector<16xf32>,
      %mul3A_556 = arith.mulf %get3A_550, %get3A_555 : vector<16xf32>
      %mul3A_557 = arith.mulf %mul3A_556, %get3A_11 : vector<16xf32>
      %add3A_558 = arith.addf %add3A_545, %mul3A_557 : vector<16xf32>
      %add3A_559 = arith.constant 48 : i32
      %add3A_560 = arith.addi %mul3A_516, %add3A_559 : i32
      %get3A_561 = arith.index_cast %add3A_512 : i32 to index
      %get3A_562 = arith.index_cast %add3A_560 : i32 to index
      %get3A_563 = tpu.vector_load %arg14[%get3A_561, %get3A_562] {strides = array<i32>} : memref<256x128xf32, #tpu.memory_space<vmem>>, vector<16xf32>,
      %add3A_564 = arith.constant 48 : i32
      %add3A_565 = arith.addi %mul3A_520, %add3A_564 : i32
      %get3A_566 = arith.index_cast %add3A_512 : i32 to index
      %get3A_567 = arith.index_cast %add3A_565 : i32 to index
      %get3A_568 = tpu.vector_load %arg15[%get3A_566, %get3A_567] {strides = array<i32>} : memref<256x128xf32, #tpu.memory_space<vmem>>, vector<16xf32>,
      %mul3A_569 = arith.mulf %get3A_563, %get3A_568 : vector<16xf32>
      %mul3A_570 = arith.mulf %mul3A_569, %get3A_15 : vector<16xf32>
      %add3A_571 = arith.addf %add3A_558, %mul3A_570 : vector<16xf32>
      %reduce_sum3A_572 = arith.constant true
      %reduce_sum3A_573 = vector.broadcast %reduce_sum3A_572 : i1 to vector<16xi1>
      %reduce_sum3A_574 = tpu.scan <sum>, %add3A_571 masked %reduce_sum3A_573 : vector<16xf32>, vector<16xi1> -> vector<16xf32>
      %reduce_sum3A_575 = vector.extract %reduce_sum3A_574[15] : f32 from vector<16xf32>
      %eq3A_576 = arith.constant 4 : i32
      %eq3A_577 = vector.broadcast %eq3A_576 : i32 to vector<16xi32>
      %eq3A_578 = arith.cmpi eq, %iota3A, %eq3A_577 : vector<16xi32>
      %broadcast_in_dim3A_579 = arith.constant 0.000000e+00 : f32
      %broadcast_in_dim3A_580 = vector.broadcast %broadcast_in_dim3A_579 : f32 to vector<16xf32>
      %broadcast_in_dim3A_581 = vector.broadcast %reduce_sum3A_575 : f32 to vector<16xf32>
      %select_n3A_582 = arith.select %eq3A_578, %broadcast_in_dim3A_581, %broadcast_in_dim3A_580 : vector<16xi1>, vector<16xf32>
      %add3A_583 = arith.addf %add3A_510, %select_n3A_582 : vector<16xf32>
      %add3A_584 = arith.constant 5 : i32
      %add3A_585 = arith.addi %mul3A_216, %add3A_584 : i32
      %slice3A_586 = vector.extract_strided_slice %get3A_220 {offsets = [5], sizes = [1], strides = [1]} : vector<16xi32> to vector<1xi32>
      %squeeze3A_587 = vector.extract %slice3A_586[0] : i32 from vector<1xi32>
      %mul3A_588 = arith.constant 64 : i32
      %mul3A_589 = arith.muli %squeeze3A_587, %mul3A_588 : i32
      %slice3A_590 = vector.extract_strided_slice %get3A_224 {offsets = [5], sizes = [1], strides = [1]} : vector<16xi32> to vector<1xi32>
      %squeeze3A_591 = vector.extract %slice3A_590[0] : i32 from vector<1xi32>
      %mul3A_592 = arith.constant 64 : i32
      %mul3A_593 = arith.muli %squeeze3A_591, %mul3A_592 : i32
      %add3A_594 = arith.constant 0 : i32
      %add3A_595 = arith.addi %mul3A_589, %add3A_594 : i32
      %get3A_596 = arith.index_cast %add3A_585 : i32 to index
      %get3A_597 = arith.index_cast %add3A_595 : i32 to index
      %get3A_598 = tpu.vector_load %arg14[%get3A_596, %get3A_597] {strides = array<i32>} : memref<256x128xf32, #tpu.memory_space<vmem>>, vector<16xf32>,
      %add3A_599 = arith.constant 0 : i32
      %add3A_600 = arith.addi %mul3A_593, %add3A_599 : i32
      %get3A_601 = arith.index_cast %add3A_585 : i32 to index
      %get3A_602 = arith.index_cast %add3A_600 : i32 to index
      %get3A_603 = tpu.vector_load %arg15[%get3A_601, %get3A_602] {strides = array<i32>} : memref<256x128xf32, #tpu.memory_space<vmem>>, vector<16xf32>,
      %mul3A_604 = arith.mulf %get3A_598, %get3A_603 : vector<16xf32>
      %mul3A_605 = arith.mulf %mul3A_604, %get3A_3 : vector<16xf32>
      %add3A_606 = arith.constant 16 : i32
      %add3A_607 = arith.addi %mul3A_589, %add3A_606 : i32
      %get3A_608 = arith.index_cast %add3A_585 : i32 to index
      %get3A_609 = arith.index_cast %add3A_607 : i32 to index
      %get3A_610 = tpu.vector_load %arg14[%get3A_608, %get3A_609] {strides = array<i32>} : memref<256x128xf32, #tpu.memory_space<vmem>>, vector<16xf32>,
      %add3A_611 = arith.constant 16 : i32
      %add3A_612 = arith.addi %mul3A_593, %add3A_611 : i32
      %get3A_613 = arith.index_cast %add3A_585 : i32 to index
      %get3A_614 = arith.index_cast %add3A_612 : i32 to index
      %get3A_615 = tpu.vector_load %arg15[%get3A_613, %get3A_614] {strides = array<i32>} : memref<256x128xf32, #tpu.memory_space<vmem>>, vector<16xf32>,
      %mul3A_616 = arith.mulf %get3A_610, %get3A_615 : vector<16xf32>
      %mul3A_617 = arith.mulf %mul3A_616, %get3A_7 : vector<16xf32>
      %add3A_618 = arith.addf %mul3A_605, %mul3A_617 : vector<16xf32>
      %add3A_619 = arith.constant 32 : i32
      %add3A_620 = arith.addi %mul3A_589, %add3A_619 : i32
      %get3A_621 = arith.index_cast %add3A_585 : i32 to index
      %get3A_622 = arith.index_cast %add3A_620 : i32 to index
      %get3A_623 = tpu.vector_load %arg14[%get3A_621, %get3A_622] {strides = array<i32>} : memref<256x128xf32, #tpu.memory_space<vmem>>, vector<16xf32>,
      %add3A_624 = arith.constant 32 : i32
      %add3A_625 = arith.addi %mul3A_593, %add3A_624 : i32
      %get3A_626 = arith.index_cast %add3A_585 : i32 to index
      %get3A_627 = arith.index_cast %add3A_625 : i32 to index
      %get3A_628 = tpu.vector_load %arg15[%get3A_626, %get3A_627] {strides = array<i32>} : memref<256x128xf32, #tpu.memory_space<vmem>>, vector<16xf32>,
      %mul3A_629 = arith.mulf %get3A_623, %get3A_628 : vector<16xf32>
      %mul3A_630 = arith.mulf %mul3A_629, %get3A_11 : vector<16xf32>
      %add3A_631 = arith.addf %add3A_618, %mul3A_630 : vector<16xf32>
      %add3A_632 = arith.constant 48 : i32
      %add3A_633 = arith.addi %mul3A_589, %add3A_632 : i32
      %get3A_634 = arith.index_cast %add3A_585 : i32 to index
      %get3A_635 = arith.index_cast %add3A_633 : i32 to index
      %get3A_636 = tpu.vector_load %arg14[%get3A_634, %get3A_635] {strides = array<i32>} : memref<256x128xf32, #tpu.memory_space<vmem>>, vector<16xf32>,
      %add3A_637 = arith.constant 48 : i32
      %add3A_638 = arith.addi %mul3A_593, %add3A_637 : i32
      %get3A_639 = arith.index_cast %add3A_585 : i32 to index
      %get3A_640 = arith.index_cast %add3A_638 : i32 to index
      %get3A_641 = tpu.vector_load %arg15[%get3A_639, %get3A_640] {strides = array<i32>} : memref<256x128xf32, #tpu.memory_space<vmem>>, vector<16xf32>,
      %mul3A_642 = arith.mulf %get3A_636, %get3A_641 : vector<16xf32>
      %mul3A_643 = arith.mulf %mul3A_642, %get3A_15 : vector<16xf32>
      %add3A_644 = arith.addf %add3A_631, %mul3A_643 : vector<16xf32>
      %reduce_sum3A_645 = arith.constant true
      %reduce_sum3A_646 = vector.broadcast %reduce_sum3A_645 : i1 to vector<16xi1>
      %reduce_sum3A_647 = tpu.scan <sum>, %add3A_644 masked %reduce_sum3A_646 : vector<16xf32>, vector<16xi1> -> vector<16xf32>
      %reduce_sum3A_648 = vector.extract %reduce_sum3A_647[15] : f32 from vector<16xf32>
      %eq3A_649 = arith.constant 5 : i32
      %eq3A_650 = vector.broadcast %eq3A_649 : i32 to vector<16xi32>
      %eq3A_651 = arith.cmpi eq, %iota3A, %eq3A_650 : vector<16xi32>
      %broadcast_in_dim3A_652 = arith.constant 0.000000e+00 : f32
      %broadcast_in_dim3A_653 = vector.broadcast %broadcast_in_dim3A_652 : f32 to vector<16xf32>
      %broadcast_in_dim3A_654 = vector.broadcast %reduce_sum3A_648 : f32 to vector<16xf32>
      %select_n3A_655 = arith.select %eq3A_651, %broadcast_in_dim3A_654, %broadcast_in_dim3A_653 : vector<16xi1>, vector<16xf32>
      %add3A_656 = arith.addf %add3A_583, %select_n3A_655 : vector<16xf32>
      %add3A_657 = arith.constant 6 : i32
      %add3A_658 = arith.addi %mul3A_216, %add3A_657 : i32
      %slice3A_659 = vector.extract_strided_slice %get3A_220 {offsets = [6], sizes = [1], strides = [1]} : vector<16xi32> to vector<1xi32>
      %squeeze3A_660 = vector.extract %slice3A_659[0] : i32 from vector<1xi32>
      %mul3A_661 = arith.constant 64 : i32
      %mul3A_662 = arith.muli %squeeze3A_660, %mul3A_661 : i32
      %slice3A_663 = vector.extract_strided_slice %get3A_224 {offsets = [6], sizes = [1], strides = [1]} : vector<16xi32> to vector<1xi32>
      %squeeze3A_664 = vector.extract %slice3A_663[0] : i32 from vector<1xi32>
      %mul3A_665 = arith.constant 64 : i32
      %mul3A_666 = arith.muli %squeeze3A_664, %mul3A_665 : i32
      %add3A_667 = arith.constant 0 : i32
      %add3A_668 = arith.addi %mul3A_662, %add3A_667 : i32
      %get3A_669 = arith.index_cast %add3A_658 : i32 to index
      %get3A_670 = arith.index_cast %add3A_668 : i32 to index
      %get3A_671 = tpu.vector_load %arg14[%get3A_669, %get3A_670] {strides = array<i32>} : memref<256x128xf32, #tpu.memory_space<vmem>>, vector<16xf32>,
      %add3A_672 = arith.constant 0 : i32
      %add3A_673 = arith.addi %mul3A_666, %add3A_672 : i32
      %get3A_674 = arith.index_cast %add3A_658 : i32 to index
      %get3A_675 = arith.index_cast %add3A_673 : i32 to index
      %get3A_676 = tpu.vector_load %arg15[%get3A_674, %get3A_675] {strides = array<i32>} : memref<256x128xf32, #tpu.memory_space<vmem>>, vector<16xf32>,
      %mul3A_677 = arith.mulf %get3A_671, %get3A_676 : vector<16xf32>
      %mul3A_678 = arith.mulf %mul3A_677, %get3A_3 : vector<16xf32>
      %add3A_679 = arith.constant 16 : i32
      %add3A_680 = arith.addi %mul3A_662, %add3A_679 : i32
      %get3A_681 = arith.index_cast %add3A_658 : i32 to index
      %get3A_682 = arith.index_cast %add3A_680 : i32 to index
      %get3A_683 = tpu.vector_load %arg14[%get3A_681, %get3A_682] {strides = array<i32>} : memref<256x128xf32, #tpu.memory_space<vmem>>, vector<16xf32>,
      %add3A_684 = arith.constant 16 : i32
      %add3A_685 = arith.addi %mul3A_666, %add3A_684 : i32
      %get3A_686 = arith.index_cast %add3A_658 : i32 to index
      %get3A_687 = arith.index_cast %add3A_685 : i32 to index
      %get3A_688 = tpu.vector_load %arg15[%get3A_686, %get3A_687] {strides = array<i32>} : memref<256x128xf32, #tpu.memory_space<vmem>>, vector<16xf32>,
      %mul3A_689 = arith.mulf %get3A_683, %get3A_688 : vector<16xf32>
      %mul3A_690 = arith.mulf %mul3A_689, %get3A_7 : vector<16xf32>
      %add3A_691 = arith.addf %mul3A_678, %mul3A_690 : vector<16xf32>
      %add3A_692 = arith.constant 32 : i32
      %add3A_693 = arith.addi %mul3A_662, %add3A_692 : i32
      %get3A_694 = arith.index_cast %add3A_658 : i32 to index
      %get3A_695 = arith.index_cast %add3A_693 : i32 to index
      %get3A_696 = tpu.vector_load %arg14[%get3A_694, %get3A_695] {strides = array<i32>} : memref<256x128xf32, #tpu.memory_space<vmem>>, vector<16xf32>,
      %add3A_697 = arith.constant 32 : i32
      %add3A_698 = arith.addi %mul3A_666, %add3A_697 : i32
      %get3A_699 = arith.index_cast %add3A_658 : i32 to index
      %get3A_700 = arith.index_cast %add3A_698 : i32 to index
      %get3A_701 = tpu.vector_load %arg15[%get3A_699, %get3A_700] {strides = array<i32>} : memref<256x128xf32, #tpu.memory_space<vmem>>, vector<16xf32>,
      %mul3A_702 = arith.mulf %get3A_696, %get3A_701 : vector<16xf32>
      %mul3A_703 = arith.mulf %mul3A_702, %get3A_11 : vector<16xf32>
      %add3A_704 = arith.addf %add3A_691, %mul3A_703 : vector<16xf32>
      %add3A_705 = arith.constant 48 : i32
      %add3A_706 = arith.addi %mul3A_662, %add3A_705 : i32
      %get3A_707 = arith.index_cast %add3A_658 : i32 to index
      %get3A_708 = arith.index_cast %add3A_706 : i32 to index
      %get3A_709 = tpu.vector_load %arg14[%get3A_707, %get3A_708] {strides = array<i32>} : memref<256x128xf32, #tpu.memory_space<vmem>>, vector<16xf32>,
      %add3A_710 = arith.constant 48 : i32
      %add3A_711 = arith.addi %mul3A_666, %add3A_710 : i32
      %get3A_712 = arith.index_cast %add3A_658 : i32 to index
      %get3A_713 = arith.index_cast %add3A_711 : i32 to index
      %get3A_714 = tpu.vector_load %arg15[%get3A_712, %get3A_713] {strides = array<i32>} : memref<256x128xf32, #tpu.memory_space<vmem>>, vector<16xf32>,
      %mul3A_715 = arith.mulf %get3A_709, %get3A_714 : vector<16xf32>
      %mul3A_716 = arith.mulf %mul3A_715, %get3A_15 : vector<16xf32>
      %add3A_717 = arith.addf %add3A_704, %mul3A_716 : vector<16xf32>
      %reduce_sum3A_718 = arith.constant true
      %reduce_sum3A_719 = vector.broadcast %reduce_sum3A_718 : i1 to vector<16xi1>
      %reduce_sum3A_720 = tpu.scan <sum>, %add3A_717 masked %reduce_sum3A_719 : vector<16xf32>, vector<16xi1> -> vector<16xf32>
      %reduce_sum3A_721 = vector.extract %reduce_sum3A_720[15] : f32 from vector<16xf32>
      %eq3A_722 = arith.constant 6 : i32
      %eq3A_723 = vector.broadcast %eq3A_722 : i32 to vector<16xi32>
      %eq3A_724 = arith.cmpi eq, %iota3A, %eq3A_723 : vector<16xi32>
      %broadcast_in_dim3A_725 = arith.constant 0.000000e+00 : f32
      %broadcast_in_dim3A_726 = vector.broadcast %broadcast_in_dim3A_725 : f32 to vector<16xf32>
      %broadcast_in_dim3A_727 = vector.broadcast %reduce_sum3A_721 : f32 to vector<16xf32>
      %select_n3A_728 = arith.select %eq3A_724, %broadcast_in_dim3A_727, %broadcast_in_dim3A_726 : vector<16xi1>, vector<16xf32>
      %add3A_729 = arith.addf %add3A_656, %select_n3A_728 : vector<16xf32>
      %add3A_730 = arith.constant 7 : i32
      %add3A_731 = arith.addi %mul3A_216, %add3A_730 : i32
      %slice3A_732 = vector.extract_strided_slice %get3A_220 {offsets = [7], sizes = [1], strides = [1]} : vector<16xi32> to vector<1xi32>
      %squeeze3A_733 = vector.extract %slice3A_732[0] : i32 from vector<1xi32>
      %mul3A_734 = arith.constant 64 : i32
      %mul3A_735 = arith.muli %squeeze3A_733, %mul3A_734 : i32
      %slice3A_736 = vector.extract_strided_slice %get3A_224 {offsets = [7], sizes = [1], strides = [1]} : vector<16xi32> to vector<1xi32>
      %squeeze3A_737 = vector.extract %slice3A_736[0] : i32 from vector<1xi32>
      %mul3A_738 = arith.constant 64 : i32
      %mul3A_739 = arith.muli %squeeze3A_737, %mul3A_738 : i32
      %add3A_740 = arith.constant 0 : i32
      %add3A_741 = arith.addi %mul3A_735, %add3A_740 : i32
      %get3A_742 = arith.index_cast %add3A_731 : i32 to index
      %get3A_743 = arith.index_cast %add3A_741 : i32 to index
      %get3A_744 = tpu.vector_load %arg14[%get3A_742, %get3A_743] {strides = array<i32>} : memref<256x128xf32, #tpu.memory_space<vmem>>, vector<16xf32>,
      %add3A_745 = arith.constant 0 : i32
      %add3A_746 = arith.addi %mul3A_739, %add3A_745 : i32
      %get3A_747 = arith.index_cast %add3A_731 : i32 to index
      %get3A_748 = arith.index_cast %add3A_746 : i32 to index
      %get3A_749 = tpu.vector_load %arg15[%get3A_747, %get3A_748] {strides = array<i32>} : memref<256x128xf32, #tpu.memory_space<vmem>>, vector<16xf32>,
      %mul3A_750 = arith.mulf %get3A_744, %get3A_749 : vector<16xf32>
      %mul3A_751 = arith.mulf %mul3A_750, %get3A_3 : vector<16xf32>
      %add3A_752 = arith.constant 16 : i32
      %add3A_753 = arith.addi %mul3A_735, %add3A_752 : i32
      %get3A_754 = arith.index_cast %add3A_731 : i32 to index
      %get3A_755 = arith.index_cast %add3A_753 : i32 to index
      %get3A_756 = tpu.vector_load %arg14[%get3A_754, %get3A_755] {strides = array<i32>} : memref<256x128xf32, #tpu.memory_space<vmem>>, vector<16xf32>,
      %add3A_757 = arith.constant 16 : i32
      %add3A_758 = arith.addi %mul3A_739, %add3A_757 : i32
      %get3A_759 = arith.index_cast %add3A_731 : i32 to index
      %get3A_760 = arith.index_cast %add3A_758 : i32 to index
      %get3A_761 = tpu.vector_load %arg15[%get3A_759, %get3A_760] {strides = array<i32>} : memref<256x128xf32, #tpu.memory_space<vmem>>, vector<16xf32>,
      %mul3A_762 = arith.mulf %get3A_756, %get3A_761 : vector<16xf32>
      %mul3A_763 = arith.mulf %mul3A_762, %get3A_7 : vector<16xf32>
      %add3A_764 = arith.addf %mul3A_751, %mul3A_763 : vector<16xf32>
      %add3A_765 = arith.constant 32 : i32
      %add3A_766 = arith.addi %mul3A_735, %add3A_765 : i32
      %get3A_767 = arith.index_cast %add3A_731 : i32 to index
      %get3A_768 = arith.index_cast %add3A_766 : i32 to index
      %get3A_769 = tpu.vector_load %arg14[%get3A_767, %get3A_768] {strides = array<i32>} : memref<256x128xf32, #tpu.memory_space<vmem>>, vector<16xf32>,
      %add3A_770 = arith.constant 32 : i32
      %add3A_771 = arith.addi %mul3A_739, %add3A_770 : i32
      %get3A_772 = arith.index_cast %add3A_731 : i32 to index
      %get3A_773 = arith.index_cast %add3A_771 : i32 to index
      %get3A_774 = tpu.vector_load %arg15[%get3A_772, %get3A_773] {strides = array<i32>} : memref<256x128xf32, #tpu.memory_space<vmem>>, vector<16xf32>,
      %mul3A_775 = arith.mulf %get3A_769, %get3A_774 : vector<16xf32>
      %mul3A_776 = arith.mulf %mul3A_775, %get3A_11 : vector<16xf32>
      %add3A_777 = arith.addf %add3A_764, %mul3A_776 : vector<16xf32>
      %add3A_778 = arith.constant 48 : i32
      %add3A_779 = arith.addi %mul3A_735, %add3A_778 : i32
      %get3A_780 = arith.index_cast %add3A_731 : i32 to index
      %get3A_781 = arith.index_cast %add3A_779 : i32 to index
      %get3A_782 = tpu.vector_load %arg14[%get3A_780, %get3A_781] {strides = array<i32>} : memref<256x128xf32, #tpu.memory_space<vmem>>, vector<16xf32>,
      %add3A_783 = arith.constant 48 : i32
      %add3A_784 = arith.addi %mul3A_739, %add3A_783 : i32
      %get3A_785 = arith.index_cast %add3A_731 : i32 to index
      %get3A_786 = arith.index_cast %add3A_784 : i32 to index
      %get3A_787 = tpu.vector_load %arg15[%get3A_785, %get3A_786] {strides = array<i32>} : memref<256x128xf32, #tpu.memory_space<vmem>>, vector<16xf32>,
      %mul3A_788 = arith.mulf %get3A_782, %get3A_787 : vector<16xf32>
      %mul3A_789 = arith.mulf %mul3A_788, %get3A_15 : vector<16xf32>
      %add3A_790 = arith.addf %add3A_777, %mul3A_789 : vector<16xf32>
      %reduce_sum3A_791 = arith.constant true
      %reduce_sum3A_792 = vector.broadcast %reduce_sum3A_791 : i1 to vector<16xi1>
      %reduce_sum3A_793 = tpu.scan <sum>, %add3A_790 masked %reduce_sum3A_792 : vector<16xf32>, vector<16xi1> -> vector<16xf32>
      %reduce_sum3A_794 = vector.extract %reduce_sum3A_793[15] : f32 from vector<16xf32>
      %eq3A_795 = arith.constant 7 : i32
      %eq3A_796 = vector.broadcast %eq3A_795 : i32 to vector<16xi32>
      %eq3A_797 = arith.cmpi eq, %iota3A, %eq3A_796 : vector<16xi32>
      %broadcast_in_dim3A_798 = arith.constant 0.000000e+00 : f32
      %broadcast_in_dim3A_799 = vector.broadcast %broadcast_in_dim3A_798 : f32 to vector<16xf32>
      %broadcast_in_dim3A_800 = vector.broadcast %reduce_sum3A_794 : f32 to vector<16xf32>
      %select_n3A_801 = arith.select %eq3A_797, %broadcast_in_dim3A_800, %broadcast_in_dim3A_799 : vector<16xi1>, vector<16xf32>
      %add3A_802 = arith.addf %add3A_729, %select_n3A_801 : vector<16xf32>
      %add3A_803 = arith.constant 8 : i32
      %add3A_804 = arith.addi %mul3A_216, %add3A_803 : i32
      %slice3A_805 = vector.extract_strided_slice %get3A_220 {offsets = [8], sizes = [1], strides = [1]} : vector<16xi32> to vector<1xi32>
      %squeeze3A_806 = vector.extract %slice3A_805[0] : i32 from vector<1xi32>
      %mul3A_807 = arith.constant 64 : i32
      %mul3A_808 = arith.muli %squeeze3A_806, %mul3A_807 : i32
      %slice3A_809 = vector.extract_strided_slice %get3A_224 {offsets = [8], sizes = [1], strides = [1]} : vector<16xi32> to vector<1xi32>
      %squeeze3A_810 = vector.extract %slice3A_809[0] : i32 from vector<1xi32>
      %mul3A_811 = arith.constant 64 : i32
      %mul3A_812 = arith.muli %squeeze3A_810, %mul3A_811 : i32
      %add3A_813 = arith.constant 0 : i32
      %add3A_814 = arith.addi %mul3A_808, %add3A_813 : i32
      %get3A_815 = arith.index_cast %add3A_804 : i32 to index
      %get3A_816 = arith.index_cast %add3A_814 : i32 to index
      %get3A_817 = tpu.vector_load %arg14[%get3A_815, %get3A_816] {strides = array<i32>} : memref<256x128xf32, #tpu.memory_space<vmem>>, vector<16xf32>,
      %add3A_818 = arith.constant 0 : i32
      %add3A_819 = arith.addi %mul3A_812, %add3A_818 : i32
      %get3A_820 = arith.index_cast %add3A_804 : i32 to index
      %get3A_821 = arith.index_cast %add3A_819 : i32 to index
      %get3A_822 = tpu.vector_load %arg15[%get3A_820, %get3A_821] {strides = array<i32>} : memref<256x128xf32, #tpu.memory_space<vmem>>, vector<16xf32>,
      %mul3A_823 = arith.mulf %get3A_817, %get3A_822 : vector<16xf32>
      %mul3A_824 = arith.mulf %mul3A_823, %get3A_3 : vector<16xf32>
      %add3A_825 = arith.constant 16 : i32
      %add3A_826 = arith.addi %mul3A_808, %add3A_825 : i32
      %get3A_827 = arith.index_cast %add3A_804 : i32 to index
      %get3A_828 = arith.index_cast %add3A_826 : i32 to index
      %get3A_829 = tpu.vector_load %arg14[%get3A_827, %get3A_828] {strides = array<i32>} : memref<256x128xf32, #tpu.memory_space<vmem>>, vector<16xf32>,
      %add3A_830 = arith.constant 16 : i32
      %add3A_831 = arith.addi %mul3A_812, %add3A_830 : i32
      %get3A_832 = arith.index_cast %add3A_804 : i32 to index
      %get3A_833 = arith.index_cast %add3A_831 : i32 to index
      %get3A_834 = tpu.vector_load %arg15[%get3A_832, %get3A_833] {strides = array<i32>} : memref<256x128xf32, #tpu.memory_space<vmem>>, vector<16xf32>,
      %mul3A_835 = arith.mulf %get3A_829, %get3A_834 : vector<16xf32>
      %mul3A_836 = arith.mulf %mul3A_835, %get3A_7 : vector<16xf32>
      %add3A_837 = arith.addf %mul3A_824, %mul3A_836 : vector<16xf32>
      %add3A_838 = arith.constant 32 : i32
      %add3A_839 = arith.addi %mul3A_808, %add3A_838 : i32
      %get3A_840 = arith.index_cast %add3A_804 : i32 to index
      %get3A_841 = arith.index_cast %add3A_839 : i32 to index
      %get3A_842 = tpu.vector_load %arg14[%get3A_840, %get3A_841] {strides = array<i32>} : memref<256x128xf32, #tpu.memory_space<vmem>>, vector<16xf32>,
      %add3A_843 = arith.constant 32 : i32
      %add3A_844 = arith.addi %mul3A_812, %add3A_843 : i32
      %get3A_845 = arith.index_cast %add3A_804 : i32 to index
      %get3A_846 = arith.index_cast %add3A_844 : i32 to index
      %get3A_847 = tpu.vector_load %arg15[%get3A_845, %get3A_846] {strides = array<i32>} : memref<256x128xf32, #tpu.memory_space<vmem>>, vector<16xf32>,
      %mul3A_848 = arith.mulf %get3A_842, %get3A_847 : vector<16xf32>
      %mul3A_849 = arith.mulf %mul3A_848, %get3A_11 : vector<16xf32>
      %add3A_850 = arith.addf %add3A_837, %mul3A_849 : vector<16xf32>
      %add3A_851 = arith.constant 48 : i32
      %add3A_852 = arith.addi %mul3A_808, %add3A_851 : i32
      %get3A_853 = arith.index_cast %add3A_804 : i32 to index
      %get3A_854 = arith.index_cast %add3A_852 : i32 to index
      %get3A_855 = tpu.vector_load %arg14[%get3A_853, %get3A_854] {strides = array<i32>} : memref<256x128xf32, #tpu.memory_space<vmem>>, vector<16xf32>,
      %add3A_856 = arith.constant 48 : i32
      %add3A_857 = arith.addi %mul3A_812, %add3A_856 : i32
      %get3A_858 = arith.index_cast %add3A_804 : i32 to index
      %get3A_859 = arith.index_cast %add3A_857 : i32 to index
      %get3A_860 = tpu.vector_load %arg15[%get3A_858, %get3A_859] {strides = array<i32>} : memref<256x128xf32, #tpu.memory_space<vmem>>, vector<16xf32>,
      %mul3A_861 = arith.mulf %get3A_855, %get3A_860 : vector<16xf32>
      %mul3A_862 = arith.mulf %mul3A_861, %get3A_15 : vector<16xf32>
      %add3A_863 = arith.addf %add3A_850, %mul3A_862 : vector<16xf32>
      %reduce_sum3A_864 = arith.constant true
      %reduce_sum3A_865 = vector.broadcast %reduce_sum3A_864 : i1 to vector<16xi1>
      %reduce_sum3A_866 = tpu.scan <sum>, %add3A_863 masked %reduce_sum3A_865 : vector<16xf32>, vector<16xi1> -> vector<16xf32>
      %reduce_sum3A_867 = vector.extract %reduce_sum3A_866[15] : f32 from vector<16xf32>
      %eq3A_868 = arith.constant 8 : i32
      %eq3A_869 = vector.broadcast %eq3A_868 : i32 to vector<16xi32>
      %eq3A_870 = arith.cmpi eq, %iota3A, %eq3A_869 : vector<16xi32>
      %broadcast_in_dim3A_871 = arith.constant 0.000000e+00 : f32
      %broadcast_in_dim3A_872 = vector.broadcast %broadcast_in_dim3A_871 : f32 to vector<16xf32>
      %broadcast_in_dim3A_873 = vector.broadcast %reduce_sum3A_867 : f32 to vector<16xf32>
      %select_n3A_874 = arith.select %eq3A_870, %broadcast_in_dim3A_873, %broadcast_in_dim3A_872 : vector<16xi1>, vector<16xf32>
      %add3A_875 = arith.addf %add3A_802, %select_n3A_874 : vector<16xf32>
      %add3A_876 = arith.constant 9 : i32
      %add3A_877 = arith.addi %mul3A_216, %add3A_876 : i32
      %slice3A_878 = vector.extract_strided_slice %get3A_220 {offsets = [9], sizes = [1], strides = [1]} : vector<16xi32> to vector<1xi32>
      %squeeze3A_879 = vector.extract %slice3A_878[0] : i32 from vector<1xi32>
      %mul3A_880 = arith.constant 64 : i32
      %mul3A_881 = arith.muli %squeeze3A_879, %mul3A_880 : i32
      %slice3A_882 = vector.extract_strided_slice %get3A_224 {offsets = [9], sizes = [1], strides = [1]} : vector<16xi32> to vector<1xi32>
      %squeeze3A_883 = vector.extract %slice3A_882[0] : i32 from vector<1xi32>
      %mul3A_884 = arith.constant 64 : i32
      %mul3A_885 = arith.muli %squeeze3A_883, %mul3A_884 : i32
      %add3A_886 = arith.constant 0 : i32
      %add3A_887 = arith.addi %mul3A_881, %add3A_886 : i32
      %get3A_888 = arith.index_cast %add3A_877 : i32 to index
      %get3A_889 = arith.index_cast %add3A_887 : i32 to index
      %get3A_890 = tpu.vector_load %arg14[%get3A_888, %get3A_889] {strides = array<i32>} : memref<256x128xf32, #tpu.memory_space<vmem>>, vector<16xf32>,
      %add3A_891 = arith.constant 0 : i32
      %add3A_892 = arith.addi %mul3A_885, %add3A_891 : i32
      %get3A_893 = arith.index_cast %add3A_877 : i32 to index
      %get3A_894 = arith.index_cast %add3A_892 : i32 to index
      %get3A_895 = tpu.vector_load %arg15[%get3A_893, %get3A_894] {strides = array<i32>} : memref<256x128xf32, #tpu.memory_space<vmem>>, vector<16xf32>,
      %mul3A_896 = arith.mulf %get3A_890, %get3A_895 : vector<16xf32>
      %mul3A_897 = arith.mulf %mul3A_896, %get3A_3 : vector<16xf32>
      %add3A_898 = arith.constant 16 : i32
      %add3A_899 = arith.addi %mul3A_881, %add3A_898 : i32
      %get3A_900 = arith.index_cast %add3A_877 : i32 to index
      %get3A_901 = arith.index_cast %add3A_899 : i32 to index
      %get3A_902 = tpu.vector_load %arg14[%get3A_900, %get3A_901] {strides = array<i32>} : memref<256x128xf32, #tpu.memory_space<vmem>>, vector<16xf32>,
      %add3A_903 = arith.constant 16 : i32
      %add3A_904 = arith.addi %mul3A_885, %add3A_903 : i32
      %get3A_905 = arith.index_cast %add3A_877 : i32 to index
      %get3A_906 = arith.index_cast %add3A_904 : i32 to index
      %get3A_907 = tpu.vector_load %arg15[%get3A_905, %get3A_906] {strides = array<i32>} : memref<256x128xf32, #tpu.memory_space<vmem>>, vector<16xf32>,
      %mul3A_908 = arith.mulf %get3A_902, %get3A_907 : vector<16xf32>
      %mul3A_909 = arith.mulf %mul3A_908, %get3A_7 : vector<16xf32>
      %add3A_910 = arith.addf %mul3A_897, %mul3A_909 : vector<16xf32>
      %add3A_911 = arith.constant 32 : i32
      %add3A_912 = arith.addi %mul3A_881, %add3A_911 : i32
      %get3A_913 = arith.index_cast %add3A_877 : i32 to index
      %get3A_914 = arith.index_cast %add3A_912 : i32 to index
      %get3A_915 = tpu.vector_load %arg14[%get3A_913, %get3A_914] {strides = array<i32>} : memref<256x128xf32, #tpu.memory_space<vmem>>, vector<16xf32>,
      %add3A_916 = arith.constant 32 : i32
      %add3A_917 = arith.addi %mul3A_885, %add3A_916 : i32
      %get3A_918 = arith.index_cast %add3A_877 : i32 to index
      %get3A_919 = arith.index_cast %add3A_917 : i32 to index
      %get3A_920 = tpu.vector_load %arg15[%get3A_918, %get3A_919] {strides = array<i32>} : memref<256x128xf32, #tpu.memory_space<vmem>>, vector<16xf32>,
      %mul3A_921 = arith.mulf %get3A_915, %get3A_920 : vector<16xf32>
      %mul3A_922 = arith.mulf %mul3A_921, %get3A_11 : vector<16xf32>
      %add3A_923 = arith.addf %add3A_910, %mul3A_922 : vector<16xf32>
      %add3A_924 = arith.constant 48 : i32
      %add3A_925 = arith.addi %mul3A_881, %add3A_924 : i32
      %get3A_926 = arith.index_cast %add3A_877 : i32 to index
      %get3A_927 = arith.index_cast %add3A_925 : i32 to index
      %get3A_928 = tpu.vector_load %arg14[%get3A_926, %get3A_927] {strides = array<i32>} : memref<256x128xf32, #tpu.memory_space<vmem>>, vector<16xf32>,
      %add3A_929 = arith.constant 48 : i32
      %add3A_930 = arith.addi %mul3A_885, %add3A_929 : i32
      %get3A_931 = arith.index_cast %add3A_877 : i32 to index
      %get3A_932 = arith.index_cast %add3A_930 : i32 to index
      %get3A_933 = tpu.vector_load %arg15[%get3A_931, %get3A_932] {strides = array<i32>} : memref<256x128xf32, #tpu.memory_space<vmem>>, vector<16xf32>,
      %mul3A_934 = arith.mulf %get3A_928, %get3A_933 : vector<16xf32>
      %mul3A_935 = arith.mulf %mul3A_934, %get3A_15 : vector<16xf32>
      %add3A_936 = arith.addf %add3A_923, %mul3A_935 : vector<16xf32>
      %reduce_sum3A_937 = arith.constant true
      %reduce_sum3A_938 = vector.broadcast %reduce_sum3A_937 : i1 to vector<16xi1>
      %reduce_sum3A_939 = tpu.scan <sum>, %add3A_936 masked %reduce_sum3A_938 : vector<16xf32>, vector<16xi1> -> vector<16xf32>
      %reduce_sum3A_940 = vector.extract %reduce_sum3A_939[15] : f32 from vector<16xf32>
      %eq3A_941 = arith.constant 9 : i32
      %eq3A_942 = vector.broadcast %eq3A_941 : i32 to vector<16xi32>
      %eq3A_943 = arith.cmpi eq, %iota3A, %eq3A_942 : vector<16xi32>
      %broadcast_in_dim3A_944 = arith.constant 0.000000e+00 : f32
      %broadcast_in_dim3A_945 = vector.broadcast %broadcast_in_dim3A_944 : f32 to vector<16xf32>
      %broadcast_in_dim3A_946 = vector.broadcast %reduce_sum3A_940 : f32 to vector<16xf32>
      %select_n3A_947 = arith.select %eq3A_943, %broadcast_in_dim3A_946, %broadcast_in_dim3A_945 : vector<16xi1>, vector<16xf32>
      %add3A_948 = arith.addf %add3A_875, %select_n3A_947 : vector<16xf32>
      %add3A_949 = arith.constant 10 : i32
      %add3A_950 = arith.addi %mul3A_216, %add3A_949 : i32
      %slice3A_951 = vector.extract_strided_slice %get3A_220 {offsets = [10], sizes = [1], strides = [1]} : vector<16xi32> to vector<1xi32>
      %squeeze3A_952 = vector.extract %slice3A_951[0] : i32 from vector<1xi32>
      %mul3A_953 = arith.constant 64 : i32
      %mul3A_954 = arith.muli %squeeze3A_952, %mul3A_953 : i32
      %slice3A_955 = vector.extract_strided_slice %get3A_224 {offsets = [10], sizes = [1], strides = [1]} : vector<16xi32> to vector<1xi32>
      %squeeze3A_956 = vector.extract %slice3A_955[0] : i32 from vector<1xi32>
      %mul3A_957 = arith.constant 64 : i32
      %mul3A_958 = arith.muli %squeeze3A_956, %mul3A_957 : i32
      %add3A_959 = arith.constant 0 : i32
      %add3A_960 = arith.addi %mul3A_954, %add3A_959 : i32
      %get3A_961 = arith.index_cast %add3A_950 : i32 to index
      %get3A_962 = arith.index_cast %add3A_960 : i32 to index
      %get3A_963 = tpu.vector_load %arg14[%get3A_961, %get3A_962] {strides = array<i32>} : memref<256x128xf32, #tpu.memory_space<vmem>>, vector<16xf32>,
      %add3A_964 = arith.constant 0 : i32
      %add3A_965 = arith.addi %mul3A_958, %add3A_964 : i32
      %get3A_966 = arith.index_cast %add3A_950 : i32 to index
      %get3A_967 = arith.index_cast %add3A_965 : i32 to index
      %get3A_968 = tpu.vector_load %arg15[%get3A_966, %get3A_967] {strides = array<i32>} : memref<256x128xf32, #tpu.memory_space<vmem>>, vector<16xf32>,
      %mul3A_969 = arith.mulf %get3A_963, %get3A_968 : vector<16xf32>
      %mul3A_970 = arith.mulf %mul3A_969, %get3A_3 : vector<16xf32>
      %add3A_971 = arith.constant 16 : i32
      %add3A_972 = arith.addi %mul3A_954, %add3A_971 : i32
      %get3A_973 = arith.index_cast %add3A_950 : i32 to index
      %get3A_974 = arith.index_cast %add3A_972 : i32 to index
      %get3A_975 = tpu.vector_load %arg14[%get3A_973, %get3A_974] {strides = array<i32>} : memref<256x128xf32, #tpu.memory_space<vmem>>, vector<16xf32>,
      %add3A_976 = arith.constant 16 : i32
      %add3A_977 = arith.addi %mul3A_958, %add3A_976 : i32
      %get3A_978 = arith.index_cast %add3A_950 : i32 to index
      %get3A_979 = arith.index_cast %add3A_977 : i32 to index
      %get3A_980 = tpu.vector_load %arg15[%get3A_978, %get3A_979] {strides = array<i32>} : memref<256x128xf32, #tpu.memory_space<vmem>>, vector<16xf32>,
      %mul3A_981 = arith.mulf %get3A_975, %get3A_980 : vector<16xf32>
      %mul3A_982 = arith.mulf %mul3A_981, %get3A_7 : vector<16xf32>
      %add3A_983 = arith.addf %mul3A_970, %mul3A_982 : vector<16xf32>
      %add3A_984 = arith.constant 32 : i32
      %add3A_985 = arith.addi %mul3A_954, %add3A_984 : i32
      %get3A_986 = arith.index_cast %add3A_950 : i32 to index
      %get3A_987 = arith.index_cast %add3A_985 : i32 to index
      %get3A_988 = tpu.vector_load %arg14[%get3A_986, %get3A_987] {strides = array<i32>} : memref<256x128xf32, #tpu.memory_space<vmem>>, vector<16xf32>,
      %add3A_989 = arith.constant 32 : i32
      %add3A_990 = arith.addi %mul3A_958, %add3A_989 : i32
      %get3A_991 = arith.index_cast %add3A_950 : i32 to index
      %get3A_992 = arith.index_cast %add3A_990 : i32 to index
      %get3A_993 = tpu.vector_load %arg15[%get3A_991, %get3A_992] {strides = array<i32>} : memref<256x128xf32, #tpu.memory_space<vmem>>, vector<16xf32>,
      %mul3A_994 = arith.mulf %get3A_988, %get3A_993 : vector<16xf32>
      %mul3A_995 = arith.mulf %mul3A_994, %get3A_11 : vector<16xf32>
      %add3A_996 = arith.addf %add3A_983, %mul3A_995 : vector<16xf32>
      %add3A_997 = arith.constant 48 : i32
      %add3A_998 = arith.addi %mul3A_954, %add3A_997 : i32
      %get3A_999 = arith.index_cast %add3A_950 : i32 to index
      %get3A_1000 = arith.index_cast %add3A_998 : i32 to index
      %get3A_1001 = tpu.vector_load %arg14[%get3A_999, %get3A_1000] {strides = array<i32>} : memref<256x128xf32, #tpu.memory_space<vmem>>, vector<16xf32>,
      %add3A_1002 = arith.constant 48 : i32
      %add3A_1003 = arith.addi %mul3A_958, %add3A_1002 : i32
      %get3A_1004 = arith.index_cast %add3A_950 : i32 to index
      %get3A_1005 = arith.index_cast %add3A_1003 : i32 to index
      %get3A_1006 = tpu.vector_load %arg15[%get3A_1004, %get3A_1005] {strides = array<i32>} : memref<256x128xf32, #tpu.memory_space<vmem>>, vector<16xf32>,
      %mul3A_1007 = arith.mulf %get3A_1001, %get3A_1006 : vector<16xf32>
      %mul3A_1008 = arith.mulf %mul3A_1007, %get3A_15 : vector<16xf32>
      %add3A_1009 = arith.addf %add3A_996, %mul3A_1008 : vector<16xf32>
      %reduce_sum3A_1010 = arith.constant true
      %reduce_sum3A_1011 = vector.broadcast %reduce_sum3A_1010 : i1 to vector<16xi1>
      %reduce_sum3A_1012 = tpu.scan <sum>, %add3A_1009 masked %reduce_sum3A_1011 : vector<16xf32>, vector<16xi1> -> vector<16xf32>
      %reduce_sum3A_1013 = vector.extract %reduce_sum3A_1012[15] : f32 from vector<16xf32>
      %eq3A_1014 = arith.constant 10 : i32
      %eq3A_1015 = vector.broadcast %eq3A_1014 : i32 to vector<16xi32>
      %eq3A_1016 = arith.cmpi eq, %iota3A, %eq3A_1015 : vector<16xi32>
      %broadcast_in_dim3A_1017 = arith.constant 0.000000e+00 : f32
      %broadcast_in_dim3A_1018 = vector.broadcast %broadcast_in_dim3A_1017 : f32 to vector<16xf32>
      %broadcast_in_dim3A_1019 = vector.broadcast %reduce_sum3A_1013 : f32 to vector<16xf32>
      %select_n3A_1020 = arith.select %eq3A_1016, %broadcast_in_dim3A_1019, %broadcast_in_dim3A_1018 : vector<16xi1>, vector<16xf32>
      %add3A_1021 = arith.addf %add3A_948, %select_n3A_1020 : vector<16xf32>
      %add3A_1022 = arith.constant 11 : i32
      %add3A_1023 = arith.addi %mul3A_216, %add3A_1022 : i32
      %slice3A_1024 = vector.extract_strided_slice %get3A_220 {offsets = [11], sizes = [1], strides = [1]} : vector<16xi32> to vector<1xi32>
      %squeeze3A_1025 = vector.extract %slice3A_1024[0] : i32 from vector<1xi32>
      %mul3A_1026 = arith.constant 64 : i32
      %mul3A_1027 = arith.muli %squeeze3A_1025, %mul3A_1026 : i32
      %slice3A_1028 = vector.extract_strided_slice %get3A_224 {offsets = [11], sizes = [1], strides = [1]} : vector<16xi32> to vector<1xi32>
      %squeeze3A_1029 = vector.extract %slice3A_1028[0] : i32 from vector<1xi32>
      %mul3A_1030 = arith.constant 64 : i32
      %mul3A_1031 = arith.muli %squeeze3A_1029, %mul3A_1030 : i32
      %add3A_1032 = arith.constant 0 : i32
      %add3A_1033 = arith.addi %mul3A_1027, %add3A_1032 : i32
      %get3A_1034 = arith.index_cast %add3A_1023 : i32 to index
      %get3A_1035 = arith.index_cast %add3A_1033 : i32 to index
      %get3A_1036 = tpu.vector_load %arg14[%get3A_1034, %get3A_1035] {strides = array<i32>} : memref<256x128xf32, #tpu.memory_space<vmem>>, vector<16xf32>,
      %add3A_1037 = arith.constant 0 : i32
      %add3A_1038 = arith.addi %mul3A_1031, %add3A_1037 : i32
      %get3A_1039 = arith.index_cast %add3A_1023 : i32 to index
      %get3A_1040 = arith.index_cast %add3A_1038 : i32 to index
      %get3A_1041 = tpu.vector_load %arg15[%get3A_1039, %get3A_1040] {strides = array<i32>} : memref<256x128xf32, #tpu.memory_space<vmem>>, vector<16xf32>,
      %mul3A_1042 = arith.mulf %get3A_1036, %get3A_1041 : vector<16xf32>
      %mul3A_1043 = arith.mulf %mul3A_1042, %get3A_3 : vector<16xf32>
      %add3A_1044 = arith.constant 16 : i32
      %add3A_1045 = arith.addi %mul3A_1027, %add3A_1044 : i32
      %get3A_1046 = arith.index_cast %add3A_1023 : i32 to index
      %get3A_1047 = arith.index_cast %add3A_1045 : i32 to index
      %get3A_1048 = tpu.vector_load %arg14[%get3A_1046, %get3A_1047] {strides = array<i32>} : memref<256x128xf32, #tpu.memory_space<vmem>>, vector<16xf32>,
      %add3A_1049 = arith.constant 16 : i32
      %add3A_1050 = arith.addi %mul3A_1031, %add3A_1049 : i32
      %get3A_1051 = arith.index_cast %add3A_1023 : i32 to index
      %get3A_1052 = arith.index_cast %add3A_1050 : i32 to index
      %get3A_1053 = tpu.vector_load %arg15[%get3A_1051, %get3A_1052] {strides = array<i32>} : memref<256x128xf32, #tpu.memory_space<vmem>>, vector<16xf32>,
      %mul3A_1054 = arith.mulf %get3A_1048, %get3A_1053 : vector<16xf32>
      %mul3A_1055 = arith.mulf %mul3A_1054, %get3A_7 : vector<16xf32>
      %add3A_1056 = arith.addf %mul3A_1043, %mul3A_1055 : vector<16xf32>
      %add3A_1057 = arith.constant 32 : i32
      %add3A_1058 = arith.addi %mul3A_1027, %add3A_1057 : i32
      %get3A_1059 = arith.index_cast %add3A_1023 : i32 to index
      %get3A_1060 = arith.index_cast %add3A_1058 : i32 to index
      %get3A_1061 = tpu.vector_load %arg14[%get3A_1059, %get3A_1060] {strides = array<i32>} : memref<256x128xf32, #tpu.memory_space<vmem>>, vector<16xf32>,
      %add3A_1062 = arith.constant 32 : i32
      %add3A_1063 = arith.addi %mul3A_1031, %add3A_1062 : i32
      %get3A_1064 = arith.index_cast %add3A_1023 : i32 to index
      %get3A_1065 = arith.index_cast %add3A_1063 : i32 to index
      %get3A_1066 = tpu.vector_load %arg15[%get3A_1064, %get3A_1065] {strides = array<i32>} : memref<256x128xf32, #tpu.memory_space<vmem>>, vector<16xf32>,
      %mul3A_1067 = arith.mulf %get3A_1061, %get3A_1066 : vector<16xf32>
      %mul3A_1068 = arith.mulf %mul3A_1067, %get3A_11 : vector<16xf32>
      %add3A_1069 = arith.addf %add3A_1056, %mul3A_1068 : vector<16xf32>
      %add3A_1070 = arith.constant 48 : i32
      %add3A_1071 = arith.addi %mul3A_1027, %add3A_1070 : i32
      %get3A_1072 = arith.index_cast %add3A_1023 : i32 to index
      %get3A_1073 = arith.index_cast %add3A_1071 : i32 to index
      %get3A_1074 = tpu.vector_load %arg14[%get3A_1072, %get3A_1073] {strides = array<i32>} : memref<256x128xf32, #tpu.memory_space<vmem>>, vector<16xf32>,
      %add3A_1075 = arith.constant 48 : i32
      %add3A_1076 = arith.addi %mul3A_1031, %add3A_1075 : i32
      %get3A_1077 = arith.index_cast %add3A_1023 : i32 to index
      %get3A_1078 = arith.index_cast %add3A_1076 : i32 to index
      %get3A_1079 = tpu.vector_load %arg15[%get3A_1077, %get3A_1078] {strides = array<i32>} : memref<256x128xf32, #tpu.memory_space<vmem>>, vector<16xf32>,
      %mul3A_1080 = arith.mulf %get3A_1074, %get3A_1079 : vector<16xf32>
      %mul3A_1081 = arith.mulf %mul3A_1080, %get3A_15 : vector<16xf32>
      %add3A_1082 = arith.addf %add3A_1069, %mul3A_1081 : vector<16xf32>
      %reduce_sum3A_1083 = arith.constant true
      %reduce_sum3A_1084 = vector.broadcast %reduce_sum3A_1083 : i1 to vector<16xi1>
      %reduce_sum3A_1085 = tpu.scan <sum>, %add3A_1082 masked %reduce_sum3A_1084 : vector<16xf32>, vector<16xi1> -> vector<16xf32>
      %reduce_sum3A_1086 = vector.extract %reduce_sum3A_1085[15] : f32 from vector<16xf32>
      %eq3A_1087 = arith.constant 11 : i32
      %eq3A_1088 = vector.broadcast %eq3A_1087 : i32 to vector<16xi32>
      %eq3A_1089 = arith.cmpi eq, %iota3A, %eq3A_1088 : vector<16xi32>
      %broadcast_in_dim3A_1090 = arith.constant 0.000000e+00 : f32
      %broadcast_in_dim3A_1091 = vector.broadcast %broadcast_in_dim3A_1090 : f32 to vector<16xf32>
      %broadcast_in_dim3A_1092 = vector.broadcast %reduce_sum3A_1086 : f32 to vector<16xf32>
      %select_n3A_1093 = arith.select %eq3A_1089, %broadcast_in_dim3A_1092, %broadcast_in_dim3A_1091 : vector<16xi1>, vector<16xf32>
      %add3A_1094 = arith.addf %add3A_1021, %select_n3A_1093 : vector<16xf32>
      %add3A_1095 = arith.constant 12 : i32
      %add3A_1096 = arith.addi %mul3A_216, %add3A_1095 : i32
      %slice3A_1097 = vector.extract_strided_slice %get3A_220 {offsets = [12], sizes = [1], strides = [1]} : vector<16xi32> to vector<1xi32>
      %squeeze3A_1098 = vector.extract %slice3A_1097[0] : i32 from vector<1xi32>
      %mul3A_1099 = arith.constant 64 : i32
      %mul3A_1100 = arith.muli %squeeze3A_1098, %mul3A_1099 : i32
      %slice3A_1101 = vector.extract_strided_slice %get3A_224 {offsets = [12], sizes = [1], strides = [1]} : vector<16xi32> to vector<1xi32>
      %squeeze3A_1102 = vector.extract %slice3A_1101[0] : i32 from vector<1xi32>
      %mul3A_1103 = arith.constant 64 : i32
      %mul3A_1104 = arith.muli %squeeze3A_1102, %mul3A_1103 : i32
      %add3A_1105 = arith.constant 0 : i32
      %add3A_1106 = arith.addi %mul3A_1100, %add3A_1105 : i32
      %get3A_1107 = arith.index_cast %add3A_1096 : i32 to index
      %get3A_1108 = arith.index_cast %add3A_1106 : i32 to index
      %get3A_1109 = tpu.vector_load %arg14[%get3A_1107, %get3A_1108] {strides = array<i32>} : memref<256x128xf32, #tpu.memory_space<vmem>>, vector<16xf32>,
      %add3A_1110 = arith.constant 0 : i32
      %add3A_1111 = arith.addi %mul3A_1104, %add3A_1110 : i32
      %get3A_1112 = arith.index_cast %add3A_1096 : i32 to index
      %get3A_1113 = arith.index_cast %add3A_1111 : i32 to index
      %get3A_1114 = tpu.vector_load %arg15[%get3A_1112, %get3A_1113] {strides = array<i32>} : memref<256x128xf32, #tpu.memory_space<vmem>>, vector<16xf32>,
      %mul3A_1115 = arith.mulf %get3A_1109, %get3A_1114 : vector<16xf32>
      %mul3A_1116 = arith.mulf %mul3A_1115, %get3A_3 : vector<16xf32>
      %add3A_1117 = arith.constant 16 : i32
      %add3A_1118 = arith.addi %mul3A_1100, %add3A_1117 : i32
      %get3A_1119 = arith.index_cast %add3A_1096 : i32 to index
      %get3A_1120 = arith.index_cast %add3A_1118 : i32 to index
      %get3A_1121 = tpu.vector_load %arg14[%get3A_1119, %get3A_1120] {strides = array<i32>} : memref<256x128xf32, #tpu.memory_space<vmem>>, vector<16xf32>,
      %add3A_1122 = arith.constant 16 : i32
      %add3A_1123 = arith.addi %mul3A_1104, %add3A_1122 : i32
      %get3A_1124 = arith.index_cast %add3A_1096 : i32 to index
      %get3A_1125 = arith.index_cast %add3A_1123 : i32 to index
      %get3A_1126 = tpu.vector_load %arg15[%get3A_1124, %get3A_1125] {strides = array<i32>} : memref<256x128xf32, #tpu.memory_space<vmem>>, vector<16xf32>,
      %mul3A_1127 = arith.mulf %get3A_1121, %get3A_1126 : vector<16xf32>
      %mul3A_1128 = arith.mulf %mul3A_1127, %get3A_7 : vector<16xf32>
      %add3A_1129 = arith.addf %mul3A_1116, %mul3A_1128 : vector<16xf32>
      %add3A_1130 = arith.constant 32 : i32
      %add3A_1131 = arith.addi %mul3A_1100, %add3A_1130 : i32
      %get3A_1132 = arith.index_cast %add3A_1096 : i32 to index
      %get3A_1133 = arith.index_cast %add3A_1131 : i32 to index
      %get3A_1134 = tpu.vector_load %arg14[%get3A_1132, %get3A_1133] {strides = array<i32>} : memref<256x128xf32, #tpu.memory_space<vmem>>, vector<16xf32>,
      %add3A_1135 = arith.constant 32 : i32
      %add3A_1136 = arith.addi %mul3A_1104, %add3A_1135 : i32
      %get3A_1137 = arith.index_cast %add3A_1096 : i32 to index
      %get3A_1138 = arith.index_cast %add3A_1136 : i32 to index
      %get3A_1139 = tpu.vector_load %arg15[%get3A_1137, %get3A_1138] {strides = array<i32>} : memref<256x128xf32, #tpu.memory_space<vmem>>, vector<16xf32>,
      %mul3A_1140 = arith.mulf %get3A_1134, %get3A_1139 : vector<16xf32>
      %mul3A_1141 = arith.mulf %mul3A_1140, %get3A_11 : vector<16xf32>
      %add3A_1142 = arith.addf %add3A_1129, %mul3A_1141 : vector<16xf32>
      %add3A_1143 = arith.constant 48 : i32
      %add3A_1144 = arith.addi %mul3A_1100, %add3A_1143 : i32
      %get3A_1145 = arith.index_cast %add3A_1096 : i32 to index
      %get3A_1146 = arith.index_cast %add3A_1144 : i32 to index
      %get3A_1147 = tpu.vector_load %arg14[%get3A_1145, %get3A_1146] {strides = array<i32>} : memref<256x128xf32, #tpu.memory_space<vmem>>, vector<16xf32>,
      %add3A_1148 = arith.constant 48 : i32
      %add3A_1149 = arith.addi %mul3A_1104, %add3A_1148 : i32
      %get3A_1150 = arith.index_cast %add3A_1096 : i32 to index
      %get3A_1151 = arith.index_cast %add3A_1149 : i32 to index
      %get3A_1152 = tpu.vector_load %arg15[%get3A_1150, %get3A_1151] {strides = array<i32>} : memref<256x128xf32, #tpu.memory_space<vmem>>, vector<16xf32>,
      %mul3A_1153 = arith.mulf %get3A_1147, %get3A_1152 : vector<16xf32>
      %mul3A_1154 = arith.mulf %mul3A_1153, %get3A_15 : vector<16xf32>
      %add3A_1155 = arith.addf %add3A_1142, %mul3A_1154 : vector<16xf32>
      %reduce_sum3A_1156 = arith.constant true
      %reduce_sum3A_1157 = vector.broadcast %reduce_sum3A_1156 : i1 to vector<16xi1>
      %reduce_sum3A_1158 = tpu.scan <sum>, %add3A_1155 masked %reduce_sum3A_1157 : vector<16xf32>, vector<16xi1> -> vector<16xf32>
      %reduce_sum3A_1159 = vector.extract %reduce_sum3A_1158[15] : f32 from vector<16xf32>
      %eq3A_1160 = arith.constant 12 : i32
      %eq3A_1161 = vector.broadcast %eq3A_1160 : i32 to vector<16xi32>
      %eq3A_1162 = arith.cmpi eq, %iota3A, %eq3A_1161 : vector<16xi32>
      %broadcast_in_dim3A_1163 = arith.constant 0.000000e+00 : f32
      %broadcast_in_dim3A_1164 = vector.broadcast %broadcast_in_dim3A_1163 : f32 to vector<16xf32>
      %broadcast_in_dim3A_1165 = vector.broadcast %reduce_sum3A_1159 : f32 to vector<16xf32>
      %select_n3A_1166 = arith.select %eq3A_1162, %broadcast_in_dim3A_1165, %broadcast_in_dim3A_1164 : vector<16xi1>, vector<16xf32>
      %add3A_1167 = arith.addf %add3A_1094, %select_n3A_1166 : vector<16xf32>
      %add3A_1168 = arith.constant 13 : i32
      %add3A_1169 = arith.addi %mul3A_216, %add3A_1168 : i32
      %slice3A_1170 = vector.extract_strided_slice %get3A_220 {offsets = [13], sizes = [1], strides = [1]} : vector<16xi32> to vector<1xi32>
      %squeeze3A_1171 = vector.extract %slice3A_1170[0] : i32 from vector<1xi32>
      %mul3A_1172 = arith.constant 64 : i32
      %mul3A_1173 = arith.muli %squeeze3A_1171, %mul3A_1172 : i32
      %slice3A_1174 = vector.extract_strided_slice %get3A_224 {offsets = [13], sizes = [1], strides = [1]} : vector<16xi32> to vector<1xi32>
      %squeeze3A_1175 = vector.extract %slice3A_1174[0] : i32 from vector<1xi32>
      %mul3A_1176 = arith.constant 64 : i32
      %mul3A_1177 = arith.muli %squeeze3A_1175, %mul3A_1176 : i32
      %add3A_1178 = arith.constant 0 : i32
      %add3A_1179 = arith.addi %mul3A_1173, %add3A_1178 : i32
      %get3A_1180 = arith.index_cast %add3A_1169 : i32 to index
      %get3A_1181 = arith.index_cast %add3A_1179 : i32 to index
      %get3A_1182 = tpu.vector_load %arg14[%get3A_1180, %get3A_1181] {strides = array<i32>} : memref<256x128xf32, #tpu.memory_space<vmem>>, vector<16xf32>,
      %add3A_1183 = arith.constant 0 : i32
      %add3A_1184 = arith.addi %mul3A_1177, %add3A_1183 : i32
      %get3A_1185 = arith.index_cast %add3A_1169 : i32 to index
      %get3A_1186 = arith.index_cast %add3A_1184 : i32 to index
      %get3A_1187 = tpu.vector_load %arg15[%get3A_1185, %get3A_1186] {strides = array<i32>} : memref<256x128xf32, #tpu.memory_space<vmem>>, vector<16xf32>,
      %mul3A_1188 = arith.mulf %get3A_1182, %get3A_1187 : vector<16xf32>
      %mul3A_1189 = arith.mulf %mul3A_1188, %get3A_3 : vector<16xf32>
      %add3A_1190 = arith.constant 16 : i32
      %add3A_1191 = arith.addi %mul3A_1173, %add3A_1190 : i32
      %get3A_1192 = arith.index_cast %add3A_1169 : i32 to index
      %get3A_1193 = arith.index_cast %add3A_1191 : i32 to index
      %get3A_1194 = tpu.vector_load %arg14[%get3A_1192, %get3A_1193] {strides = array<i32>} : memref<256x128xf32, #tpu.memory_space<vmem>>, vector<16xf32>,
      %add3A_1195 = arith.constant 16 : i32
      %add3A_1196 = arith.addi %mul3A_1177, %add3A_1195 : i32
      %get3A_1197 = arith.index_cast %add3A_1169 : i32 to index
      %get3A_1198 = arith.index_cast %add3A_1196 : i32 to index
      %get3A_1199 = tpu.vector_load %arg15[%get3A_1197, %get3A_1198] {strides = array<i32>} : memref<256x128xf32, #tpu.memory_space<vmem>>, vector<16xf32>,
      %mul3A_1200 = arith.mulf %get3A_1194, %get3A_1199 : vector<16xf32>
      %mul3A_1201 = arith.mulf %mul3A_1200, %get3A_7 : vector<16xf32>
      %add3A_1202 = arith.addf %mul3A_1189, %mul3A_1201 : vector<16xf32>
      %add3A_1203 = arith.constant 32 : i32
      %add3A_1204 = arith.addi %mul3A_1173, %add3A_1203 : i32
      %get3A_1205 = arith.index_cast %add3A_1169 : i32 to index
      %get3A_1206 = arith.index_cast %add3A_1204 : i32 to index
      %get3A_1207 = tpu.vector_load %arg14[%get3A_1205, %get3A_1206] {strides = array<i32>} : memref<256x128xf32, #tpu.memory_space<vmem>>, vector<16xf32>,
      %add3A_1208 = arith.constant 32 : i32
      %add3A_1209 = arith.addi %mul3A_1177, %add3A_1208 : i32
      %get3A_1210 = arith.index_cast %add3A_1169 : i32 to index
      %get3A_1211 = arith.index_cast %add3A_1209 : i32 to index
      %get3A_1212 = tpu.vector_load %arg15[%get3A_1210, %get3A_1211] {strides = array<i32>} : memref<256x128xf32, #tpu.memory_space<vmem>>, vector<16xf32>,
      %mul3A_1213 = arith.mulf %get3A_1207, %get3A_1212 : vector<16xf32>
      %mul3A_1214 = arith.mulf %mul3A_1213, %get3A_11 : vector<16xf32>
      %add3A_1215 = arith.addf %add3A_1202, %mul3A_1214 : vector<16xf32>
      %add3A_1216 = arith.constant 48 : i32
      %add3A_1217 = arith.addi %mul3A_1173, %add3A_1216 : i32
      %get3A_1218 = arith.index_cast %add3A_1169 : i32 to index
      %get3A_1219 = arith.index_cast %add3A_1217 : i32 to index
      %get3A_1220 = tpu.vector_load %arg14[%get3A_1218, %get3A_1219] {strides = array<i32>} : memref<256x128xf32, #tpu.memory_space<vmem>>, vector<16xf32>,
      %add3A_1221 = arith.constant 48 : i32
      %add3A_1222 = arith.addi %mul3A_1177, %add3A_1221 : i32
      %get3A_1223 = arith.index_cast %add3A_1169 : i32 to index
      %get3A_1224 = arith.index_cast %add3A_1222 : i32 to index
      %get3A_1225 = tpu.vector_load %arg15[%get3A_1223, %get3A_1224] {strides = array<i32>} : memref<256x128xf32, #tpu.memory_space<vmem>>, vector<16xf32>,
      %mul3A_1226 = arith.mulf %get3A_1220, %get3A_1225 : vector<16xf32>
      %mul3A_1227 = arith.mulf %mul3A_1226, %get3A_15 : vector<16xf32>
      %add3A_1228 = arith.addf %add3A_1215, %mul3A_1227 : vector<16xf32>
      %reduce_sum3A_1229 = arith.constant true
      %reduce_sum3A_1230 = vector.broadcast %reduce_sum3A_1229 : i1 to vector<16xi1>
      %reduce_sum3A_1231 = tpu.scan <sum>, %add3A_1228 masked %reduce_sum3A_1230 : vector<16xf32>, vector<16xi1> -> vector<16xf32>
      %reduce_sum3A_1232 = vector.extract %reduce_sum3A_1231[15] : f32 from vector<16xf32>
      %eq3A_1233 = arith.constant 13 : i32
      %eq3A_1234 = vector.broadcast %eq3A_1233 : i32 to vector<16xi32>
      %eq3A_1235 = arith.cmpi eq, %iota3A, %eq3A_1234 : vector<16xi32>
      %broadcast_in_dim3A_1236 = arith.constant 0.000000e+00 : f32
      %broadcast_in_dim3A_1237 = vector.broadcast %broadcast_in_dim3A_1236 : f32 to vector<16xf32>
      %broadcast_in_dim3A_1238 = vector.broadcast %reduce_sum3A_1232 : f32 to vector<16xf32>
      %select_n3A_1239 = arith.select %eq3A_1235, %broadcast_in_dim3A_1238, %broadcast_in_dim3A_1237 : vector<16xi1>, vector<16xf32>
      %add3A_1240 = arith.addf %add3A_1167, %select_n3A_1239 : vector<16xf32>
      %add3A_1241 = arith.constant 14 : i32
      %add3A_1242 = arith.addi %mul3A_216, %add3A_1241 : i32
      %slice3A_1243 = vector.extract_strided_slice %get3A_220 {offsets = [14], sizes = [1], strides = [1]} : vector<16xi32> to vector<1xi32>
      %squeeze3A_1244 = vector.extract %slice3A_1243[0] : i32 from vector<1xi32>
      %mul3A_1245 = arith.constant 64 : i32
      %mul3A_1246 = arith.muli %squeeze3A_1244, %mul3A_1245 : i32
      %slice3A_1247 = vector.extract_strided_slice %get3A_224 {offsets = [14], sizes = [1], strides = [1]} : vector<16xi32> to vector<1xi32>
      %squeeze3A_1248 = vector.extract %slice3A_1247[0] : i32 from vector<1xi32>
      %mul3A_1249 = arith.constant 64 : i32
      %mul3A_1250 = arith.muli %squeeze3A_1248, %mul3A_1249 : i32
      %add3A_1251 = arith.constant 0 : i32
      %add3A_1252 = arith.addi %mul3A_1246, %add3A_1251 : i32
      %get3A_1253 = arith.index_cast %add3A_1242 : i32 to index
      %get3A_1254 = arith.index_cast %add3A_1252 : i32 to index
      %get3A_1255 = tpu.vector_load %arg14[%get3A_1253, %get3A_1254] {strides = array<i32>} : memref<256x128xf32, #tpu.memory_space<vmem>>, vector<16xf32>,
      %add3A_1256 = arith.constant 0 : i32
      %add3A_1257 = arith.addi %mul3A_1250, %add3A_1256 : i32
      %get3A_1258 = arith.index_cast %add3A_1242 : i32 to index
      %get3A_1259 = arith.index_cast %add3A_1257 : i32 to index
      %get3A_1260 = tpu.vector_load %arg15[%get3A_1258, %get3A_1259] {strides = array<i32>} : memref<256x128xf32, #tpu.memory_space<vmem>>, vector<16xf32>,
      %mul3A_1261 = arith.mulf %get3A_1255, %get3A_1260 : vector<16xf32>
      %mul3A_1262 = arith.mulf %mul3A_1261, %get3A_3 : vector<16xf32>
      %add3A_1263 = arith.constant 16 : i32
      %add3A_1264 = arith.addi %mul3A_1246, %add3A_1263 : i32
      %get3A_1265 = arith.index_cast %add3A_1242 : i32 to index
      %get3A_1266 = arith.index_cast %add3A_1264 : i32 to index
      %get3A_1267 = tpu.vector_load %arg14[%get3A_1265, %get3A_1266] {strides = array<i32>} : memref<256x128xf32, #tpu.memory_space<vmem>>, vector<16xf32>,
      %add3A_1268 = arith.constant 16 : i32
      %add3A_1269 = arith.addi %mul3A_1250, %add3A_1268 : i32
      %get3A_1270 = arith.index_cast %add3A_1242 : i32 to index
      %get3A_1271 = arith.index_cast %add3A_1269 : i32 to index
      %get3A_1272 = tpu.vector_load %arg15[%get3A_1270, %get3A_1271] {strides = array<i32>} : memref<256x128xf32, #tpu.memory_space<vmem>>, vector<16xf32>,
      %mul3A_1273 = arith.mulf %get3A_1267, %get3A_1272 : vector<16xf32>
      %mul3A_1274 = arith.mulf %mul3A_1273, %get3A_7 : vector<16xf32>
      %add3A_1275 = arith.addf %mul3A_1262, %mul3A_1274 : vector<16xf32>
      %add3A_1276 = arith.constant 32 : i32
      %add3A_1277 = arith.addi %mul3A_1246, %add3A_1276 : i32
      %get3A_1278 = arith.index_cast %add3A_1242 : i32 to index
      %get3A_1279 = arith.index_cast %add3A_1277 : i32 to index
      %get3A_1280 = tpu.vector_load %arg14[%get3A_1278, %get3A_1279] {strides = array<i32>} : memref<256x128xf32, #tpu.memory_space<vmem>>, vector<16xf32>,
      %add3A_1281 = arith.constant 32 : i32
      %add3A_1282 = arith.addi %mul3A_1250, %add3A_1281 : i32
      %get3A_1283 = arith.index_cast %add3A_1242 : i32 to index
      %get3A_1284 = arith.index_cast %add3A_1282 : i32 to index
      %get3A_1285 = tpu.vector_load %arg15[%get3A_1283, %get3A_1284] {strides = array<i32>} : memref<256x128xf32, #tpu.memory_space<vmem>>, vector<16xf32>,
      %mul3A_1286 = arith.mulf %get3A_1280, %get3A_1285 : vector<16xf32>
      %mul3A_1287 = arith.mulf %mul3A_1286, %get3A_11 : vector<16xf32>
      %add3A_1288 = arith.addf %add3A_1275, %mul3A_1287 : vector<16xf32>
      %add3A_1289 = arith.constant 48 : i32
      %add3A_1290 = arith.addi %mul3A_1246, %add3A_1289 : i32
      %get3A_1291 = arith.index_cast %add3A_1242 : i32 to index
      %get3A_1292 = arith.index_cast %add3A_1290 : i32 to index
      %get3A_1293 = tpu.vector_load %arg14[%get3A_1291, %get3A_1292] {strides = array<i32>} : memref<256x128xf32, #tpu.memory_space<vmem>>, vector<16xf32>,
      %add3A_1294 = arith.constant 48 : i32
      %add3A_1295 = arith.addi %mul3A_1250, %add3A_1294 : i32
      %get3A_1296 = arith.index_cast %add3A_1242 : i32 to index
      %get3A_1297 = arith.index_cast %add3A_1295 : i32 to index
      %get3A_1298 = tpu.vector_load %arg15[%get3A_1296, %get3A_1297] {strides = array<i32>} : memref<256x128xf32, #tpu.memory_space<vmem>>, vector<16xf32>,
      %mul3A_1299 = arith.mulf %get3A_1293, %get3A_1298 : vector<16xf32>
      %mul3A_1300 = arith.mulf %mul3A_1299, %get3A_15 : vector<16xf32>
      %add3A_1301 = arith.addf %add3A_1288, %mul3A_1300 : vector<16xf32>
      %reduce_sum3A_1302 = arith.constant true
      %reduce_sum3A_1303 = vector.broadcast %reduce_sum3A_1302 : i1 to vector<16xi1>
      %reduce_sum3A_1304 = tpu.scan <sum>, %add3A_1301 masked %reduce_sum3A_1303 : vector<16xf32>, vector<16xi1> -> vector<16xf32>
      %reduce_sum3A_1305 = vector.extract %reduce_sum3A_1304[15] : f32 from vector<16xf32>
      %eq3A_1306 = arith.constant 14 : i32
      %eq3A_1307 = vector.broadcast %eq3A_1306 : i32 to vector<16xi32>
      %eq3A_1308 = arith.cmpi eq, %iota3A, %eq3A_1307 : vector<16xi32>
      %broadcast_in_dim3A_1309 = arith.constant 0.000000e+00 : f32
      %broadcast_in_dim3A_1310 = vector.broadcast %broadcast_in_dim3A_1309 : f32 to vector<16xf32>
      %broadcast_in_dim3A_1311 = vector.broadcast %reduce_sum3A_1305 : f32 to vector<16xf32>
      %select_n3A_1312 = arith.select %eq3A_1308, %broadcast_in_dim3A_1311, %broadcast_in_dim3A_1310 : vector<16xi1>, vector<16xf32>
      %add3A_1313 = arith.addf %add3A_1240, %select_n3A_1312 : vector<16xf32>
      %add3A_1314 = arith.constant 15 : i32
      %add3A_1315 = arith.addi %mul3A_216, %add3A_1314 : i32
      %slice3A_1316 = vector.extract_strided_slice %get3A_220 {offsets = [15], sizes = [1], strides = [1]} : vector<16xi32> to vector<1xi32>
      %squeeze3A_1317 = vector.extract %slice3A_1316[0] : i32 from vector<1xi32>
      %mul3A_1318 = arith.constant 64 : i32
      %mul3A_1319 = arith.muli %squeeze3A_1317, %mul3A_1318 : i32
      %slice3A_1320 = vector.extract_strided_slice %get3A_224 {offsets = [15], sizes = [1], strides = [1]} : vector<16xi32> to vector<1xi32>
      %squeeze3A_1321 = vector.extract %slice3A_1320[0] : i32 from vector<1xi32>
      %mul3A_1322 = arith.constant 64 : i32
      %mul3A_1323 = arith.muli %squeeze3A_1321, %mul3A_1322 : i32
      %add3A_1324 = arith.constant 0 : i32
      %add3A_1325 = arith.addi %mul3A_1319, %add3A_1324 : i32
      %get3A_1326 = arith.index_cast %add3A_1315 : i32 to index
      %get3A_1327 = arith.index_cast %add3A_1325 : i32 to index
      %get3A_1328 = tpu.vector_load %arg14[%get3A_1326, %get3A_1327] {strides = array<i32>} : memref<256x128xf32, #tpu.memory_space<vmem>>, vector<16xf32>,
      %add3A_1329 = arith.constant 0 : i32
      %add3A_1330 = arith.addi %mul3A_1323, %add3A_1329 : i32
      %get3A_1331 = arith.index_cast %add3A_1315 : i32 to index
      %get3A_1332 = arith.index_cast %add3A_1330 : i32 to index
      %get3A_1333 = tpu.vector_load %arg15[%get3A_1331, %get3A_1332] {strides = array<i32>} : memref<256x128xf32, #tpu.memory_space<vmem>>, vector<16xf32>,
      %mul3A_1334 = arith.mulf %get3A_1328, %get3A_1333 : vector<16xf32>
      %mul3A_1335 = arith.mulf %mul3A_1334, %get3A_3 : vector<16xf32>
      %add3A_1336 = arith.constant 16 : i32
      %add3A_1337 = arith.addi %mul3A_1319, %add3A_1336 : i32
      %get3A_1338 = arith.index_cast %add3A_1315 : i32 to index
      %get3A_1339 = arith.index_cast %add3A_1337 : i32 to index
      %get3A_1340 = tpu.vector_load %arg14[%get3A_1338, %get3A_1339] {strides = array<i32>} : memref<256x128xf32, #tpu.memory_space<vmem>>, vector<16xf32>,
      %add3A_1341 = arith.constant 16 : i32
      %add3A_1342 = arith.addi %mul3A_1323, %add3A_1341 : i32
      %get3A_1343 = arith.index_cast %add3A_1315 : i32 to index
      %get3A_1344 = arith.index_cast %add3A_1342 : i32 to index
      %get3A_1345 = tpu.vector_load %arg15[%get3A_1343, %get3A_1344] {strides = array<i32>} : memref<256x128xf32, #tpu.memory_space<vmem>>, vector<16xf32>,
      %mul3A_1346 = arith.mulf %get3A_1340, %get3A_1345 : vector<16xf32>
      %mul3A_1347 = arith.mulf %mul3A_1346, %get3A_7 : vector<16xf32>
      %add3A_1348 = arith.addf %mul3A_1335, %mul3A_1347 : vector<16xf32>
      %add3A_1349 = arith.constant 32 : i32
      %add3A_1350 = arith.addi %mul3A_1319, %add3A_1349 : i32
      %get3A_1351 = arith.index_cast %add3A_1315 : i32 to index
      %get3A_1352 = arith.index_cast %add3A_1350 : i32 to index
      %get3A_1353 = tpu.vector_load %arg14[%get3A_1351, %get3A_1352] {strides = array<i32>} : memref<256x128xf32, #tpu.memory_space<vmem>>, vector<16xf32>,
      %add3A_1354 = arith.constant 32 : i32
      %add3A_1355 = arith.addi %mul3A_1323, %add3A_1354 : i32
      %get3A_1356 = arith.index_cast %add3A_1315 : i32 to index
      %get3A_1357 = arith.index_cast %add3A_1355 : i32 to index
      %get3A_1358 = tpu.vector_load %arg15[%get3A_1356, %get3A_1357] {strides = array<i32>} : memref<256x128xf32, #tpu.memory_space<vmem>>, vector<16xf32>,
      %mul3A_1359 = arith.mulf %get3A_1353, %get3A_1358 : vector<16xf32>
      %mul3A_1360 = arith.mulf %mul3A_1359, %get3A_11 : vector<16xf32>
      %add3A_1361 = arith.addf %add3A_1348, %mul3A_1360 : vector<16xf32>
      %add3A_1362 = arith.constant 48 : i32
      %add3A_1363 = arith.addi %mul3A_1319, %add3A_1362 : i32
      %get3A_1364 = arith.index_cast %add3A_1315 : i32 to index
      %get3A_1365 = arith.index_cast %add3A_1363 : i32 to index
      %get3A_1366 = tpu.vector_load %arg14[%get3A_1364, %get3A_1365] {strides = array<i32>} : memref<256x128xf32, #tpu.memory_space<vmem>>, vector<16xf32>,
      %add3A_1367 = arith.constant 48 : i32
      %add3A_1368 = arith.addi %mul3A_1323, %add3A_1367 : i32
      %get3A_1369 = arith.index_cast %add3A_1315 : i32 to index
      %get3A_1370 = arith.index_cast %add3A_1368 : i32 to index
      %get3A_1371 = tpu.vector_load %arg15[%get3A_1369, %get3A_1370] {strides = array<i32>} : memref<256x128xf32, #tpu.memory_space<vmem>>, vector<16xf32>,
      %mul3A_1372 = arith.mulf %get3A_1366, %get3A_1371 : vector<16xf32>
      %mul3A_1373 = arith.mulf %mul3A_1372, %get3A_15 : vector<16xf32>
      %add3A_1374 = arith.addf %add3A_1361, %mul3A_1373 : vector<16xf32>
      %reduce_sum3A_1375 = arith.constant true
      %reduce_sum3A_1376 = vector.broadcast %reduce_sum3A_1375 : i1 to vector<16xi1>
      %reduce_sum3A_1377 = tpu.scan <sum>, %add3A_1374 masked %reduce_sum3A_1376 : vector<16xf32>, vector<16xi1> -> vector<16xf32>
      %reduce_sum3A_1378 = vector.extract %reduce_sum3A_1377[15] : f32 from vector<16xf32>
      %eq3A_1379 = arith.constant 15 : i32
      %eq3A_1380 = vector.broadcast %eq3A_1379 : i32 to vector<16xi32>
      %eq3A_1381 = arith.cmpi eq, %iota3A, %eq3A_1380 : vector<16xi32>
      %broadcast_in_dim3A_1382 = arith.constant 0.000000e+00 : f32
      %broadcast_in_dim3A_1383 = vector.broadcast %broadcast_in_dim3A_1382 : f32 to vector<16xf32>
      %broadcast_in_dim3A_1384 = vector.broadcast %reduce_sum3A_1378 : f32 to vector<16xf32>
      %select_n3A_1385 = arith.select %eq3A_1381, %broadcast_in_dim3A_1384, %broadcast_in_dim3A_1383 : vector<16xi1>, vector<16xf32>
      %add3A_1386 = arith.addf %add3A_1313, %select_n3A_1385 : vector<16xf32>
      %neg3A = arith.constant 0.000000e+00 : f32
      %neg3A_1387 = vector.broadcast %neg3A : f32 to vector<16xf32>
      %neg3A_1388 = arith.subf %neg3A_1387, %add3A_1386 : vector<16xf32>
      %exp3A = math.exp %neg3A_1388 : vector<16xf32>
      %add3A_1389 = arith.constant 1.000000e+00 : f32
      %add3A_1390 = vector.broadcast %add3A_1389 : f32 to vector<16xf32>
      %add3A_1391 = arith.addf %add3A_1390, %exp3A : vector<16xf32>
      %div3A = arith.constant 1.000000e+00 : f32
      %div3A_1392 = vector.broadcast %div3A : f32 to vector<16xf32>
      %div3A_1393 = arith.divf %div3A_1392, %add3A_1391 : vector<16xf32>
      %add3A_1394 = arith.constant 256 : i32
      %add3A_1395 = arith.addi %add3A_1394, %mul3A_216 : i32
      %swap3A = arith.index_cast %add3A_1395 : i32 to index
      %swap3A_1396 = tpu.vector_load %arg18[%swap3A] {strides = array<i32>} : memref<512xf32, #tpu.memory_space<vmem>>, vector<16xf32>,
      tpu.vector_store %arg18[%swap3A], %div3A_1393 {strides = array<i32>} : memref<512xf32, #tpu.memory_space<vmem>>, vector<16xf32>,
    }
    %scan3A_213 = arith.constant 16 : i32
    "tpu.region"() ({
      %run_scoped3A_214 = tpu.sem_alloc : memref<!tpu.dma_semaphore, #tpu.memory_space<semaphore_mem>>
      %dma_start3A_215 = arith.constant 0 : i32
      %dma_start3A_216 = tpu.memref_slice %arg10[%add3A, %dma_start3A_215] : memref<32x512xf32, #tpu.memory_space<hbm>> -> memref<1x512xf32, #tpu.memory_space<hbm>>
      %dma_start3A_217 = tpu.memref_squeeze %dma_start3A_216 : memref<1x512xf32, #tpu.memory_space<hbm>> -> memref<512xf32, #tpu.memory_space<hbm>>
      %dma_start3A_218 = arith.constant 0 : i32
      %dma_start3A_219 = tpu.memref_slice %arg10[%add3A, %dma_start3A_218] : memref<32x512xf32, #tpu.memory_space<hbm>> -> memref<1x512xf32, #tpu.memory_space<hbm>>
      %dma_start3A_220 = tpu.memref_squeeze %dma_start3A_219 : memref<1x512xf32, #tpu.memory_space<hbm>> -> memref<512xf32, #tpu.memory_space<hbm>>
      tpu.enqueue_dma source(%arg18 : memref<512xf32, #tpu.memory_space<vmem>>) target(%dma_start3A_220 : memref<512xf32, #tpu.memory_space<hbm>>) target_semaphore(%run_scoped3A_214 : memref<!tpu.dma_semaphore, #tpu.memory_space<semaphore_mem>>)
      %dma_wait3A_221 = arith.constant 0 : i32
      %dma_wait3A_222 = tpu.memref_slice %arg10[%add3A, %dma_wait3A_221] : memref<32x512xf32, #tpu.memory_space<hbm>> -> memref<1x512xf32, #tpu.memory_space<hbm>>
      %dma_wait3A_223 = tpu.memref_squeeze %dma_wait3A_222 : memref<1x512xf32, #tpu.memory_space<hbm>> -> memref<512xf32, #tpu.memory_space<hbm>>
      %dma_wait3A_224 = arith.constant 0 : i32
      %dma_wait3A_225 = tpu.memref_slice %arg10[%add3A, %dma_wait3A_224] : memref<32x512xf32, #tpu.memory_space<hbm>> -> memref<1x512xf32, #tpu.memory_space<hbm>>
      %dma_wait3A_226 = tpu.memref_squeeze %dma_wait3A_225 : memref<1x512xf32, #tpu.memory_space<hbm>> -> memref<512xf32, #tpu.memory_space<hbm>>
      tpu.wait_dma2 semaphore(%run_scoped3A_214 : memref<!tpu.dma_semaphore, #tpu.memory_space<semaphore_mem>>) src(%arg18 : memref<512xf32, #tpu.memory_space<vmem>>) dst(%dma_wait3A_226 : memref<512xf32, #tpu.memory_space<hbm>>)
      tpu.yield
    }) : () -> ()
    return
  }
}

module attributes {stable_mosaic.version = 14 : i64} {
  func.func @_tr_body(%arg0: i32, %arg1: memref<64x4096xf32, #tpu.memory_space<vmem>>, %arg2: memref<64x4096xf32, #tpu.memory_space<vmem>>, %arg3: memref<64x64xf32, #tpu.memory_space<vmem>>, %arg4: memref<4096x128xf32, #tpu.memory_space<vmem>>) attributes {dimension_semantics = [#tpu.dimension_semantics<arbitrary>], iteration_bounds = array<i64: 123>, scalar_prefetch = 0 : i64, scratch_operands = 0 : i64, tpu.core_type = #tpu.core_type<tc>, window_params = [{transform_indices = @transform_0, window_bounds = array<i64: 64, 4096>}, {transform_indices = @transform_1, window_bounds = array<i64: 64, 4096>}, {pipeline_mode = #tpu.pipeline_mode<synchronous>, transform_indices = @transform_2, window_bounds = array<i64: 64, 64>}, {transform_indices = @transform_3, window_bounds = array<i64: 4096, 128>}]} {
    %get3A = arith.constant 0 : index
    %get3A_0 = arith.constant 0 : index
    %get3A_1 = vector.load %arg1[%get3A, %get3A_0] : memref<64x4096xf32, #tpu.memory_space<vmem>>, vector<64x4096xf32>
    %get3A_2 = arith.constant 0 : index
    %get3A_3 = arith.constant 0 : index
    %get3A_4 = vector.load %arg3[%get3A_2, %get3A_3] : memref<64x64xf32, #tpu.memory_space<vmem>>, vector<64x64xf32>
    %dot_general3A = arith.constant dense<0.000000e+00> : vector<4096x64xf32>
    %dot_general3A_5 = tpu.matmul %get3A_1, %get3A_4, %dot_general3A {dimension_numbers = #tpu.dot_dimension_numbers<[0], [0], [1], [1], [0, 1, 1, 1], [], []>, transpose_lhs_hint = false} : vector<64x4096xf32>, vector<64x64xf32>, vector<4096x64xf32> -> vector<4096x64xf32>
    %get3A_6 = arith.constant 0 : index
    %get3A_7 = arith.constant 0 : index
    %get3A_8 = vector.load %arg2[%get3A_6, %get3A_7] : memref<64x4096xf32, #tpu.memory_space<vmem>>, vector<64x4096xf32>
    %get3A_9 = arith.constant 0 : index
    %get3A_10 = arith.constant 0 : index
    %get3A_11 = vector.load %arg3[%get3A_9, %get3A_10] : memref<64x64xf32, #tpu.memory_space<vmem>>, vector<64x64xf32>
    %dot_general3A_12 = arith.constant dense<0.000000e+00> : vector<4096x64xf32>
    %dot_general3A_13 = tpu.matmul %get3A_8, %get3A_11, %dot_general3A_12 {dimension_numbers = #tpu.dot_dimension_numbers<[0], [0], [1], [1], [0, 1, 1, 1], [], []>, transpose_lhs_hint = false} : vector<64x4096xf32>, vector<64x64xf32>, vector<4096x64xf32> -> vector<4096x64xf32>
    %swap3A = arith.constant 0 : index
    %swap3A_14 = arith.constant 0 : index
    %swap3A_15 = vector.load %arg4[%swap3A, %swap3A_14] : memref<4096x128xf32, #tpu.memory_space<vmem>>, vector<4096x64xf32>
    tpu.vector_store %arg4[%swap3A, %swap3A_14], %dot_general3A_5 {strides = array<i32>} : memref<4096x128xf32, #tpu.memory_space<vmem>>, vector<4096x64xf32>,
    %swap3A_16 = arith.constant 0 : index
    %swap3A_17 = arith.constant 64 : index
    %swap3A_18 = vector.load %arg4[%swap3A_16, %swap3A_17] : memref<4096x128xf32, #tpu.memory_space<vmem>>, vector<4096x64xf32>
    tpu.vector_store %arg4[%swap3A_16, %swap3A_17], %dot_general3A_13 {strides = array<i32>} : memref<4096x128xf32, #tpu.memory_space<vmem>>, vector<4096x64xf32>,
    return
  }
  func.func @transform_0(%arg0: i32) -> (i32, i32) {
    %c0_i32 = arith.constant 0 : i32
    %c0_i32_0 = arith.constant 0 : i32
    return %c0_i32, %arg0 : i32, i32
  }
  func.func @transform_1(%arg0: i32) -> (i32, i32) {
    %add3A = arith.constant 123 : i32
    %add3A_0 = arith.addi %arg0, %add3A : i32
    %min3A = arith.constant 244 : i32
    %min3A_1 = arith.minsi %add3A_0, %min3A : i32
    %c0_i32 = arith.constant 0 : i32
    %c0_i32_2 = arith.constant 0 : i32
    return %c0_i32, %min3A_1 : i32, i32
  }
  func.func @transform_2(%arg0: i32) -> (i32, i32) {
    %c0_i32 = arith.constant 0 : i32
    %c0_i32_0 = arith.constant 0 : i32
    %c0_i32_1 = arith.constant 0 : i32
    return %c0_i32, %c0_i32_0 : i32, i32
  }
  func.func @transform_3(%arg0: i32) -> (i32, i32) {
    %c0_i32 = arith.constant 0 : i32
    %c0_i32_0 = arith.constant 0 : i32
    return %arg0, %c0_i32 : i32, i32
  }
}

</mosaic_0001>

<sc_bundles>
// kernel: _gmf.5.cloned.1.call-start
scs
__scs_entry_jumppad:
0x0: {  	(pc) =	sbr.rel $0x88, $3  }
0x1: {  	(tag) =	ssettag $0x0;
	lr =	simm.s32 $0x1  }
0x2: {  	[smem:$0x3F99] =	sst lr;
	_ =	strace $0xD0000000  }
0x3: {  	_ = 	snop  }
0x4: {  	_ = 	snop  }
0x5: {  	_ = 	snop  }
0x6: {  	_ = 	snop  }
0x7: {  	_ = 	snop  }
__scs_overlays_trampoline_lowered:
0x8: {  	[smem:$0x3FA8] =	sst s0  }
0x9: {  	[smem:$0x3FA9] =	sst s1  }
0xa: {  	[smem:$0x3FAA] =	sst s2  }
0xb: {  	[smem:$0x3FAB] =	sst s3  }
0xc: {  	[smem:$0x3FAC] =	sst s4  }
0xd: {  	[smem:$0x3FAD] =	sst s5  }
0xe: {  	[smem:$0x3FAE] =	sst s6  }
0xf: {  	[smem:$0x3FAF] =	sst s7  }
0x10: {  	[smem:$0x3FB0] =	sst s8  }
0x11: {  	[smem:$0x3FB1] =	sst s9;
	s0 =	simm.s32 @!p0 $0x0  }
0x12: {  	s1 =	sld [smem:$0x3F97];
	s0 =	simm.s32 @p0 $0x1  }
0x13: {  	[smem:$0x3FB2] =	sst s0;
	s0 =	simm.s32 @!p1 $0x0  }
0x14: {  	s2 =	sld [smem:$0x3F96];
	s0 =	simm.s32 @p1 $0x1  }
0x15: {  	[smem:$0x3FB3] =	sst s0;
	s0 =	simm.s32 @!p2 $0x0  }
0x16: {  	s3 =	sld [smem:$0x3FDB];
	s0 =	simm.s32 @p2 $0x1  }
0x17: {  	s4 =	simm.s32 $0x1BF5;
	[smem:$0x3FB5] =	sst s0  }
0x18: {  	s0 =	sld [smem:$0x3F98];
	_ =	swait.ge [sflag:s4], $0x0  }
0x19: {  	s7 =	sld [smem:$0x3F99]  }
0x1a: {  	s8 =	sadd.s32 $0xFFFFE003, lr  }
0x1b: {  	s9 =	sadd.s32 $0xFFFFFEF7, lr;
	s5 =	simm.s32 $0xFFFFFFFF;
	p2 =	slt.u32 s8, $0xFFFFF086  }
0x1c: {  	p1 =	slt.u32 s9, $0xF7A;
	s5 =	simm.s32 @!p2 $0x0  }
0x1d: {  	s5 =	simm.s32 @p1 $0x1;
	p0 =	seq.s32 s7, s2  }
0x1e: {  	s7 =	smul.u32 @!p0 $0xF7A, s2;
	p2 =	seq.s32 @!p0 s5, $0x0  }
0x1f: {  	s9 =	smul.u32 $0xF7A, s1;
	s8 =	simm.s32 @!p0 $0x1BF5;
	p2 =	por !p2, p0  }
0x20: {  	[sflag:s8] =	ssyncset.s32 @!p0 $0xFFFFF086;
	s6 =	sadd.s32 @!p0 s3, s7;
	s7 =	simm.s32 @!p0 $0x108  }
0x21: {  	s3 =	sadd.s32 s3, s9;
	s6 =	sadd.s32 @!p0 $0x88, s6;
	s7 =	simm.s32 @p2 $0x1082  }
0x22: {  	[simem:s7], [sflag:s8] =	dma.local @!p0 [hbm:s6], $0xF7A  }
0x23: {  	s9 =	sor.u32 $0xD0000000, s2;
	s6 =	simm.s32 $0x108;
	_ =	swait.ge @!p0 [sflag:s8], $0x0  }
0x24: {  	s3 =	sadd.s32 $0x88, s3;
	s6 =	simm.s32 @!p1 $0x1082;
	[sflag:s4] =	ssyncset.s32 $0xFFFFF086  }
0x25: {  	[simem:s6], [sflag:s4] =	dma.local [hbm:s3], $0xF7A  }
0x26: {  	[smem:$0x3F99] =	sst s1;
	(tag) =	ssettag s2;
	_ =	strace s9  }
0x27: {  	s1 =	sld [smem:$0x3FA9]  }
0x28: {  	s2 =	sld [smem:$0x3FAA]  }
0x29: {  	s4 =	sld [smem:$0x3FAC]  }
0x2a: {  	p0 =	seq.s32 s5, $0x0;
	s5 =	sld [smem:$0x3FAD]  }
0x2b: {  	s6 =	sld [smem:$0x3FAE]  }
0x2c: {  	s7 =	sld [smem:$0x3FAF]  }
0x2d: {  	s3 =	simm.s32 $0x108;
	s8 =	sld [smem:$0x3FB0]  }
0x2e: {  	s3 =	simm.s32 @!p0 $0x1082;
	s9 =	sld [smem:$0x3FB1]  }
0x2f: {  	lr =	sadd.s32 s0, s3;
	s0 =	sld [smem:$0x3FA8]  }
0x30: {  	s3 =	sld [smem:$0x3FAB]  }
0x31: {  	[smem:$0x3FB4] =	sst s10  }
0x32: {  	s10 =	sld [smem:$0x3FB2];
	_ =	sdelay $0x3  }
0x33: {  	p0 =	seq.s32 s10, $0x1;
	s10 =	sld [smem:$0x3FB4];
	_ =	sdelay $0x3  }
0x34: {  	[smem:$0x3FB4] =	sst s10  }
0x35: {  	s10 =	sld [smem:$0x3FB3];
	_ =	sdelay $0x3  }
0x36: {  	p1 =	seq.s32 s10, $0x1;
	s10 =	sld [smem:$0x3FB4];
	_ =	sdelay $0x3  }
0x37: {  	[smem:$0x3FB4] =	sst s10  }
0x38: {  	s10 =	sld [smem:$0x3FB5]  }
0x39: {  	_ = 	snop;
	(pc) =	sbr.ind lr, $3  }
0x3a: {  	_ = 	snop  }
0x3b: {  	_ = 	snop  }
0x3c: {  	p2 =	seq.s32 s10, $0x1;
	s10 =	sld [smem:$0x3FB4]  }
0x3d: {  	_ =	shalt  }
0x3e: {  	_ =	shalt  }
0x3f: {  	_ =	shalt  }
0x40: {  	_ =	shalt  }
0x41: {  	_ =	shalt  }
0x42: {  	_ =	shalt  }
0x43: {  	_ =	shalt  }
0x44: {  	_ =	shalt  }
0x45: {  	_ =	shalt  }
0x46: {  	_ =	shalt  }
0x47: {  	_ =	shalt  }
0x48: {  	_ =	shalt  }
0x49: {  	_ =	shalt  }
0x4a: {  	_ =	shalt  }
0x4b: {  	_ =	shalt  }
0x4c: {  	_ =	shalt  }
0x4d: {  	_ =	shalt  }
0x4e: {  	_ =	shalt  }
0x4f: {  	_ =	shalt  }
0x50: {  	_ =	shalt  }
0x51: {  	_ =	shalt  }
0x52: {  	_ =	shalt  }
0x53: {  	_ =	shalt  }
0x54: {  	_ =	shalt  }
0x55: {  	_ =	shalt  }
0x56: {  	_ =	shalt  }
0x57: {  	_ =	shalt  }
0x58: {  	_ =	shalt  }
0x59: {  	_ =	shalt  }
0x5a: {  	_ =	shalt  }
0x5b: {  	_ =	shalt  }
0x5c: {  	_ =	shalt  }
0x5d: {  	_ =	shalt  }
0x5e: {  	_ =	shalt  }
0x5f: {  	_ =	shalt  }
0x60: {  	_ =	shalt  }
0x61: {  	_ =	shalt  }
0x62: {  	_ =	shalt  }
0x63: {  	_ =	shalt  }
0x64: {  	_ =	shalt  }
0x65: {  	_ =	shalt  }
0x66: {  	_ =	shalt  }
0x67: {  	_ =	shalt  }
0x68: {  	_ =	shalt  }
0x69: {  	_ =	shalt  }
0x6a: {  	_ =	shalt  }
0x6b: {  	_ =	shalt  }
0x6c: {  	_ =	shalt  }
0x6d: {  	_ =	shalt  }
0x6e: {  	_ =	shalt  }
0x6f: {  	_ =	shalt  }
0x70: {  	_ =	shalt  }
0x71: {  	_ =	shalt  }
0x72: {  	_ =	shalt  }
0x73: {  	_ =	shalt  }
0x74: {  	_ =	shalt  }
0x75: {  	_ =	shalt  }
0x76: {  	_ =	shalt  }
0x77: {  	_ =	shalt  }
0x78: {  	_ =	shalt  }
0x79: {  	_ =	shalt  }
0x7a: {  	_ =	shalt  }
0x7b: {  	_ =	shalt  }
0x7c: {  	_ =	shalt  }
0x7d: {  	_ =	shalt  }
0x7e: {  	_ =	shalt  }
0x7f: {  	_ =	shalt  }
0x80: {  	_ =	shalt  }
0x81: {  	_ =	shalt  }
0x82: {  	_ =	shalt  }
0x83: {  	_ =	shalt  }
0x84: {  	_ =	shalt  }
0x85: {  	_ =	shalt  }
0x86: {  	_ =	shalt  }
0x87: {  	_ =	shalt  }
.Lfunc_end0:
.L_simem_size_0:
called_computation_lowered:
.L_overlay_start_0:
0x88: {  	s2 =	sld [smem:$0x3FD9]  }
0x89: {  	s3 =	sld [smem:$0x3FFE];
	_ =	sdelay $0x1  }
0x8a: {  	s1 =	srdreg.scid  }
0x8b: {  	s0 =	sand.u32 $0x1, s1  }
0x8c: {  	s17 =	sshll.u32 s0, $0xA;
	s2 =	sadd.s32 s3, s2  }
0x8d: {  	s2 =	sadd.s32 s2, s17  }
0x8e: {  	[smem:$0x3FC0] =	sst s2  }
0x8f: {  	_ = 	snop  }
0x90: {  	s2 =	sld [smem:$0x3FC9]  }
0x91: {  	s18 =	sld [smem:$0x3FC8]  }
0x92: {  	s4 =	sld [smem:$0x3FC7]  }
0x93: {  	s5 =	sld [smem:$0x3FC6]  }
0x94: {  	s6 =	sld [smem:$0x3FC3]  }
0x95: {  	s7 =	sld [smem:$0x3FC2]  }
0x96: {  	s8 =	sld [smem:$0x3FD0];
	(tm) =	ssettm $0x1  }
0x97: {  	s9 =	sld [smem:$0x3FFB];
	_ =	sdelay $0x3  }
0x98: {  	_ =	strace s9  }
0x99: {  	s9 =	sld [smem:$0x3FFC];
	_ =	sdelay $0x3  }
0x9a: {  	_ =	strace s9  }
0x9b: {  	s9 =	sld [smem:$0x3FFD];
	_ =	sdelay $0x3  }
0x9c: {  	_ =	strace s9  }
0x9d: {  	_ =	strace $0x8FFFFFFF  }
0x9e: {  	s19 =	sld [smem:$0x3FDB];
	_ =	sdelay $0x1  }
0x9f: {  	s10 =	simm.s32 $_scs_section_size  }
0xa0: {  	s11 =	simm.s32 $_size__tile_overlayer_lowered;
	s12 =	simm.s32 $_tile_overlayer_lowered  }
0xa1: {  	s22 =	simm.s32 $0x1BFF;
	s21 =	sshll.u32 s12, $0x1;
	s9 =	sadd.s32 s10, s19  }
0xa2: {  	s13 =	simm.s32 $0x0;
	s20 =	sshll.u32 s11, $0x1;
	s11 =	sadd.s32 s21, s9  }
0xa3: {  	[timem:s13], [sflag:s22] =	dma.local [hbm:s11], s20  }
0xa4: {  	_ =	swait.ge [sflag:s22], s20  }
0xa5: {  	s10 =	ssub.s32 $0x0, s20;
	[sflag:s22] =	ssyncset.done $0x0  }
0xa6: {  	[sflag:s22] =	ssyncadd.s32 s10;
	_ =	sdelay $0x1  }
0xa7: {  	s23 =	simm.s32 $0x1B8B  }
0xa8: {  	_ =	swait.ge [sflag:s23], $0x1  }
0xa9: {  	[sflag:s23] =	ssyncset.done $0x0  }
0xaa: {  	s25 =	simm.s32 $0x1B8E;
	s24 =	sld [smem:$0x3FFE];
	[sflag:s23] =	ssyncadd.s32 $0xFFFFFFFF  }
0xab: {  	s26 =	simm.s32 $execute0_lowered;
	[smem:$0x3FD2] =	sst s25  }
0xac: {  	s11 =	sshll.u32 s26, $0x1;
	_ =	strace $0x80000046;
	[dreg:$0x1] =	wrdreg $0xFFFFFFFF  }
0xad: {  	s28 =	simm.s32 $_size_execute0_lowered;
	s9 =	sadd.s32 s9, s11;
	[dreg:$0x0] =	wrdreg $0x0  }
0xae: {  	s11 =	sshll.u32 s28, $0x1;
	[dreg:$0x2] =	wrdreg s9  }
0xaf: {  	[dreg:$0x3] =	wrdreg s11  }
0xb0: {  	[dreg:$0x4] =	wrdreg $0xC0  }
0xb1: {  	_ =	task [dreg:s13], $0x5FFFF  }
0xb2: {  	[dreg:$0x1] =	wrdreg $0xFFFFFFFF  }
0xb3: {  	[dreg:$0x0] =	wrdreg $0x60  }
0xb4: {  	[dreg:$0x2] =	wrdreg s2  }
0xb5: {  	[dreg:$0x3] =	wrdreg s18  }
0xb6: {  	[dreg:$0x4] =	wrdreg s4  }
0xb7: {  	[dreg:$0x5] =	wrdreg s5  }
0xb8: {  	[dreg:$0x6] =	wrdreg s24  }
0xb9: {  	[dreg:$0x7] =	wrdreg s6  }
0xba: {  	[dreg:$0x8] =	wrdreg s7  }
0xbb: {  	[dreg:$0x9] =	wrdreg s8  }
0xbc: {  	[dreg:$0xa] =	wrdreg $0x9  }
0xbd: {  	_ =	task.clear_ibuf [dreg:s13], $0xBFFFF;
	_ =	strace $0x90000046  }
0xbe: {  	s29 =	simm.s32 $0x9;
	_ =	strace $0x80000048  }
0xbf: {  	_ =	swait.ge [sflag:s29], $0x1  }
0xc0: {  	[sflag:s29] =	ssyncadd.s32 $0xFFFFFFFF  }
0xc1: {  	_ =	strace $0x90000048  }
0xc2: {  	_ =	sfence  }
0xc3: {  	s30 =	sld [smem:$0x0];
	_ =	sdelay $0x2  }
0xc4: {  	s31 =	sshll.u32 s1, $0xD;
	s1 =	sshrl.u32 s1, $0x2  }
0xc5: {  	s3 =	sand.u32 $0x4000, s31;
	s1 =	sadd.s32 s1, s30  }
0xc6: {  	s0 =	sor.u32 s3, s0;
	s1 =	sshll.u32 s1, $0x11  }
0xc7: {  	s0 =	sor.u32 s1, s0  }
0xc8: {  	s0 =	sadd.s32 $0x8F2B, s0  }
0xc9: {  	[sflag:s0] =	ssyncadd.remote.s32 $0x1  }
0xca: {  	_ =	sfence.sel $0xFFFF  }
0xcb: {  	[dreg:$0x0] =	wrdreg $0xFFFFFFFF;
	(pc) =	sbr.abs _section_cstart, $3  }
0xcc: {  	[dreg:$0x1] =	wrdreg $0xFFFFFFFF  }
0xcd: {  	_ =	task.clear_ibuf [dreg:s13], $0x2FFFF;
	_ =	strace $0x9FFFFFFF  }
0xce: {  	(tm) =	ssettm $0x7FFFFFFF  }
0xcf: {  	_ =	shalt  }
tec
execute0_lowered:
.L_overlay_start_1:
0x0: {  	(tag) =	ssettag $0x1  }
0x1: {  	s0 =	rddreg [dreg:$0x0]  }
0x2: {  	s1 =	rddreg [dreg:$0x1]  }
0x3: {  	s2 =	rddreg [dreg:$0x2]  }
0x4: {  	s3 =	rddreg [dreg:$0x3]  }
0x5: {  	s6 =	rddreg [dreg:$0x4]  }
0x6: {  	s15 =	rddreg [dreg:$0x7];
	s4 =	simm.s32 $0x0  }
0x7: {  	s5 =	srdreg.scid;
	s13 =	stileid.u32;
	s18 =	simm.s32 $0x2  }
0x8: {  	s20 =	simm.s32 $0x100;
	s21 =	simm.s32 $0x80;
	s22 =	simm.s32 $0x400  }
0x9: {  	s28 =	simm.s32 $0x1;
	s30 =	simm.s32 $0x0;
	[smem:$0x7FF] =	sst s4  }
0xa: {  	s7 =	sand.u32 $0x1, s5;
	s8 =	sshll.u32 s13, $0x1;
	s5 =	sadd.s32 $0x7B0400, s6  }
0xb: {  	s6 =	sadd.s32 $0x400, s6;
	s29 =	sshll.u32 s13, $0x7;
	s14 =	sor.u32 s7, s8  }
0xc: {  	_ =	strace $0x80000047;
	s9 =	ssub.s32 $0x2, s7;
	s11 =	sshll.u32 s14, $0x6  }
0xd: {  	s23 =	sshrl.u32 s9, $0x1;
	s31 =	sshll.u32 s14, $0x4;
	s24 =	sadd.s32 s0, s11  }
0xe: {  	s16 =	ssub.s32 s9, s23;
	s25 =	sadd.s32 s1, s11;
	[dreg:$0x9] =	wrdreg s24  }
0xf: {  	vm0 =	vmmov $0x1;
	s26 =	sadd.s32 s2, s11;
	s10 =	sadd.s32 s3, s11;
	[dreg:$0xa] =	wrdreg s25  }
0x10: {  	vm1 =	vcmask $0x704;
	vm2 =	vcmask $0xB08;
	vm3 =	vcmask $0xF0C;
	s17 =	sor.u32 $0x20, s11;
	s23 =	simm.s32 $0x8400;
	[dreg:$0xb] =	wrdreg s26  }
0x11: {  	vm4 =	vcmask $0x1310;
	vm5 =	vcmask $0x1714;
	vm6 =	vcmask $0x1B18;
	s11 =	sadd.s32 s0, s17;
	s12 =	sadd.s32 s1, s17;
	s13 =	sadd.s32 s2, s17  }
0x12: {  	vm7 =	vcmask $0x1F1C;
	vm8 =	vcmask $0x2320;
	vm9 =	vcmask $0x2724;
	s0 =	sand.u32 $0x600, s29;
	s14 =	sadd.s32 s3, s17;
	s1 =	sand.u32 $0x70, s31  }
0x13: {  	vm10 =	vcmask $0x2B28;
	vm11 =	vcmask $0x2F2C;
	vm12 =	vcmask $0x3330;
	s16 =	smax.u32 s16, $0x1;
	s24 =	simm.s32 $0x4400;
	s0 =	sadd.s32 s15, s0  }
0x14: {  	vm13 =	vcmask $0x3734;
	vm14 =	vcmask $0x3B38;
	vm15 =	vmmov $0x7fff;
	s25 =	simm.s32 $0x180;
	s26 =	simm.s32 $0xC400;
	s15 =	sadd.s32 s1, s0  }
.LBB2_1:
0x15: {  	s0 =	rddreg [dreg:$0x5];
	s1 =	simm.s32 $0x10400  }
0x16: {  	[tilespmem:s1], [sflag:$0x2] =	stream.linear.gather [hbm4b:s0+s4], $0x200, $0x38;
	[tilespmem:$0x10880] =	vst v63  }
0x17: {  	_ =	swait.ge [sflag:s18], $0x200  }
0x18: {  	[sflag:s18] =	ssyncset.done $0x0  }
0x19: {  	[sflag:s18] =	ssyncadd.s32 $0xFFFFFE00  }
0x1a: {  	s9 =	simm.s32 $0x10600;
	s8 =	rddreg [dreg:$0x6]  }
0x1b: {  	[tilespmem:s9], [sflag:$0x2] =	stream.linear.gather [hbm4b:s8+s4], $0x80, $0x38;
	[tilespmem:$0x10880] =	vst v63  }
0x1c: {  	_ =	swait.ge [sflag:s18], $0x80  }
0x1d: {  	[sflag:s18] =	ssyncset.done $0x0  }
0x1e: {  	[sflag:s18] =	ssyncadd.s32 $0xFFFFFF80  }
0x1f: {  	v0 =	vld [tilespmem:$0x10400]  }
0x20: {  	v1 =	vld [tilespmem:$0x10480]  }
0x21: {  	v2 =	vld [tilespmem:$0x10500]  }
0x22: {  	s17 =	rddreg [dreg:$0x9];
	v3 =	vld [tilespmem:$0x10580]  }
0x23: {  	v4 =	vld [tilespmem:$0x10600];
	[tilespmem:s4], [sflag:$0x2] =	stream.linear.gather [hbm4b:s17+s4], $0x100, $0x38  }
0x24: {  	_ =	swait.ge [sflag:s18], $0x100  }
0x25: {  	[sflag:s18] =	ssyncset.done $0x0  }
0x26: {  	s19 =	rddreg [dreg:$0xa];
	[sflag:s18] =	ssyncadd.s32 $0xFFFFFF00  }
0x27: {  	[tilespmem:s20], [sflag:$0x2] =	stream.linear.gather [hbm4b:s19+s4], $0x100, $0x38;
	[tilespmem:$0x10880] =	vst v63  }
0x28: {  	_ =	swait.ge [sflag:s18], $0x100  }
0x29: {  	[sflag:s18] =	ssyncset.done $0x0  }
0x2a: {  	s31 =	simm.s32 $0x200;
	s29 =	rddreg [dreg:$0xb];
	[sflag:s18] =	ssyncadd.s32 $0xFFFFFF00  }
0x2b: {  	[tilespmem:s31], [sflag:$0x2] =	stream.linear.gather [hbm4b:s29+s4], $0x100, $0x38;
	[tilespmem:$0x10880] =	vst v63  }
0x2c: {  	_ =	swait.ge [sflag:s18], $0x100  }
0x2d: {  	[sflag:s18] =	ssyncset.done $0x0  }
0x2e: {  	s0 =	simm.s32 $0x300;
	[sflag:s18] =	ssyncadd.s32 $0xFFFFFF00  }
0x2f: {  	[tilespmem:s0], [sflag:$0x2] =	stream.linear.gather [hbm4b:s10+s4], $0x100, $0x38;
	[tilespmem:$0x10880] =	vst v63  }
0x30: {  	_ =	swait.ge [sflag:s18], $0x100  }
0x31: {  	[sflag:s18] =	ssyncset.done $0x0  }
0x32: {  	[sflag:s18] =	ssyncadd.s32 $0xFFFFFF00  }
0x33: {  	[tilespmem:s22], [sflag:$0x1] =	stream.indirect.gather [hbm4b:s5+s21], $0x80, s4, s21, $0xb8;
	[tilespmem:$0x10880] =	vst v63  }
0x34: {  	_ = 	snop  }
0x35: {  	[tilespmem:s23], [sflag:$0x1] =	stream.indirect.gather [hbm4b:s6+s21], $0x80, s20, s21, $0xb8;
	[tilespmem:$0x10880] =	vst v63  }
0x36: {  	_ = 	snop  }
0x37: {  	[tilespmem:s24], [sflag:$0x1] =	stream.indirect.gather [hbm4b:s5+s21], $0x80, s21, s21, $0xb8;
	[tilespmem:$0x10880] =	vst v63  }
0x38: {  	_ = 	snop  }
0x39: {  	[tilespmem:s26], [sflag:$0x1] =	stream.indirect.gather [hbm4b:s6+s21], $0x80, s25, s21, $0xb8;
	[tilespmem:$0x10880] =	vst v63  }
0x3a: {  	_ =	swait.ge [sflag:s28], $0x4000  }
0x3b: {  	[sflag:s28] =	ssyncset.done $0x0  }
0x3c: {  	[sflag:s28] =	ssyncadd.s32 $0xFFFFC000  }
0x3d: {  	_ =	swait.ge [sflag:s28], $0x4000  }
0x3e: {  	[sflag:s28] =	ssyncset.done $0x0  }
0x3f: {  	[sflag:s28] =	ssyncadd.s32 $0xFFFFC000  }
0x40: {  	_ =	swait.ge [sflag:s28], $0x4000  }
0x41: {  	[sflag:s28] =	ssyncset.done $0x0  }
0x42: {  	[sflag:s28] =	ssyncadd.s32 $0xFFFFC000  }
0x43: {  	_ =	swait.ge [sflag:s28], $0x4000  }
0x44: {  	[sflag:s28] =	ssyncset.done $0x0  }
0x45: {  	s3 =	simm.s32 $0x10680;
	s1 =	simm.s32 $0x0;
	[sflag:s28] =	ssyncadd.s32 $0xFFFFC000  }
.LBB2_2:
0x46: {  	v6 =	vld [tilespmem:s31+$0x0]  }
0x47: {  	v5 =	vld [tilespmem:s0+$0x0];
	_ =	sdelay $0x3  }
0x48: {  	(v2sf) =	vpush v6, $0x0  }
0x49: {  	(v2sf) =	vpush v5, $0x0;
	_ =	sdelay $0x6  }
0x4a: {  	(v2sf) =	vpush v6, $0x1;
	_ =	sdelay $0x3  }
0x4b: {  	(v2sf) =	vpush v5, $0x1;
	_ =	sdelay $0x2  }
0x4c: {  	s2 =	spop (v2sf)  }
0x4d: {  	(v2sf) =	vpush v6, $0x2;
	s17 =	sshll.u32 s2, $0x8;
	s19 =	spop (v2sf);
	s2 =	sand.u32 $0x1, s2  }
0x4e: {  	s17 =	sand.u32 $0xFFFFFE00, s17;
	s2 =	sshll.u32 s2, $0x8;
	s29 =	sshll.u32 s19, $0x8  }
0x4f: {  	s19 =	sand.u32 $0x1, s19;
	s2 =	sor.u32 s2, s17;
	s7 =	sand.u32 $0xFFFFFE00, s29  }
0x50: {  	s19 =	sshll.u32 s19, $0x8;
	s8 =	sshra.s32 s2, $0x2;
	s2 =	sshra.s32 s1, $0x2  }
0x51: {  	(v2sf) =	vpush v5, $0x2;
	s17 =	sor.u32 s19, s7;
	s19 =	sadd.s32 s2, s8  }
0x52: {  	v13 =	vld [tilespmem:s19+$0x400]  }
0x53: {  	v14 =	vld [tilespmem:s19+$0x410]  }
0x54: {  	s9 =	spop (v2sf);
	s17 =	sshra.s32 s17, $0x2;
	v15 =	vld [tilespmem:s19+$0x420]  }
0x55: {  	(v2sf) =	vpush v6, $0x3;
	s29 =	sand.u32 $0x1, s9;
	s7 =	sshll.u32 s9, $0x8;
	s17 =	sadd.s32 s2, s17;
	v21 =	vld [tilespmem:s19+$0x430]  }
0x56: {  	s29 =	sshll.u32 s29, $0x8;
	s7 =	sand.u32 $0xFFFFFE00, s7;
	v16 =	vld [tilespmem:s17+$0x8400]  }
0x57: {  	s7 =	sor.u32 s29, s7;
	v17 =	vld [tilespmem:s17+$0x8410]  }
0x58: {  	s8 =	spop (v2sf);
	v18 =	vld [tilespmem:s17+$0x8420];
	s7 =	sshra.s32 s7, $0x2  }
0x59: {  	(v2sf) =	vpush v5, $0x3;
	s9 =	sshll.u32 s8, $0x8;
	s8 =	sand.u32 $0x1, s8;
	v37 =	vld [tilespmem:s17+$0x8430];
	s7 =	sadd.s32 s2, s7  }
0x5a: {  	s9 =	sand.u32 $0xFFFFFE00, s9;
	s8 =	sshll.u32 s8, $0x8;
	v23 =	vld [tilespmem:s7+$0x480]  }
0x5b: {  	s8 =	sor.u32 s8, s9;
	v19 =	vld [tilespmem:s7+$0x490]  }
0x5c: {  	s8 =	sshra.s32 s8, $0x2;
	v20 =	vld [tilespmem:s7+$0x4A0];
	s9 =	spop (v2sf)  }
0x5d: {  	v25 =	vld [tilespmem:s7+$0x4B0];
	s8 =	sadd.s32 s2, s8;
	(v2sf) =	vpush v6, $0x4;
	s29 =	sshll.u32 s9, $0x8;
	s9 =	sand.u32 $0x1, s9  }
0x5e: {  	v32 =	vld [tilespmem:s8+$0x8480];
	s17 =	sand.u32 $0xFFFFFE00, s29;
	s9 =	sshll.u32 s9, $0x8  }
0x5f: {  	v26 =	vld [tilespmem:s8+$0x8490];
	s9 =	sor.u32 s9, s17  }
0x60: {  	v38 =	vld [tilespmem:s8+$0x84A0];
	s19 =	spop (v2sf);
	s9 =	sshra.s32 s9, $0x2  }
0x61: {  	v39 =	vld [tilespmem:s8+$0x84B0];
	(v2sf) =	vpush v5, $0x4;
	s29 =	sshll.u32 s19, $0x8;
	s19 =	sand.u32 $0x1, s19;
	s7 =	sadd.s32 s2, s9  }
0x62: {  	s29 =	sand.u32 $0xFFFFFE00, s29;
	s19 =	sshll.u32 s19, $0x8;
	v27 =	vld [tilespmem:s7+$0x500]  }
0x63: {  	s17 =	sor.u32 s19, s29;
	v24 =	vld [tilespmem:s7+$0x510]  }
0x64: {  	s19 =	sshra.s32 s17, $0x2;
	s9 =	spop (v2sf);
	v29 =	vld [tilespmem:s7+$0x520]  }
0x65: {  	(v2sf) =	vpush v6, $0x5;
	s8 =	sadd.s32 s2, s19;
	s29 =	sshll.u32 s9, $0x8;
	s9 =	sand.u32 $0x1, s9;
	v22 =	vld [tilespmem:s7+$0x530]  }
0x66: {  	v40 =	vld [tilespmem:s8+$0x8500];
	s17 =	sand.u32 $0xFFFFFE00, s29;
	s9 =	sshll.u32 s9, $0x8  }
0x67: {  	v35 =	vld [tilespmem:s8+$0x8510];
	s9 =	sor.u32 s9, s17  }
0x68: {  	s19 =	spop (v2sf);
	v44 =	vld [tilespmem:s8+$0x8520];
	s9 =	sshra.s32 s9, $0x2  }
0x69: {  	(v2sf) =	vpush v5, $0x5;
	s29 =	sshll.u32 s19, $0x8;
	s19 =	sand.u32 $0x1, s19;
	v28 =	vld [tilespmem:s8+$0x8530];
	s7 =	sadd.s32 s2, s9  }
0x6a: {  	s29 =	sand.u32 $0xFFFFFE00, s29;
	s19 =	sshll.u32 s19, $0x8;
	v52 =	vld [tilespmem:s7+$0x580]  }
0x6b: {  	s17 =	sor.u32 s19, s29;
	v48 =	vld [tilespmem:s7+$0x590]  }
0x6c: {  	s19 =	sshra.s32 s17, $0x2;
	v41 =	vld [tilespmem:s7+$0x5A0];
	s9 =	spop (v2sf)  }
0x6d: {  	s8 =	sadd.s32 s2, s19;
	v30 =	vld [tilespmem:s7+$0x5B0];
	(v2sf) =	vpush v6, $0x6;
	s29 =	sshll.u32 s9, $0x8;
	s9 =	sand.u32 $0x1, s9  }
0x6e: {  	v56 =	vld [tilespmem:s8+$0x8580];
	s17 =	sand.u32 $0xFFFFFE00, s29;
	s9 =	sshll.u32 s9, $0x8  }
0x6f: {  	v54 =	vld [tilespmem:s8+$0x8590];
	s9 =	sor.u32 s9, s17  }
0x70: {  	v46 =	vld [tilespmem:s8+$0x85A0];
	s19 =	spop (v2sf);
	s9 =	sshra.s32 s9, $0x2  }
0x71: {  	v31 =	vld [tilespmem:s8+$0x85B0];
	(v2sf) =	vpush v5, $0x6;
	s29 =	sshll.u32 s19, $0x8;
	s19 =	sand.u32 $0x1, s19;
	s7 =	sadd.s32 s2, s9  }
0x72: {  	s29 =	sand.u32 $0xFFFFFE00, s29;
	s19 =	sshll.u32 s19, $0x8;
	v50 =	vld [tilespmem:s7+$0x600]  }
0x73: {  	s17 =	sor.u32 s19, s29;
	v47 =	vld [tilespmem:s7+$0x610]  }
0x74: {  	s19 =	sshra.s32 s17, $0x2;
	s9 =	spop (v2sf);
	v43 =	vld [tilespmem:s7+$0x620]  }
0x75: {  	(v2sf) =	vpush v6, $0x7;
	s8 =	sadd.s32 s2, s19;
	s29 =	sshll.u32 s9, $0x8;
	s9 =	sand.u32 $0x1, s9;
	v33 =	vld [tilespmem:s7+$0x630]  }
0x76: {  	v55 =	vld [tilespmem:s8+$0x8600];
	s17 =	sand.u32 $0xFFFFFE00, s29;
	s9 =	sshll.u32 s9, $0x8  }
0x77: {  	v53 =	vld [tilespmem:s8+$0x8610];
	s9 =	sor.u32 s9, s17  }
0x78: {  	s19 =	spop (v2sf);
	v49 =	vld [tilespmem:s8+$0x8620];
	s9 =	sshra.s32 s9, $0x2  }
0x79: {  	(v2sf) =	vpush v5, $0x7;
	s29 =	sshll.u32 s19, $0x8;
	s19 =	sand.u32 $0x1, s19;
	v36 =	vld [tilespmem:s8+$0x8630];
	s7 =	sadd.s32 s2, s9  }
0x7a: {  	s29 =	sand.u32 $0xFFFFFE00, s29;
	s19 =	sshll.u32 s19, $0x8;
	v58 =	vld [tilespmem:s7+$0x680]  }
0x7b: {  	s17 =	sor.u32 s19, s29;
	v57 =	vld [tilespmem:s7+$0x690]  }
0x7c: {  	s19 =	sshra.s32 s17, $0x2;
	v45 =	vld [tilespmem:s7+$0x6A0];
	s9 =	spop (v2sf)  }
0x7d: {  	s8 =	sadd.s32 s2, s19;
	v34 =	vld [tilespmem:s7+$0x6B0];
	(v2sf) =	vpush v6, $0x8;
	s29 =	sshll.u32 s9, $0x8;
	s9 =	sand.u32 $0x1, s9  }
0x7e: {  	v60 =	vld [tilespmem:s8+$0x8680];
	s17 =	sand.u32 $0xFFFFFE00, s29;
	s9 =	sshll.u32 s9, $0x8  }
0x7f: {  	v59 =	vld [tilespmem:s8+$0x8690];
	s9 =	sor.u32 s9, s17  }
0x80: {  	v51 =	vld [tilespmem:s8+$0x86A0];
	s19 =	spop (v2sf);
	s9 =	sshra.s32 s9, $0x2  }
0x81: {  	v42 =	vld [tilespmem:s8+$0x86B0];
	(v2sf) =	vpush v5, $0x8;
	s29 =	sshll.u32 s19, $0x8;
	s19 =	sand.u32 $0x1, s19;
	s7 =	sadd.s32 s2, s9  }
0x82: {  	s29 =	sand.u32 $0xFFFFFE00, s29;
	s19 =	sshll.u32 s19, $0x8;
	v9 =	vld [tilespmem:s7+$0x700]  }
0x83: {  	s17 =	sor.u32 s19, s29;
	v7 =	vld [tilespmem:s7+$0x710]  }
0x84: {  	s19 =	sshra.s32 s17, $0x2;
	s9 =	spop (v2sf);
	v8 =	vld [tilespmem:s7+$0x720]  }
0x85: {  	v61 =	vmul.f32 v16, v13;
	(v2sf) =	vpush v6, $0x9;
	s8 =	sadd.s32 s2, s19;
	s29 =	sshll.u32 s9, $0x8;
	s9 =	sand.u32 $0x1, s9;
	v13 =	vld [tilespmem:s7+$0x730]  }
0x86: {  	v17 =	vmul.f32 v17, v14;
	v11 =	vld [tilespmem:s8+$0x8700];
	s17 =	sand.u32 $0xFFFFFE00, s29;
	s9 =	sshll.u32 s9, $0x8  }
0x87: {  	v18 =	vmul.f32 v18, v15;
	v10 =	vld [tilespmem:s8+$0x8710];
	s9 =	sor.u32 s9, s17  }
0x88: {  	v61 =	vmul.f32 v61, v0;
	v62 =	vmul.f32 v17, v1;
	s19 =	spop (v2sf);
	v12 =	vld [tilespmem:s8+$0x8720];
	s9 =	sshra.s32 s9, $0x2  }
0x89: {  	(v2sf) =	vpush v5, $0x9;
	s29 =	sshll.u32 s19, $0x8;
	s19 =	sand.u32 $0x1, s19;
	v16 =	vld [tilespmem:s8+$0x8730];
	s7 =	sadd.s32 s2, s9  }
0x8a: {  	v21 =	vmul.f32 v37, v21;
	v37 =	vadd.f32 v62, v61;
	v61 =	vmul.f32 v18, v2;
	s29 =	sand.u32 $0xFFFFFE00, s29;
	s19 =	sshll.u32 s19, $0x8;
	v14 =	vld [tilespmem:s7+$0x780]  }
0x8b: {  	v23 =	vmul.f32 v32, v23;
	v62 =	vmul.f32 v26, v19;
	s17 =	sor.u32 s19, s29;
	v15 =	vld [tilespmem:s7+$0x790]  }
0x8c: {  	v32 =	vmul.f32 v21, v3;
	v63 =	vmul.f32 v38, v20;
	s19 =	sshra.s32 s17, $0x2;
	v19 =	vld [tilespmem:s7+$0x7A0];
	s9 =	spop (v2sf)  }
0x8d: {  	v26 =	vmul.f32 v23, v0;
	v62 =	vmul.f32 v62, v1;
	(v2sf) =	vpush v6, $0xA;
	s8 =	sadd.s32 s2, s19;
	v21 =	vld [tilespmem:s7+$0x7B0];
	s29 =	sshll.u32 s9, $0x8;
	s9 =	sand.u32 $0x1, s9  }
0x8e: {  	v25 =	vmul.f32 v39, v25;
	v37 =	vadd.f32 v61, v37;
	v17 =	vld [tilespmem:s8+$0x8780];
	s17 =	sand.u32 $0xFFFFFE00, s29;
	s9 =	sshll.u32 s9, $0x8  }
0x8f: {  	v39 =	vmul.f32 v63, v2;
	v63 =	vadd.f32 v62, v26;
	v27 =	vmul.f32 v40, v27;
	v18 =	vld [tilespmem:s8+$0x8790];
	s9 =	sor.u32 s9, s17  }
0x90: {  	v40 =	vadd.f32 v32, v37;
	v24 =	vmul.f32 v35, v24;
	v61 =	vmul.f32 v44, v29;
	v20 =	vld [tilespmem:s8+$0x87A0];
	s19 =	spop (v2sf);
	s9 =	sshra.s32 s9, $0x2  }
0x91: {  	v32 =	vmul.f32 v25, v3;
	v37 =	vmul.f32 v27, v0;
	v23 =	vld [tilespmem:s8+$0x87B0];
	(v2sf) =	vpush v5, $0xA;
	s29 =	sshll.u32 s19, $0x8;
	s19 =	sand.u32 $0x1, s19;
	s7 =	sadd.s32 s2, s9  }
0x92: {  	v35 =	vadd.f32 v39, v63;
	v29 =	vmul.f32 v24, v1;
	v39 =	vmul.f32 v61, v2;
	s29 =	sand.u32 $0xFFFFFE00, s29;
	s19 =	sshll.u32 s19, $0x8;
	v25 =	vld [tilespmem:s7+$0x800]  }
0x93: {  	v62 =	vmul.f32 v56, v52;
	v63 =	vmul.f32 v54, v48;
	s17 =	sor.u32 s19, s29;
	v24 =	vld [tilespmem:s7+$0x810]  }
0x94: {  	v37 =	vadd.f32 v29, v37;
	v56 =	vmul.f32 v28, v22;
	v31 =	vmul.f32 v31, v30;
	s19 =	sshra.s32 s17, $0x2;
	s9 =	spop (v2sf);
	v22 =	vld [tilespmem:s7+$0x820]  }
0x95: {  	v38 =	vmul.f32 v62, v0;
	v62 =	vmul.f32 v46, v41;
	(v2sf) =	vpush v6, $0xB;
	s8 =	sadd.s32 s2, s19;
	s29 =	sshll.u32 s9, $0x8;
	s9 =	sand.u32 $0x1, s9;
	v29 =	vld [tilespmem:s7+$0x830]  }
0x96: {  	v52 =	vadd.f32 v32, v35;
	v61 =	vmul.f32 v63, v1;
	v63 =	vmul.f32 v56, v3;
	v26 =	vld [tilespmem:s8+$0x8800];
	s17 =	sand.u32 $0xFFFFFE00, s29;
	s9 =	sshll.u32 s9, $0x8  }
0x97: {  	v39 =	vadd.f32 v39, v37;
	v56 =	vmul.f32 v31, v3;
	v35 =	vmul.f32 v62, v2;
	v27 =	vld [tilespmem:s8+$0x8810];
	s9 =	sor.u32 s9, s17  }
0x98: {  	v38 =	vadd.f32 v61, v38;
	v50 =	vmul.f32 v55, v50;
	v53 =	vmul.f32 v53, v47;
	s19 =	spop (v2sf);
	v28 =	vld [tilespmem:s8+$0x8820];
	s9 =	sshra.s32 s9, $0x2  }
0x99: {  	v43 =	vmul.f32 v49, v43;
	v62 =	vmul.f32 v36, v33;
	(v2sf) =	vpush v5, $0xB;
	s29 =	sshll.u32 s19, $0x8;
	s19 =	sand.u32 $0x1, s19;
	v32 =	vld [tilespmem:s8+$0x8830];
	s7 =	sadd.s32 s2, s9  }
0x9a: {  	v38 =	vadd.f32 v35, v38;
	v54 =	vmul.f32 v50, v0;
	v55 =	vmul.f32 v53, v1;
	s29 =	sand.u32 $0xFFFFFE00, s29;
	s19 =	sshll.u32 s19, $0x8;
	v30 =	vld [tilespmem:s7+$0x880]  }
0x9b: {  	v63 =	vadd.f32 v63, v39;
	v60 =	vmul.f32 v60, v58;
	v61 =	vmul.f32 v59, v57;
	s17 =	sor.u32 s19, s29;
	v31 =	vld [tilespmem:s7+$0x890]  }
0x9c: {  	(xrf2) =	vadd.scan.msk.f32 $0xffff, v40;
	v44 =	vadd.f32 v55, v54;
	v54 =	vadd.f32 v56, v38;
	v53 =	vmul.f32 v51, v45;
	s19 =	sshra.s32 s17, $0x2;
	s9 =	spop (v2sf);
	v33 =	vld [tilespmem:s7+$0x8A0]  }
0x9d: {  	v47 =	vmul.f32 v60, v0;
	v50 =	vmul.f32 v61, v1;
	(v2sf) =	vpush v6, $0xC;
	s8 =	sadd.s32 s2, s19;
	s29 =	sshll.u32 s9, $0x8;
	s9 =	sand.u32 $0x1, s9;
	v38 =	vld [tilespmem:s7+$0x8B0]  }
0x9e: {  	(xrf2) =	vadd.scan.msk.f32 $0xffff, v52;
	v43 =	vmul.f32 v43, v2;
	v35 =	vld [tilespmem:s8+$0x8880];
	s17 =	sand.u32 $0xFFFFFE00, s29;
	s9 =	sshll.u32 s9, $0x8  }
0x9f: {  	(xrf2) =	vadd.scan.msk.f32 $0xffff, v63;
	v42 =	vmul.f32 v42, v34;
	v41 =	vmul.f32 v53, v2;
	v56 =	vadd.f32 v50, v47;
	v37 =	vld [tilespmem:s8+$0x8890];
	s9 =	sor.u32 s9, s17  }
0xa0: {  	v55 =	vmul.f32 v62, v3;
	v43 =	vadd.f32 v43, v44;
	v36 =	vld [tilespmem:s8+$0x88A0];
	s9 =	sshra.s32 s9, $0x2;
	s19 =	spop (v2sf)  }
0xa1: {  	v57 =	vmul.f32 v42, v3;
	v41 =	vadd.f32 v41, v56;
	(v2sf) =	vpush v5, $0xC;
	v39 =	vld [tilespmem:s8+$0x88B0];
	s7 =	sadd.s32 s2, s9;
	s29 =	sshll.u32 s19, $0x8;
	s19 =	sand.u32 $0x1, s19  }
0xa2: {  	(xrf2) =	vadd.scan.msk.f32 $0xffff, v54;
	v43 =	vadd.f32 v55, v43;
	v34 =	vld [tilespmem:s7+$0x900];
	s29 =	sand.u32 $0xFFFFFE00, s29;
	s19 =	sshll.u32 s19, $0x8  }
0xa3: {  	v44 =	vadd.f32 v57, v41;
	v40 =	vld [tilespmem:s7+$0x910];
	s17 =	sor.u32 s19, s29  }
0xa4: {  	(xrf2) =	vadd.scan.msk.f32 $0xffff, v43;
	s9 =	spop (v2sf);
	v41 =	vld [tilespmem:s7+$0x920];
	s19 =	sshra.s32 s17, $0x2  }
0xa5: {  	(xrf2) =	vadd.scan.msk.f32 $0xffff, v44;
	(v2sf) =	vpush v6, $0xD;
	v44 =	vld [tilespmem:s7+$0x930];
	s29 =	sshll.u32 s9, $0x8;
	s9 =	sand.u32 $0x1, s9;
	s8 =	sadd.s32 s2, s19  }
0xa6: {  	v58, _, _ =	vpop (xrf2);
	s17 =	sand.u32 $0xFFFFFE00, s29;
	s9 =	sshll.u32 s9, $0x8;
	v42 =	vld [tilespmem:s8+$0x8900]  }
0xa7: {  	v59 =	vbroadcast v58, $0xF;
	s9 =	sor.u32 s9, s17;
	v43 =	vld [tilespmem:s8+$0x8910]  }
0xa8: {  	v60, _, _ =	vpop (xrf2);
	s19 =	spop (v2sf);
	v45 =	vld [tilespmem:s8+$0x8920];
	s9 =	sshra.s32 s9, $0x2  }
0xa9: {  	v61 =	vnsel vm0, $0x0, v59;
	v50 =	vbroadcast v60, $0xF;
	v62, _, _ =	vpop (xrf2);
	(v2sf) =	vpush v5, $0xD;
	s29 =	sshll.u32 s19, $0x8;
	s19 =	sand.u32 $0x1, s19;
	v47 =	vld [tilespmem:s8+$0x8930];
	s7 =	sadd.s32 s2, s9  }
0xaa: {  	v51 =	vadd.f32 v61, v4;
	v52 =	vbroadcast v62, $0xF;
	s29 =	sand.u32 $0xFFFFFE00, s29;
	s19 =	sshll.u32 s19, $0x8;
	v46 =	vld [tilespmem:s7+$0x980]  }
0xab: {  	v50 =	vnsel vm1, $0x0, v50;
	v11 =	vmul.f32 v11, v9;
	v10 =	vmul.f32 v10, v7;
	s17 =	sor.u32 s19, s29;
	v48 =	vld [tilespmem:s7+$0x990]  }
0xac: {  	v50 =	vadd.f32 v50, v51;
	v8 =	vmul.f32 v12, v8;
	v13 =	vmul.f32 v16, v13;
	v63, _, _ =	vpop (xrf2);
	s9 =	spop (v2sf);
	v7 =	vld [tilespmem:s7+$0x9A0];
	s19 =	sshra.s32 s17, $0x2  }
0xad: {  	v53 =	vbroadcast v63, $0xF;
	v14 =	vmul.f32 v17, v14;
	(v2sf) =	vpush v6, $0xE;
	s29 =	sshll.u32 s9, $0x8;
	s9 =	sand.u32 $0x1, s9;
	v17 =	vld [tilespmem:s7+$0x9B0];
	s8 =	sadd.s32 s2, s19  }
0xae: {  	v55 =	vnsel vm2, $0x0, v52;
	v11 =	vmul.f32 v11, v0;
	v10 =	vmul.f32 v10, v1;
	s17 =	sand.u32 $0xFFFFFE00, s29;
	s9 =	sshll.u32 s9, $0x8;
	v49 =	vld [tilespmem:s8+$0x8980]  }
0xaf: {  	v50 =	vadd.f32 v55, v50;
	v8 =	vmul.f32 v8, v2;
	v13 =	vmul.f32 v13, v3;
	s9 =	sor.u32 s9, s17;
	v9 =	vld [tilespmem:s8+$0x8990]  }
0xb0: {  	v57 =	vnsel vm3, $0x0, v53;
	v54, _, _ =	vpop (xrf2);
	v15 =	vmul.f32 v18, v15;
	v19 =	vmul.f32 v20, v19;
	s19 =	spop (v2sf);
	v16 =	vld [tilespmem:s8+$0x89A0];
	s9 =	sshra.s32 s9, $0x2  }
0xb1: {  	v21 =	vmul.f32 v23, v21;
	v12 =	vbroadcast v54, $0xF;
	(v2sf) =	vpush v5, $0xE;
	s29 =	sshll.u32 s19, $0x8;
	s19 =	sand.u32 $0x1, s19;
	v20 =	vld [tilespmem:s8+$0x89B0];
	s7 =	sadd.s32 s2, s9  }
0xb2: {  	v10 =	vadd.f32 v10, v11;
	v14 =	vmul.f32 v14, v0;
	v15 =	vmul.f32 v15, v1;
	s29 =	sand.u32 $0xFFFFFE00, s29;
	s19 =	sshll.u32 s19, $0x8;
	v23 =	vld [tilespmem:s7+$0xA00]  }
0xb3: {  	v58 =	vmul.f32 v19, v2;
	v21 =	vmul.f32 v21, v3;
	v56, _, _ =	vpop (xrf2);
	(v2sf) =	vpush v6, $0xF;
	s17 =	sor.u32 s19, s29;
	v6 =	vld [tilespmem:s7+$0xA10]  }
0xb4: {  	v8 =	vadd.f32 v8, v10;
	v18 =	vbroadcast v56, $0xF;
	v25 =	vmul.f32 v26, v25;
	v51 =	vld [tilespmem:s7+$0xA20];
	s19 =	sshra.s32 s17, $0x2;
	s9 =	spop (v2sf)  }
0xb5: {  	v50 =	vadd.f32 v57, v50;
	v24 =	vmul.f32 v27, v24;
	v60 =	vmul.f32 v32, v29;
	v29 =	vld [tilespmem:s7+$0xA30];
	s8 =	sadd.s32 s2, s19;
	s29 =	sshll.u32 s9, $0x8;
	s9 =	sand.u32 $0x1, s9  }
0xb6: {  	v8 =	vadd.f32 v13, v8;
	v59 =	vmul.f32 v28, v22;
	v61 =	vmul.f32 v25, v0;
	v26 =	vld [tilespmem:s8+$0x8A00];
	s17 =	sand.u32 $0xFFFFFE00, s29;
	s9 =	sshll.u32 s9, $0x8  }
0xb7: {  	v14 =	vadd.f32 v15, v14;
	v24 =	vmul.f32 v24, v1;
	v62 =	vmul.f32 v35, v30;
	v27 =	vld [tilespmem:s8+$0x8A10];
	s9 =	sor.u32 s9, s17  }
0xb8: {  	v31 =	vmul.f32 v37, v31;
	v63 =	vmul.f32 v36, v33;
	(v2sf) =	vpush v5, $0xF;
	v22 =	vld [tilespmem:s8+$0x8A20];
	s19 =	spop (v2sf);
	s9 =	sshra.s32 s9, $0x2  }
0xb9: {  	v18 =	vnsel vm5, $0x0, v18;
	v52 =	vmul.f32 v39, v38;
	v53 =	vmul.f32 v62, v0;
	v30 =	vld [tilespmem:s8+$0x8A30];
	s29 =	sshll.u32 s19, $0x8;
	s19 =	sand.u32 $0x1, s19;
	s7 =	sadd.s32 s2, s9  }
0xba: {  	v55 =	vmul.f32 v31, v1;
	v57 =	vmul.f32 v63, v2;
	v5 =	vnsel vm4, $0x0, v12;
	s29 =	sand.u32 $0xFFFFFE00, s29;
	s19 =	sshll.u32 s19, $0x8;
	v32 =	vld [tilespmem:s7+$0xA80]  }
0xbb: {  	v54 =	vmul.f32 v42, v34;
	v56 =	vmul.f32 v43, v40;
	v12 =	vadd.f32 v58, v14;
	v35 =	vld [tilespmem:s7+$0xA90];
	s17 =	sor.u32 s19, s29  }
0xbc: {  	v58 =	vmul.f32 v45, v41;
	v5 =	vadd.f32 v5, v50;
	v50 =	vmul.f32 v60, v3;
	s9 =	spop (v2sf);
	v36 =	vld [tilespmem:s7+$0xAA0];
	s19 =	sshra.s32 s17, $0x2  }
0xbd: {  	(xrf2) =	vadd.scan.msk.f32 $0xffff, v8;
	v11 =	vadd.f32 v24, v61;
	v60 =	vmul.f32 v47, v44;
	v61 =	vmul.f32 v54, v0;
	v38 =	vld [tilespmem:s7+$0xAB0];
	s29 =	sshll.u32 s9, $0x8;
	s9 =	sand.u32 $0x1, s9;
	s8 =	sadd.s32 s2, s19  }
0xbe: {  	v13 =	vadd.f32 v55, v53;
	v63 =	vmul.f32 v56, v1;
	v41 =	vmul.f32 v58, v2;
	s17 =	sand.u32 $0xFFFFFE00, s29;
	s9 =	sshll.u32 s9, $0x8;
	v33 =	vld [tilespmem:s8+$0x8A80]  }
0xbf: {  	v5 =	vadd.f32 v18, v5;
	v18 =	vmul.f32 v59, v2;
	v59 =	vmul.f32 v52, v3;
	s9 =	sor.u32 s9, s17;
	v34 =	vld [tilespmem:s8+$0x8A90]  }
0xc0: {  	v13 =	vadd.f32 v57, v13;
	v43 =	vmul.f32 v60, v3;
	v62 =	vmul.f32 v49, v46;
	s19 =	spop (v2sf);
	v37 =	vld [tilespmem:s8+$0x8AA0];
	s9 =	sshra.s32 s9, $0x2  }
0xc1: {  	v12 =	vadd.f32 v21, v12;
	v9 =	vmul.f32 v9, v48;
	v7 =	vmul.f32 v16, v7;
	s29 =	sshll.u32 s19, $0x8;
	s19 =	sand.u32 $0x1, s19;
	v39 =	vld [tilespmem:s8+$0x8AB0];
	s7 =	sadd.s32 s2, s9  }
0xc2: {  	v11 =	vadd.f32 v18, v11;
	v17 =	vmul.f32 v20, v17;
	v45 =	vmul.f32 v62, v0;
	s29 =	sand.u32 $0xFFFFFE00, s29;
	s19 =	sshll.u32 s19, $0x8;
	v40 =	vld [tilespmem:s7+$0xB00]  }
0xc3: {  	v18 =	vadd.f32 v63, v61;
	v9 =	vmul.f32 v9, v1;
	v46 =	vmul.f32 v26, v23;
	s17 =	sor.u32 s19, s29;
	v44 =	vld [tilespmem:s7+$0xB10]  }
0xc4: {  	v13 =	vadd.f32 v59, v13;
	v7 =	vmul.f32 v7, v2;
	v6 =	vmul.f32 v27, v6;
	s9 =	spop (v2sf);
	v47 =	vld [tilespmem:s7+$0xB20];
	s19 =	sshra.s32 s17, $0x2  }
0xc5: {  	(xrf2) =	vadd.scan.msk.f32 $0xffff, v12;
	v10 =	vadd.f32 v50, v11;
	v22 =	vmul.f32 v22, v51;
	v51 =	vmul.f32 v17, v3;
	s29 =	sshll.u32 s9, $0x8;
	s9 =	sand.u32 $0x1, s9;
	v48 =	vld [tilespmem:s7+$0xB30];
	s8 =	sadd.s32 s2, s19  }
0xc6: {  	v50 =	vadd.f32 v41, v18;
	v52 =	vmul.f32 v30, v29;
	v54 =	vmul.f32 v46, v0;
	s17 =	sand.u32 $0xFFFFFE00, s29;
	s9 =	sshll.u32 s9, $0x8;
	v42 =	vld [tilespmem:s8+$0x8B00]  }
0xc7: {  	v9 =	vadd.f32 v9, v45;
	v6 =	vmul.f32 v6, v1;
	v59 =	vmul.f32 v22, v2;
	v46, _, _ =	vpop (xrf2);
	s19 =	spop (v2sf);
	s7 =	sor.u32 s9, s17;
	v49 =	vld [tilespmem:s8+$0x8B10]  }
0xc8: {  	v8 =	vadd.f32 v43, v50;
	v50 =	vbroadcast v46, $0xF;
	s29 =	sshll.u32 s19, $0x8;
	s19 =	sand.u32 $0x1, s19;
	v53 =	vld [tilespmem:s8+$0x8B20];
	s7 =	sshra.s32 s7, $0x2;
	v55 =	vmul.f32 v33, v32  }
0xc9: {  	v6 =	vadd.f32 v6, v54;
	v56 =	vld [tilespmem:s8+$0x8B30];
	v57 =	vmul.f32 v34, v35;
	v60 =	vmul.f32 v37, v36;
	s9 =	sand.u32 $0xFFFFFE00, s29;
	s19 =	sshll.u32 s19, $0x8;
	s7 =	sadd.s32 s2, s7  }
0xca: {  	v7 =	vadd.f32 v7, v9;
	v63 =	vmul.f32 v39, v38;
	v35 =	vmul.f32 v52, v3;
	s9 =	sor.u32 s19, s9;
	v58 =	vld [tilespmem:s7+$0xB80]  }
0xcb: {  	(xrf2) =	vadd.scan.msk.f32 $0xffff, v10;
	v6 =	vadd.f32 v59, v6;
	v62 =	vmul.f32 v55, v0;
	v30 =	vld [tilespmem:s7+$0xB90];
	v32 =	vmul.f32 v57, v1;
	s29 =	sshra.s32 s9, $0x2  }
0xcc: {  	(xrf2) =	vadd.scan.msk.f32 $0xffff, v13;
	v7 =	vadd.f32 v51, v7;
	v37 =	vld [tilespmem:s7+$0xBA0];
	v12 =	vmul.f32 v60, v2;
	v43 =	vmul.f32 v63, v3;
	s2 =	sadd.s32 s2, s29  }
0xcd: {  	(xrf2) =	vadd.scan.msk.f32 $0xffff, v8;
	v6 =	vadd.f32 v35, v6;
	v61 =	vld [tilespmem:s2+$0x8B80];
	v33 =	vmul.f32 v42, v40;
	v36 =	vmul.f32 v49, v44  }
0xce: {  	(xrf2) =	vadd.scan.msk.f32 $0xffff, v7;
	v10 =	vadd.f32 v32, v62;
	v34 =	vld [tilespmem:s2+$0x8B90];
	v38 =	vmul.f32 v53, v47;
	v44 =	vmul.f32 v56, v48  }
0xcf: {  	v39 =	vld [tilespmem:s2+$0x8BA0];
	v53, _, _ =	vpop (xrf2);
	(xrf2) =	vadd.scan.msk.f32 $0xffff, v6;
	v6 =	vnsel vm6, $0x0, v50;
	v40 =	vmul.f32 v33, v0;
	v41 =	vmul.f32 v36, v1  }
0xd0: {  	v45 =	vld [tilespmem:s7+$0xBB0];
	v42 =	vadd.f32 v12, v10;
	v5 =	vadd.f32 v6, v5;
	v6 =	vbroadcast v53, $0xF  }
0xd1: {  	v48 =	vld [tilespmem:s2+$0x8BB0];
	v13 =	vmul.f32 v38, v2;
	v9 =	vadd.f32 v41, v40  }
0xd2: {  	v51 =	vmul.f32 v44, v3;
	v7 =	vadd.f32 v43, v42;
	v6 =	vnsel vm7, $0x0, v6  }
0xd3: {  	v47 =	vmul.f32 v61, v58;
	v49 =	vmul.f32 v34, v30;
	v9 =	vadd.f32 v13, v9  }
0xd4: {  	v52 =	vmul.f32 v39, v37  }
0xd5: {  	v55, _, _ =	vpop (xrf2);
	(xrf2) =	vadd.scan.msk.f32 $0xffff, v7;
	v54 =	vmul.f32 v47, v0;
	v8 =	vmul.f32 v49, v1;
	v9 =	vadd.f32 v51, v9  }
0xd6: {  	v11 =	vbroadcast v55, $0xF;
	v5 =	vadd.f32 v6, v5;
	v56 =	vmul.f32 v48, v45;
	v6, _, _ =	vpop (xrf2)  }
0xd7: {  	v57 =	vmul.f32 v52, v2;
	v6 =	vbroadcast v6, $0xF;
	v7 =	vadd.f32 v8, v54;
	(xrf2) =	vadd.scan.msk.f32 $0xffff, v9  }
0xd8: {  	v58 =	vnsel vm8, $0x0, v11  }
0xd9: {  	v8 =	vmul.f32 v56, v3;
	v6 =	vnsel vm9, $0x0, v6;
	v7 =	vadd.f32 v57, v7  }
0xda: {  	v5 =	vadd.f32 v58, v5;
	v59, _, _ =	vpop (xrf2)  }
0xdb: {  	v60 =	vbroadcast v59, $0xF;
	v7 =	vadd.f32 v8, v7  }
0xdc: {  	v5 =	vadd.f32 v6, v5;
	v6, _, _ =	vpop (xrf2)  }
0xdd: {  	v6 =	vbroadcast v6, $0xF;
	v61, _, _ =	vpop (xrf2);
	(xrf2) =	vadd.scan.msk.f32 $0xffff, v7;
	v7 =	vnsel vm10, $0x0, v60  }
0xde: {  	v5 =	vadd.f32 v7, v5;
	v7 =	vbroadcast v61, $0xF  }
0xdf: {  	v6 =	vnsel vm11, $0x0, v6;
	v62, _, _ =	vpop (xrf2)  }
0xe0: {  	v5 =	vadd.f32 v6, v5;
	v6 =	vnsel vm12, $0x0, v7;
	v7 =	vbroadcast v62, $0xF  }
0xe1: {  	v63, _, _ =	vpop (xrf2)  }
0xe2: {  	v5 =	vadd.f32 v6, v5;
	v6 =	vnsel vm13, $0x0, v7;
	v7 =	vbroadcast v63, $0xF;
	_ =	sdelay $0x1  }
0xe3: {  	v5 =	vadd.f32 v6, v5;
	v6 =	vnsel vm14, $0x0, v7;
	_ =	sdelay $0x2  }
0xe4: {  	v5 =	vadd.f32 v6, v5;
	v6, _, _ =	vpop (xrf2)  }
0xe5: {  	v6 =	vsel vm15, $0x0, v6  }
0xe6: {  	v5 =	vadd.f32 v6, v5;
	_ =	sdelay $0x1  }
0xe7: {  	v5 =	vsub.f32 $0.0e+00, v5;
	_ =	sdelay $0x1  }
0xe8: {  	v5 =	vmul.f32 $1.442695020e+00, v5;
	_ =	sdelay $0x1  }
0xe9: {  	(erf) = vpow2.f32 v5;
	_ =	sdelay $0x8  }
0xea: {  	v5 =	vpop (erf)  }
0xeb: {  	v5 =	vadd.f32 $1.000000000e+00, v5;
	_ =	sdelay $0x1  }
0xec: {  	(erf) = vrcp.f32 v5;
	_ =	sdelay $0x4  }
0xed: {  	p0 =	sne.s32 s1, $0x1E000  }
.Ltmp0:
0xee: {  	_ = 	snop;
	(pc) =	sbr.rel @p0 .LBB2_2-.Ltmp0, $3  }
0xef: {  	_ =	sdelay $0x1  }
0xf0: {  	s31 =	sadd.s32 $0x10, s31;
	v5 =	vpop (erf)  }
0xf1: {  	s0 =	sadd.s32 $0x10, s0;
	s1 =	sadd.s32 $0x2000, s1;
	[tilespmem:s3+$0x0] =	vst v5;
	s3 =	sadd.s32 $0x10, s3  }
0xf2: {  	s31 =	simm.s32 $0x0  }
0xf3: {  	[tilespmem:s31], [sflag:$0x2] =	stream.linear.gather [hbm4b:s11+s31], $0x100, $0x38;
	[tilespmem:$0x10880] =	vst v63  }
0xf4: {  	_ =	swait.ge [sflag:s18], $0x100  }
0xf5: {  	[sflag:s18] =	ssyncset.done $0x0  }
0xf6: {  	[sflag:s18] =	ssyncadd.s32 $0xFFFFFF00  }
0xf7: {  	[tilespmem:s20], [sflag:$0x2] =	stream.linear.gather [hbm4b:s12+s31], $0x100, $0x38;
	[tilespmem:$0x10880] =	vst v63  }
0xf8: {  	_ =	swait.ge [sflag:s18], $0x100  }
0xf9: {  	[sflag:s18] =	ssyncset.done $0x0  }
0xfa: {  	s0 =	simm.s32 $0x200;
	[sflag:s18] =	ssyncadd.s32 $0xFFFFFF00  }
0xfb: {  	[tilespmem:s0], [sflag:$0x2] =	stream.linear.gather [hbm4b:s13+s31], $0x100, $0x38;
	[tilespmem:$0x10880] =	vst v63  }
0xfc: {  	_ =	swait.ge [sflag:s18], $0x100  }
0xfd: {  	[sflag:s18] =	ssyncset.done $0x0  }
0xfe: {  	s3 =	simm.s32 $0x300;
	[sflag:s18] =	ssyncadd.s32 $0xFFFFFF00  }
0xff: {  	[tilespmem:s3], [sflag:$0x2] =	stream.linear.gather [hbm4b:s14+s31], $0x100, $0x38;
	[tilespmem:$0x10880] =	vst v63  }
0x100: {  	_ =	swait.ge [sflag:s18], $0x100  }
0x101: {  	[sflag:s18] =	ssyncset.done $0x0  }
0x102: {  	[sflag:s18] =	ssyncadd.s32 $0xFFFFFF00  }
0x103: {  	[tilespmem:s22], [sflag:$0x1] =	stream.indirect.gather [hbm4b:s5+s21], $0x80, s31, s21, $0xb8;
	[tilespmem:$0x10880] =	vst v63  }
0x104: {  	_ = 	snop  }
0x105: {  	[tilespmem:s23], [sflag:$0x1] =	stream.indirect.gather [hbm4b:s6+s21], $0x80, s20, s21, $0xb8;
	[tilespmem:$0x10880] =	vst v63  }
0x106: {  	_ = 	snop  }
0x107: {  	[tilespmem:s24], [sflag:$0x1] =	stream.indirect.gather [hbm4b:s5+s21], $0x80, s21, s21, $0xb8;
	[tilespmem:$0x10880] =	vst v63  }
0x108: {  	_ = 	snop  }
0x109: {  	[tilespmem:s26], [sflag:$0x1] =	stream.indirect.gather [hbm4b:s6+s21], $0x80, s25, s21, $0xb8;
	[tilespmem:$0x10880] =	vst v63  }
0x10a: {  	_ =	swait.ge [sflag:s28], $0x4000  }
0x10b: {  	[sflag:s28] =	ssyncset.done $0x0  }
0x10c: {  	[sflag:s28] =	ssyncadd.s32 $0xFFFFC000  }
0x10d: {  	_ =	swait.ge [sflag:s28], $0x4000  }
0x10e: {  	[sflag:s28] =	ssyncset.done $0x0  }
0x10f: {  	[sflag:s28] =	ssyncadd.s32 $0xFFFFC000  }
0x110: {  	_ =	swait.ge [sflag:s28], $0x4000  }
0x111: {  	[sflag:s28] =	ssyncset.done $0x0  }
0x112: {  	[sflag:s28] =	ssyncadd.s32 $0xFFFFC000  }
0x113: {  	_ =	swait.ge [sflag:s28], $0x4000  }
0x114: {  	[sflag:s28] =	ssyncset.done $0x0  }
0x115: {  	s1 =	simm.s32 $0x0;
	[sflag:s28] =	ssyncadd.s32 $0xFFFFC000  }
.LBB2_4:
0x116: {  	v6 =	vld [tilespmem:s0+$0x0]  }
0x117: {  	v5 =	vld [tilespmem:s3+$0x0];
	_ =	sdelay $0x3  }
0x118: {  	(v2sf) =	vpush v6, $0x0  }
0x119: {  	(v2sf) =	vpush v5, $0x0;
	_ =	sdelay $0x6  }
0x11a: {  	(v2sf) =	vpush v6, $0x1;
	_ =	sdelay $0x3  }
0x11b: {  	(v2sf) =	vpush v5, $0x1;
	_ =	sdelay $0x2  }
0x11c: {  	s2 =	spop (v2sf)  }
0x11d: {  	(v2sf) =	vpush v6, $0x2;
	s7 =	sshll.u32 s2, $0x8;
	s8 =	spop (v2sf);
	s2 =	sand.u32 $0x1, s2  }
0x11e: {  	s7 =	sand.u32 $0xFFFFFE00, s7;
	s2 =	sshll.u32 s2, $0x8;
	s9 =	sshll.u32 s8, $0x8  }
0x11f: {  	s8 =	sand.u32 $0x1, s8;
	s2 =	sor.u32 s2, s7;
	s17 =	sand.u32 $0xFFFFFE00, s9  }
0x120: {  	s8 =	sshll.u32 s8, $0x8;
	s19 =	sshra.s32 s2, $0x2;
	s2 =	sshra.s32 s1, $0x2  }
0x121: {  	(v2sf) =	vpush v5, $0x2;
	s7 =	sor.u32 s8, s17;
	s8 =	sadd.s32 s2, s19  }
0x122: {  	v13 =	vld [tilespmem:s8+$0x400]  }
0x123: {  	v14 =	vld [tilespmem:s8+$0x410]  }
0x124: {  	s29 =	spop (v2sf);
	s7 =	sshra.s32 s7, $0x2;
	v15 =	vld [tilespmem:s8+$0x420]  }
0x125: {  	(v2sf) =	vpush v6, $0x3;
	s9 =	sand.u32 $0x1, s29;
	s17 =	sshll.u32 s29, $0x8;
	s7 =	sadd.s32 s2, s7;
	v21 =	vld [tilespmem:s8+$0x430]  }
0x126: {  	s9 =	sshll.u32 s9, $0x8;
	s17 =	sand.u32 $0xFFFFFE00, s17;
	v16 =	vld [tilespmem:s7+$0x8400]  }
0x127: {  	s9 =	sor.u32 s9, s17;
	v17 =	vld [tilespmem:s7+$0x8410]  }
0x128: {  	s19 =	spop (v2sf);
	v18 =	vld [tilespmem:s7+$0x8420];
	s9 =	sshra.s32 s9, $0x2  }
0x129: {  	(v2sf) =	vpush v5, $0x3;
	s29 =	sshll.u32 s19, $0x8;
	s19 =	sand.u32 $0x1, s19;
	v37 =	vld [tilespmem:s7+$0x8430];
	s7 =	sadd.s32 s2, s9  }
0x12a: {  	s29 =	sand.u32 $0xFFFFFE00, s29;
	s19 =	sshll.u32 s19, $0x8;
	v23 =	vld [tilespmem:s7+$0x480]  }
0x12b: {  	s17 =	sor.u32 s19, s29;
	v19 =	vld [tilespmem:s7+$0x490]  }
0x12c: {  	s19 =	sshra.s32 s17, $0x2;
	v20 =	vld [tilespmem:s7+$0x4A0];
	s9 =	spop (v2sf)  }
0x12d: {  	v25 =	vld [tilespmem:s7+$0x4B0];
	s8 =	sadd.s32 s2, s19;
	(v2sf) =	vpush v6, $0x4;
	s29 =	sshll.u32 s9, $0x8;
	s9 =	sand.u32 $0x1, s9  }
0x12e: {  	v32 =	vld [tilespmem:s8+$0x8480];
	s17 =	sand.u32 $0xFFFFFE00, s29;
	s9 =	sshll.u32 s9, $0x8  }
0x12f: {  	v26 =	vld [tilespmem:s8+$0x8490];
	s9 =	sor.u32 s9, s17  }
0x130: {  	v38 =	vld [tilespmem:s8+$0x84A0];
	s19 =	spop (v2sf);
	s9 =	sshra.s32 s9, $0x2  }
0x131: {  	v39 =	vld [tilespmem:s8+$0x84B0];
	(v2sf) =	vpush v5, $0x4;
	s29 =	sshll.u32 s19, $0x8;
	s19 =	sand.u32 $0x1, s19;
	s7 =	sadd.s32 s2, s9  }
0x132: {  	s29 =	sand.u32 $0xFFFFFE00, s29;
	s19 =	sshll.u32 s19, $0x8;
	v27 =	vld [tilespmem:s7+$0x500]  }
0x133: {  	s17 =	sor.u32 s19, s29;
	v24 =	vld [tilespmem:s7+$0x510]  }
0x134: {  	s19 =	sshra.s32 s17, $0x2;
	s9 =	spop (v2sf);
	v29 =	vld [tilespmem:s7+$0x520]  }
0x135: {  	(v2sf) =	vpush v6, $0x5;
	s8 =	sadd.s32 s2, s19;
	s29 =	sshll.u32 s9, $0x8;
	s9 =	sand.u32 $0x1, s9;
	v22 =	vld [tilespmem:s7+$0x530]  }
0x136: {  	v40 =	vld [tilespmem:s8+$0x8500];
	s17 =	sand.u32 $0xFFFFFE00, s29;
	s9 =	sshll.u32 s9, $0x8  }
0x137: {  	v35 =	vld [tilespmem:s8+$0x8510];
	s9 =	sor.u32 s9, s17  }
0x138: {  	s19 =	spop (v2sf);
	v44 =	vld [tilespmem:s8+$0x8520];
	s9 =	sshra.s32 s9, $0x2  }
0x139: {  	(v2sf) =	vpush v5, $0x5;
	s29 =	sshll.u32 s19, $0x8;
	s19 =	sand.u32 $0x1, s19;
	v28 =	vld [tilespmem:s8+$0x8530];
	s7 =	sadd.s32 s2, s9  }
0x13a: {  	s29 =	sand.u32 $0xFFFFFE00, s29;
	s19 =	sshll.u32 s19, $0x8;
	v52 =	vld [tilespmem:s7+$0x580]  }
0x13b: {  	s17 =	sor.u32 s19, s29;
	v48 =	vld [tilespmem:s7+$0x590]  }
0x13c: {  	s19 =	sshra.s32 s17, $0x2;
	v41 =	vld [tilespmem:s7+$0x5A0];
	s9 =	spop (v2sf)  }
0x13d: {  	s8 =	sadd.s32 s2, s19;
	v30 =	vld [tilespmem:s7+$0x5B0];
	(v2sf) =	vpush v6, $0x6;
	s29 =	sshll.u32 s9, $0x8;
	s9 =	sand.u32 $0x1, s9  }
0x13e: {  	v56 =	vld [tilespmem:s8+$0x8580];
	s17 =	sand.u32 $0xFFFFFE00, s29;
	s9 =	sshll.u32 s9, $0x8  }
0x13f: {  	v54 =	vld [tilespmem:s8+$0x8590];
	s9 =	sor.u32 s9, s17  }
0x140: {  	v46 =	vld [tilespmem:s8+$0x85A0];
	s19 =	spop (v2sf);
	s9 =	sshra.s32 s9, $0x2  }
0x141: {  	v31 =	vld [tilespmem:s8+$0x85B0];
	(v2sf) =	vpush v5, $0x6;
	s29 =	sshll.u32 s19, $0x8;
	s19 =	sand.u32 $0x1, s19;
	s7 =	sadd.s32 s2, s9  }
0x142: {  	s29 =	sand.u32 $0xFFFFFE00, s29;
	s19 =	sshll.u32 s19, $0x8;
	v50 =	vld [tilespmem:s7+$0x600]  }
0x143: {  	s17 =	sor.u32 s19, s29;
	v47 =	vld [tilespmem:s7+$0x610]  }
0x144: {  	s19 =	sshra.s32 s17, $0x2;
	s9 =	spop (v2sf);
	v43 =	vld [tilespmem:s7+$0x620]  }
0x145: {  	(v2sf) =	vpush v6, $0x7;
	s8 =	sadd.s32 s2, s19;
	s29 =	sshll.u32 s9, $0x8;
	s9 =	sand.u32 $0x1, s9;
	v33 =	vld [tilespmem:s7+$0x630]  }
0x146: {  	v55 =	vld [tilespmem:s8+$0x8600];
	s17 =	sand.u32 $0xFFFFFE00, s29;
	s9 =	sshll.u32 s9, $0x8  }
0x147: {  	v53 =	vld [tilespmem:s8+$0x8610];
	s9 =	sor.u32 s9, s17  }
0x148: {  	s19 =	spop (v2sf);
	v49 =	vld [tilespmem:s8+$0x8620];
	s9 =	sshra.s32 s9, $0x2  }
0x149: {  	(v2sf) =	vpush v5, $0x7;
	s29 =	sshll.u32 s19, $0x8;
	s19 =	sand.u32 $0x1, s19;
	v36 =	vld [tilespmem:s8+$0x8630];
	s7 =	sadd.s32 s2, s9  }
0x14a: {  	s29 =	sand.u32 $0xFFFFFE00, s29;
	s19 =	sshll.u32 s19, $0x8;
	v58 =	vld [tilespmem:s7+$0x680]  }
0x14b: {  	s17 =	sor.u32 s19, s29;
	v57 =	vld [tilespmem:s7+$0x690]  }
0x14c: {  	s19 =	sshra.s32 s17, $0x2;
	v45 =	vld [tilespmem:s7+$0x6A0];
	s9 =	spop (v2sf)  }
0x14d: {  	s8 =	sadd.s32 s2, s19;
	v34 =	vld [tilespmem:s7+$0x6B0];
	(v2sf) =	vpush v6, $0x8;
	s29 =	sshll.u32 s9, $0x8;
	s9 =	sand.u32 $0x1, s9  }
0x14e: {  	v60 =	vld [tilespmem:s8+$0x8680];
	s17 =	sand.u32 $0xFFFFFE00, s29;
	s9 =	sshll.u32 s9, $0x8  }
0x14f: {  	v59 =	vld [tilespmem:s8+$0x8690];
	s9 =	sor.u32 s9, s17  }
0x150: {  	v51 =	vld [tilespmem:s8+$0x86A0];
	s19 =	spop (v2sf);
	s9 =	sshra.s32 s9, $0x2  }
0x151: {  	v42 =	vld [tilespmem:s8+$0x86B0];
	(v2sf) =	vpush v5, $0x8;
	s29 =	sshll.u32 s19, $0x8;
	s19 =	sand.u32 $0x1, s19;
	s7 =	sadd.s32 s2, s9  }
0x152: {  	s29 =	sand.u32 $0xFFFFFE00, s29;
	s19 =	sshll.u32 s19, $0x8;
	v9 =	vld [tilespmem:s7+$0x700]  }
0x153: {  	s17 =	sor.u32 s19, s29;
	v7 =	vld [tilespmem:s7+$0x710]  }
0x154: {  	s19 =	sshra.s32 s17, $0x2;
	s9 =	spop (v2sf);
	v8 =	vld [tilespmem:s7+$0x720]  }
0x155: {  	v61 =	vmul.f32 v16, v13;
	(v2sf) =	vpush v6, $0x9;
	s8 =	sadd.s32 s2, s19;
	s29 =	sshll.u32 s9, $0x8;
	s9 =	sand.u32 $0x1, s9;
	v13 =	vld [tilespmem:s7+$0x730]  }
0x156: {  	v17 =	vmul.f32 v17, v14;
	v11 =	vld [tilespmem:s8+$0x8700];
	s17 =	sand.u32 $0xFFFFFE00, s29;
	s9 =	sshll.u32 s9, $0x8  }
0x157: {  	v18 =	vmul.f32 v18, v15;
	v10 =	vld [tilespmem:s8+$0x8710];
	s9 =	sor.u32 s9, s17  }
0x158: {  	v61 =	vmul.f32 v61, v0;
	v62 =	vmul.f32 v17, v1;
	s19 =	spop (v2sf);
	v12 =	vld [tilespmem:s8+$0x8720];
	s9 =	sshra.s32 s9, $0x2  }
0x159: {  	(v2sf) =	vpush v5, $0x9;
	s29 =	sshll.u32 s19, $0x8;
	s19 =	sand.u32 $0x1, s19;
	v16 =	vld [tilespmem:s8+$0x8730];
	s7 =	sadd.s32 s2, s9  }
0x15a: {  	v21 =	vmul.f32 v37, v21;
	v37 =	vadd.f32 v62, v61;
	v61 =	vmul.f32 v18, v2;
	s29 =	sand.u32 $0xFFFFFE00, s29;
	s19 =	sshll.u32 s19, $0x8;
	v14 =	vld [tilespmem:s7+$0x780]  }
0x15b: {  	v23 =	vmul.f32 v32, v23;
	v62 =	vmul.f32 v26, v19;
	s17 =	sor.u32 s19, s29;
	v15 =	vld [tilespmem:s7+$0x790]  }
0x15c: {  	v32 =	vmul.f32 v21, v3;
	v63 =	vmul.f32 v38, v20;
	s19 =	sshra.s32 s17, $0x2;
	v19 =	vld [tilespmem:s7+$0x7A0];
	s9 =	spop (v2sf)  }
0x15d: {  	v26 =	vmul.f32 v23, v0;
	v62 =	vmul.f32 v62, v1;
	(v2sf) =	vpush v6, $0xA;
	s8 =	sadd.s32 s2, s19;
	v21 =	vld [tilespmem:s7+$0x7B0];
	s29 =	sshll.u32 s9, $0x8;
	s9 =	sand.u32 $0x1, s9  }
0x15e: {  	v25 =	vmul.f32 v39, v25;
	v37 =	vadd.f32 v61, v37;
	v17 =	vld [tilespmem:s8+$0x8780];
	s17 =	sand.u32 $0xFFFFFE00, s29;
	s9 =	sshll.u32 s9, $0x8  }
0x15f: {  	v39 =	vmul.f32 v63, v2;
	v63 =	vadd.f32 v62, v26;
	v27 =	vmul.f32 v40, v27;
	v18 =	vld [tilespmem:s8+$0x8790];
	s9 =	sor.u32 s9, s17  }
0x160: {  	v40 =	vadd.f32 v32, v37;
	v24 =	vmul.f32 v35, v24;
	v61 =	vmul.f32 v44, v29;
	v20 =	vld [tilespmem:s8+$0x87A0];
	s19 =	spop (v2sf);
	s9 =	sshra.s32 s9, $0x2  }
0x161: {  	v32 =	vmul.f32 v25, v3;
	v37 =	vmul.f32 v27, v0;
	v23 =	vld [tilespmem:s8+$0x87B0];
	(v2sf) =	vpush v5, $0xA;
	s29 =	sshll.u32 s19, $0x8;
	s19 =	sand.u32 $0x1, s19;
	s7 =	sadd.s32 s2, s9  }
0x162: {  	v35 =	vadd.f32 v39, v63;
	v29 =	vmul.f32 v24, v1;
	v39 =	vmul.f32 v61, v2;
	s29 =	sand.u32 $0xFFFFFE00, s29;
	s19 =	sshll.u32 s19, $0x8;
	v25 =	vld [tilespmem:s7+$0x800]  }
0x163: {  	v62 =	vmul.f32 v56, v52;
	v63 =	vmul.f32 v54, v48;
	s17 =	sor.u32 s19, s29;
	v24 =	vld [tilespmem:s7+$0x810]  }
0x164: {  	v37 =	vadd.f32 v29, v37;
	v56 =	vmul.f32 v28, v22;
	v31 =	vmul.f32 v31, v30;
	s19 =	sshra.s32 s17, $0x2;
	s9 =	spop (v2sf);
	v22 =	vld [tilespmem:s7+$0x820]  }
0x165: {  	v38 =	vmul.f32 v62, v0;
	v62 =	vmul.f32 v46, v41;
	(v2sf) =	vpush v6, $0xB;
	s8 =	sadd.s32 s2, s19;
	s29 =	sshll.u32 s9, $0x8;
	s9 =	sand.u32 $0x1, s9;
	v29 =	vld [tilespmem:s7+$0x830]  }
0x166: {  	v52 =	vadd.f32 v32, v35;
	v61 =	vmul.f32 v63, v1;
	v63 =	vmul.f32 v56, v3;
	v26 =	vld [tilespmem:s8+$0x8800];
	s17 =	sand.u32 $0xFFFFFE00, s29;
	s9 =	sshll.u32 s9, $0x8  }
0x167: {  	v39 =	vadd.f32 v39, v37;
	v56 =	vmul.f32 v31, v3;
	v35 =	vmul.f32 v62, v2;
	v27 =	vld [tilespmem:s8+$0x8810];
	s9 =	sor.u32 s9, s17  }
0x168: {  	v38 =	vadd.f32 v61, v38;
	v50 =	vmul.f32 v55, v50;
	v53 =	vmul.f32 v53, v47;
	s19 =	spop (v2sf);
	v28 =	vld [tilespmem:s8+$0x8820];
	s9 =	sshra.s32 s9, $0x2  }
0x169: {  	v43 =	vmul.f32 v49, v43;
	v62 =	vmul.f32 v36, v33;
	(v2sf) =	vpush v5, $0xB;
	s29 =	sshll.u32 s19, $0x8;
	s19 =	sand.u32 $0x1, s19;
	v32 =	vld [tilespmem:s8+$0x8830];
	s7 =	sadd.s32 s2, s9  }
0x16a: {  	v38 =	vadd.f32 v35, v38;
	v54 =	vmul.f32 v50, v0;
	v55 =	vmul.f32 v53, v1;
	s29 =	sand.u32 $0xFFFFFE00, s29;
	s19 =	sshll.u32 s19, $0x8;
	v30 =	vld [tilespmem:s7+$0x880]  }
0x16b: {  	v63 =	vadd.f32 v63, v39;
	v60 =	vmul.f32 v60, v58;
	v61 =	vmul.f32 v59, v57;
	s17 =	sor.u32 s19, s29;
	v31 =	vld [tilespmem:s7+$0x890]  }
0x16c: {  	(xrf2) =	vadd.scan.msk.f32 $0xffff, v40;
	v44 =	vadd.f32 v55, v54;
	v54 =	vadd.f32 v56, v38;
	v53 =	vmul.f32 v51, v45;
	s19 =	sshra.s32 s17, $0x2;
	s9 =	spop (v2sf);
	v33 =	vld [tilespmem:s7+$0x8A0]  }
0x16d: {  	v47 =	vmul.f32 v60, v0;
	v50 =	vmul.f32 v61, v1;
	(v2sf) =	vpush v6, $0xC;
	s8 =	sadd.s32 s2, s19;
	s29 =	sshll.u32 s9, $0x8;
	s9 =	sand.u32 $0x1, s9;
	v38 =	vld [tilespmem:s7+$0x8B0]  }
0x16e: {  	(xrf2) =	vadd.scan.msk.f32 $0xffff, v52;
	v43 =	vmul.f32 v43, v2;
	v35 =	vld [tilespmem:s8+$0x8880];
	s17 =	sand.u32 $0xFFFFFE00, s29;
	s9 =	sshll.u32 s9, $0x8  }
0x16f: {  	(xrf2) =	vadd.scan.msk.f32 $0xffff, v63;
	v42 =	vmul.f32 v42, v34;
	v41 =	vmul.f32 v53, v2;
	v56 =	vadd.f32 v50, v47;
	v37 =	vld [tilespmem:s8+$0x8890];
	s9 =	sor.u32 s9, s17  }
0x170: {  	v55 =	vmul.f32 v62, v3;
	v43 =	vadd.f32 v43, v44;
	v36 =	vld [tilespmem:s8+$0x88A0];
	s9 =	sshra.s32 s9, $0x2;
	s19 =	spop (v2sf)  }
0x171: {  	v57 =	vmul.f32 v42, v3;
	v41 =	vadd.f32 v41, v56;
	(v2sf) =	vpush v5, $0xC;
	v39 =	vld [tilespmem:s8+$0x88B0];
	s7 =	sadd.s32 s2, s9;
	s29 =	sshll.u32 s19, $0x8;
	s19 =	sand.u32 $0x1, s19  }
0x172: {  	(xrf2) =	vadd.scan.msk.f32 $0xffff, v54;
	v43 =	vadd.f32 v55, v43;
	v34 =	vld [tilespmem:s7+$0x900];
	s29 =	sand.u32 $0xFFFFFE00, s29;
	s19 =	sshll.u32 s19, $0x8  }
0x173: {  	v44 =	vadd.f32 v57, v41;
	v40 =	vld [tilespmem:s7+$0x910];
	s17 =	sor.u32 s19, s29  }
0x174: {  	(xrf2) =	vadd.scan.msk.f32 $0xffff, v43;
	s9 =	spop (v2sf);
	v41 =	vld [tilespmem:s7+$0x920];
	s19 =	sshra.s32 s17, $0x2  }
0x175: {  	(xrf2) =	vadd.scan.msk.f32 $0xffff, v44;
	(v2sf) =	vpush v6, $0xD;
	v44 =	vld [tilespmem:s7+$0x930];
	s29 =	sshll.u32 s9, $0x8;
	s9 =	sand.u32 $0x1, s9;
	s8 =	sadd.s32 s2, s19  }
0x176: {  	v58, _, _ =	vpop (xrf2);
	s17 =	sand.u32 $0xFFFFFE00, s29;
	s9 =	sshll.u32 s9, $0x8;
	v42 =	vld [tilespmem:s8+$0x8900]  }
0x177: {  	v59 =	vbroadcast v58, $0xF;
	s9 =	sor.u32 s9, s17;
	v43 =	vld [tilespmem:s8+$0x8910]  }
0x178: {  	v60, _, _ =	vpop (xrf2);
	s19 =	spop (v2sf);
	v45 =	vld [tilespmem:s8+$0x8920];
	s9 =	sshra.s32 s9, $0x2  }
0x179: {  	v61 =	vnsel vm0, $0x0, v59;
	v50 =	vbroadcast v60, $0xF;
	v62, _, _ =	vpop (xrf2);
	(v2sf) =	vpush v5, $0xD;
	s29 =	sshll.u32 s19, $0x8;
	s19 =	sand.u32 $0x1, s19;
	v47 =	vld [tilespmem:s8+$0x8930];
	s7 =	sadd.s32 s2, s9  }
0x17a: {  	v51 =	vadd.f32 v61, v4;
	v52 =	vbroadcast v62, $0xF;
	s29 =	sand.u32 $0xFFFFFE00, s29;
	s19 =	sshll.u32 s19, $0x8;
	v46 =	vld [tilespmem:s7+$0x980]  }
0x17b: {  	v50 =	vnsel vm1, $0x0, v50;
	v11 =	vmul.f32 v11, v9;
	v10 =	vmul.f32 v10, v7;
	s17 =	sor.u32 s19, s29;
	v48 =	vld [tilespmem:s7+$0x990]  }
0x17c: {  	v50 =	vadd.f32 v50, v51;
	v8 =	vmul.f32 v12, v8;
	v13 =	vmul.f32 v16, v13;
	v63, _, _ =	vpop (xrf2);
	s9 =	spop (v2sf);
	v7 =	vld [tilespmem:s7+$0x9A0];
	s19 =	sshra.s32 s17, $0x2  }
0x17d: {  	v53 =	vbroadcast v63, $0xF;
	v14 =	vmul.f32 v17, v14;
	(v2sf) =	vpush v6, $0xE;
	s29 =	sshll.u32 s9, $0x8;
	s9 =	sand.u32 $0x1, s9;
	v17 =	vld [tilespmem:s7+$0x9B0];
	s8 =	sadd.s32 s2, s19  }
0x17e: {  	v55 =	vnsel vm2, $0x0, v52;
	v11 =	vmul.f32 v11, v0;
	v10 =	vmul.f32 v10, v1;
	s17 =	sand.u32 $0xFFFFFE00, s29;
	s9 =	sshll.u32 s9, $0x8;
	v49 =	vld [tilespmem:s8+$0x8980]  }
0x17f: {  	v50 =	vadd.f32 v55, v50;
	v8 =	vmul.f32 v8, v2;
	v13 =	vmul.f32 v13, v3;
	s9 =	sor.u32 s9, s17;
	v9 =	vld [tilespmem:s8+$0x8990]  }
0x180: {  	v57 =	vnsel vm3, $0x0, v53;
	v54, _, _ =	vpop (xrf2);
	v15 =	vmul.f32 v18, v15;
	v19 =	vmul.f32 v20, v19;
	s19 =	spop (v2sf);
	v16 =	vld [tilespmem:s8+$0x89A0];
	s9 =	sshra.s32 s9, $0x2  }
0x181: {  	v21 =	vmul.f32 v23, v21;
	v12 =	vbroadcast v54, $0xF;
	(v2sf) =	vpush v5, $0xE;
	s29 =	sshll.u32 s19, $0x8;
	s19 =	sand.u32 $0x1, s19;
	v20 =	vld [tilespmem:s8+$0x89B0];
	s7 =	sadd.s32 s2, s9  }
0x182: {  	v10 =	vadd.f32 v10, v11;
	v14 =	vmul.f32 v14, v0;
	v15 =	vmul.f32 v15, v1;
	s29 =	sand.u32 $0xFFFFFE00, s29;
	s19 =	sshll.u32 s19, $0x8;
	v23 =	vld [tilespmem:s7+$0xA00]  }
0x183: {  	v58 =	vmul.f32 v19, v2;
	v21 =	vmul.f32 v21, v3;
	v56, _, _ =	vpop (xrf2);
	(v2sf) =	vpush v6, $0xF;
	s17 =	sor.u32 s19, s29;
	v6 =	vld [tilespmem:s7+$0xA10]  }
0x184: {  	v8 =	vadd.f32 v8, v10;
	v18 =	vbroadcast v56, $0xF;
	v25 =	vmul.f32 v26, v25;
	v51 =	vld [tilespmem:s7+$0xA20];
	s19 =	sshra.s32 s17, $0x2;
	s9 =	spop (v2sf)  }
0x185: {  	v50 =	vadd.f32 v57, v50;
	v24 =	vmul.f32 v27, v24;
	v60 =	vmul.f32 v32, v29;
	v29 =	vld [tilespmem:s7+$0xA30];
	s8 =	sadd.s32 s2, s19;
	s29 =	sshll.u32 s9, $0x8;
	s9 =	sand.u32 $0x1, s9  }
0x186: {  	v8 =	vadd.f32 v13, v8;
	v59 =	vmul.f32 v28, v22;
	v61 =	vmul.f32 v25, v0;
	v26 =	vld [tilespmem:s8+$0x8A00];
	s17 =	sand.u32 $0xFFFFFE00, s29;
	s9 =	sshll.u32 s9, $0x8  }
0x187: {  	v14 =	vadd.f32 v15, v14;
	v24 =	vmul.f32 v24, v1;
	v62 =	vmul.f32 v35, v30;
	v27 =	vld [tilespmem:s8+$0x8A10];
	s9 =	sor.u32 s9, s17  }
0x188: {  	v31 =	vmul.f32 v37, v31;
	v63 =	vmul.f32 v36, v33;
	(v2sf) =	vpush v5, $0xF;
	v22 =	vld [tilespmem:s8+$0x8A20];
	s19 =	spop (v2sf);
	s9 =	sshra.s32 s9, $0x2  }
0x189: {  	v18 =	vnsel vm5, $0x0, v18;
	v52 =	vmul.f32 v39, v38;
	v53 =	vmul.f32 v62, v0;
	v30 =	vld [tilespmem:s8+$0x8A30];
	s29 =	sshll.u32 s19, $0x8;
	s19 =	sand.u32 $0x1, s19;
	s7 =	sadd.s32 s2, s9  }
0x18a: {  	v55 =	vmul.f32 v31, v1;
	v57 =	vmul.f32 v63, v2;
	v5 =	vnsel vm4, $0x0, v12;
	s29 =	sand.u32 $0xFFFFFE00, s29;
	s19 =	sshll.u32 s19, $0x8;
	v32 =	vld [tilespmem:s7+$0xA80]  }
0x18b: {  	v54 =	vmul.f32 v42, v34;
	v56 =	vmul.f32 v43, v40;
	v12 =	vadd.f32 v58, v14;
	v35 =	vld [tilespmem:s7+$0xA90];
	s17 =	sor.u32 s19, s29  }
0x18c: {  	v58 =	vmul.f32 v45, v41;
	v5 =	vadd.f32 v5, v50;
	v50 =	vmul.f32 v60, v3;
	s9 =	spop (v2sf);
	v36 =	vld [tilespmem:s7+$0xAA0];
	s19 =	sshra.s32 s17, $0x2  }
0x18d: {  	(xrf2) =	vadd.scan.msk.f32 $0xffff, v8;
	v11 =	vadd.f32 v24, v61;
	v60 =	vmul.f32 v47, v44;
	v61 =	vmul.f32 v54, v0;
	v38 =	vld [tilespmem:s7+$0xAB0];
	s29 =	sshll.u32 s9, $0x8;
	s9 =	sand.u32 $0x1, s9;
	s8 =	sadd.s32 s2, s19  }
0x18e: {  	v13 =	vadd.f32 v55, v53;
	v63 =	vmul.f32 v56, v1;
	v41 =	vmul.f32 v58, v2;
	s17 =	sand.u32 $0xFFFFFE00, s29;
	s9 =	sshll.u32 s9, $0x8;
	v33 =	vld [tilespmem:s8+$0x8A80]  }
0x18f: {  	v5 =	vadd.f32 v18, v5;
	v18 =	vmul.f32 v59, v2;
	v59 =	vmul.f32 v52, v3;
	s9 =	sor.u32 s9, s17;
	v34 =	vld [tilespmem:s8+$0x8A90]  }
0x190: {  	v13 =	vadd.f32 v57, v13;
	v43 =	vmul.f32 v60, v3;
	v62 =	vmul.f32 v49, v46;
	s19 =	spop (v2sf);
	v37 =	vld [tilespmem:s8+$0x8AA0];
	s9 =	sshra.s32 s9, $0x2  }
0x191: {  	v12 =	vadd.f32 v21, v12;
	v9 =	vmul.f32 v9, v48;
	v7 =	vmul.f32 v16, v7;
	s29 =	sshll.u32 s19, $0x8;
	s19 =	sand.u32 $0x1, s19;
	v39 =	vld [tilespmem:s8+$0x8AB0];
	s7 =	sadd.s32 s2, s9  }
0x192: {  	v11 =	vadd.f32 v18, v11;
	v17 =	vmul.f32 v20, v17;
	v45 =	vmul.f32 v62, v0;
	s29 =	sand.u32 $0xFFFFFE00, s29;
	s19 =	sshll.u32 s19, $0x8;
	v40 =	vld [tilespmem:s7+$0xB00]  }
0x193: {  	v18 =	vadd.f32 v63, v61;
	v9 =	vmul.f32 v9, v1;
	v46 =	vmul.f32 v26, v23;
	s17 =	sor.u32 s19, s29;
	v44 =	vld [tilespmem:s7+$0xB10]  }
0x194: {  	v13 =	vadd.f32 v59, v13;
	v7 =	vmul.f32 v7, v2;
	v6 =	vmul.f32 v27, v6;
	s9 =	spop (v2sf);
	v47 =	vld [tilespmem:s7+$0xB20];
	s19 =	sshra.s32 s17, $0x2  }
0x195: {  	(xrf2) =	vadd.scan.msk.f32 $0xffff, v12;
	v10 =	vadd.f32 v50, v11;
	v22 =	vmul.f32 v22, v51;
	v51 =	vmul.f32 v17, v3;
	s29 =	sshll.u32 s9, $0x8;
	s9 =	sand.u32 $0x1, s9;
	v48 =	vld [tilespmem:s7+$0xB30];
	s8 =	sadd.s32 s2, s19  }
0x196: {  	v50 =	vadd.f32 v41, v18;
	v52 =	vmul.f32 v30, v29;
	v54 =	vmul.f32 v46, v0;
	s17 =	sand.u32 $0xFFFFFE00, s29;
	s9 =	sshll.u32 s9, $0x8;
	v42 =	vld [tilespmem:s8+$0x8B00]  }
0x197: {  	v9 =	vadd.f32 v9, v45;
	v6 =	vmul.f32 v6, v1;
	v59 =	vmul.f32 v22, v2;
	v46, _, _ =	vpop (xrf2);
	s19 =	spop (v2sf);
	s7 =	sor.u32 s9, s17;
	v49 =	vld [tilespmem:s8+$0x8B10]  }
0x198: {  	v8 =	vadd.f32 v43, v50;
	v50 =	vbroadcast v46, $0xF;
	s29 =	sshll.u32 s19, $0x8;
	s19 =	sand.u32 $0x1, s19;
	v53 =	vld [tilespmem:s8+$0x8B20];
	s7 =	sshra.s32 s7, $0x2;
	v55 =	vmul.f32 v33, v32  }
0x199: {  	v6 =	vadd.f32 v6, v54;
	v56 =	vld [tilespmem:s8+$0x8B30];
	v57 =	vmul.f32 v34, v35;
	v60 =	vmul.f32 v37, v36;
	s9 =	sand.u32 $0xFFFFFE00, s29;
	s29 =	sshll.u32 s19, $0x8;
	s7 =	sadd.s32 s2, s7  }
0x19a: {  	v7 =	vadd.f32 v7, v9;
	v63 =	vmul.f32 v39, v38;
	v35 =	vmul.f32 v52, v3;
	s9 =	sor.u32 s29, s9;
	v58 =	vld [tilespmem:s7+$0xB80]  }
0x19b: {  	(xrf2) =	vadd.scan.msk.f32 $0xffff, v10;
	v6 =	vadd.f32 v59, v6;
	v62 =	vmul.f32 v55, v0;
	v30 =	vld [tilespmem:s7+$0xB90];
	v32 =	vmul.f32 v57, v1;
	s19 =	sshra.s32 s9, $0x2  }
0x19c: {  	(xrf2) =	vadd.scan.msk.f32 $0xffff, v13;
	v7 =	vadd.f32 v51, v7;
	v37 =	vld [tilespmem:s7+$0xBA0];
	v12 =	vmul.f32 v60, v2;
	v43 =	vmul.f32 v63, v3;
	s2 =	sadd.s32 s2, s19  }
0x19d: {  	(xrf2) =	vadd.scan.msk.f32 $0xffff, v8;
	v6 =	vadd.f32 v35, v6;
	v61 =	vld [tilespmem:s2+$0x8B80];
	v33 =	vmul.f32 v42, v40;
	v36 =	vmul.f32 v49, v44  }
0x19e: {  	(xrf2) =	vadd.scan.msk.f32 $0xffff, v7;
	v10 =	vadd.f32 v32, v62;
	v34 =	vld [tilespmem:s2+$0x8B90];
	v38 =	vmul.f32 v53, v47;
	v44 =	vmul.f32 v56, v48  }
0x19f: {  	v39 =	vld [tilespmem:s2+$0x8BA0];
	v53, _, _ =	vpop (xrf2);
	(xrf2) =	vadd.scan.msk.f32 $0xffff, v6;
	v6 =	vnsel vm6, $0x0, v50;
	v40 =	vmul.f32 v33, v0;
	v41 =	vmul.f32 v36, v1  }
0x1a0: {  	v45 =	vld [tilespmem:s7+$0xBB0];
	v42 =	vadd.f32 v12, v10;
	v5 =	vadd.f32 v6, v5;
	v6 =	vbroadcast v53, $0xF  }
0x1a1: {  	v48 =	vld [tilespmem:s2+$0x8BB0];
	v13 =	vmul.f32 v38, v2;
	v9 =	vadd.f32 v41, v40  }
0x1a2: {  	v51 =	vmul.f32 v44, v3;
	v7 =	vadd.f32 v43, v42;
	v6 =	vnsel vm7, $0x0, v6  }
0x1a3: {  	v47 =	vmul.f32 v61, v58;
	v49 =	vmul.f32 v34, v30;
	v9 =	vadd.f32 v13, v9  }
0x1a4: {  	v52 =	vmul.f32 v39, v37  }
0x1a5: {  	v55, _, _ =	vpop (xrf2);
	(xrf2) =	vadd.scan.msk.f32 $0xffff, v7;
	v54 =	vmul.f32 v47, v0;
	v8 =	vmul.f32 v49, v1;
	v9 =	vadd.f32 v51, v9  }
0x1a6: {  	v11 =	vbroadcast v55, $0xF;
	v5 =	vadd.f32 v6, v5;
	v56 =	vmul.f32 v48, v45;
	v6, _, _ =	vpop (xrf2)  }
0x1a7: {  	v57 =	vmul.f32 v52, v2;
	v6 =	vbroadcast v6, $0xF;
	v7 =	vadd.f32 v8, v54;
	(xrf2) =	vadd.scan.msk.f32 $0xffff, v9  }
0x1a8: {  	v58 =	vnsel vm8, $0x0, v11  }
0x1a9: {  	v8 =	vmul.f32 v56, v3;
	v6 =	vnsel vm9, $0x0, v6;
	v7 =	vadd.f32 v57, v7  }
0x1aa: {  	v5 =	vadd.f32 v58, v5;
	v59, _, _ =	vpop (xrf2)  }
0x1ab: {  	v60 =	vbroadcast v59, $0xF;
	v7 =	vadd.f32 v8, v7  }
0x1ac: {  	v5 =	vadd.f32 v6, v5;
	v6, _, _ =	vpop (xrf2)  }
0x1ad: {  	v6 =	vbroadcast v6, $0xF;
	v61, _, _ =	vpop (xrf2);
	(xrf2) =	vadd.scan.msk.f32 $0xffff, v7;
	v7 =	vnsel vm10, $0x0, v60  }
0x1ae: {  	v5 =	vadd.f32 v7, v5;
	v7 =	vbroadcast v61, $0xF  }
0x1af: {  	v6 =	vnsel vm11, $0x0, v6;
	v62, _, _ =	vpop (xrf2)  }
0x1b0: {  	v5 =	vadd.f32 v6, v5;
	v6 =	vnsel vm12, $0x0, v7;
	v7 =	vbroadcast v62, $0xF  }
0x1b1: {  	v63, _, _ =	vpop (xrf2)  }
0x1b2: {  	v5 =	vadd.f32 v6, v5;
	v6 =	vnsel vm13, $0x0, v7;
	v7 =	vbroadcast v63, $0xF;
	_ =	sdelay $0x1  }
0x1b3: {  	v5 =	vadd.f32 v6, v5;
	v6 =	vnsel vm14, $0x0, v7;
	_ =	sdelay $0x2  }
0x1b4: {  	v5 =	vadd.f32 v6, v5;
	v6, _, _ =	vpop (xrf2)  }
0x1b5: {  	v6 =	vsel vm15, $0x0, v6  }
0x1b6: {  	v5 =	vadd.f32 v6, v5;
	_ =	sdelay $0x1  }
0x1b7: {  	v5 =	vsub.f32 $0.0e+00, v5;
	_ =	sdelay $0x1  }
0x1b8: {  	v5 =	vmul.f32 $1.442695020e+00, v5;
	_ =	sdelay $0x1  }
0x1b9: {  	(erf) = vpow2.f32 v5;
	_ =	sdelay $0x8  }
0x1ba: {  	v5 =	vpop (erf)  }
0x1bb: {  	v5 =	vadd.f32 $1.000000000e+00, v5;
	_ =	sdelay $0x1  }
0x1bc: {  	(erf) = vrcp.f32 v5;
	_ =	sdelay $0x4  }
0x1bd: {  	p0 =	sne.s32 s1, $0x1E000  }
.Ltmp1:
0x1be: {  	_ = 	snop;
	(pc) =	sbr.rel @p0 .LBB2_4-.Ltmp1, $3  }
0x1bf: {  	_ =	sdelay $0x1  }
0x1c0: {  	s0 =	sadd.s32 $0x10, s0;
	s29 =	sand.u32 $0xF0, s31;
	v5 =	vpop (erf)  }
0x1c1: {  	s3 =	sadd.s32 $0x10, s3;
	s1 =	sadd.s32 $0x2000, s1;
	s31 =	sadd.s32 $0x10, s31;
	[tilespmem:s29+$0x10780] =	vst v5  }
0x1c2: {  	s30 =	sadd.s32 $0x1, s30  }
0x1c3: {  	p0 =	sne.s32 s30, s16  }
.Ltmp2:
0x1c4: {  	s0 =	simm.s32 $0x10680;
	(pc) =	sbr.rel @p0 .LBB2_1-.Ltmp2, $4  }
0x1c5: {  	[hbm4b:s15+s21] =	stream.strided.scatter [tilespmem:s0], [sflag:$0x2], $0x200, s22, s21, $0x38;
	[tilespmem:$0x10880] =	vst v63  }
0x1c6: {  	_ =	swait.ge [sflag:s18], $0x200  }
0x1c7: {  	[sflag:s18] =	ssyncset.done $0x0  }
0x1c8: {  	[sflag:s18] =	ssyncadd.s32 $0xFFFFFE00  }
0x1c9: {  	_ =	sfence.sel $0x180000  }
0x1ca: {  	[bflag:$0x0] =	sbarrier.arrive $0xFFFF  }
0x1cb: {  	_ =	strace $0x90000047  }
0x1cc: {  	s0 =	stileid.u32;
	[bflag:$0x2] =	sbarrier.arrive $0xFFFF  }
0x1cd: {  	p0 =	sne.s32 s0, $0x0;
	s0 =	rddreg [dreg:$0x8]  }
0x1ce: {  	s0 =	sadd.s32 @!p0 $0x100000, s0  }
0x1cf: {  	[sflag:s0] =	ssyncadd.tile.s32 @!p0 $0x1;
	_ =	shalt  }
.Lfunc_end2:
_tile_overlayer_lowered:
.L_overlay_start_2:
0x1d0: {  	(tag) =	ssettag $0x2  }
0x1d1: {  	s0 =	rddreg [dreg:$0x0];
	s2 =	stileid.u32  }
0x1d2: {  	s1 =	rddreg [dreg:$0x1];
	p0 =	sne.s32 s2, $0x0  }
0x1d3: {  	s3 =	rddreg [dreg:$0x2];
	[bflag:$0x3] =	sbarrier.arrive $0xFFFF;
	s2 =	simm.s32 @!p0 $0x1C02  }
0x1d4: {  	[timem:s3], [sflag:s2] =	dma.local @!p0 [hbm:s0], s1  }
0x1d5: {  	s0 =	simm.s32 @!p0 $0x2  }
0x1d6: {  	_ =	swait.ge @!p0 [sflag:s0], s1  }
0x1d7: {  	s1 =	ssub.s32 @!p0 $0x0, s1;
	[sflag:s0] =	ssyncset.done @!p0 $0x0  }
0x1d8: {  	[sflag:s0] =	ssyncadd.s32 @!p0 s1  }
0x1d9: {  	[bflag:$0x3] =	sbarrier.arrive $0xFFFF  }
0x1da: {  	_ =	shalt  }

</sc_bundles>
